<compile_context>
chip_gen: v7x
topology: tpu7x:2x2x1
jax: 0.10.2.dev20260603
libtpu: 0.0.44.dev20260713+nightly
codegen_flags: <defaults>
</compile_context>

<pallas_src>
import functools

import jax
import jax.numpy as jnp
from jax import lax
from jax.experimental import pallas as pl
from jax.experimental.pallas import tpu as pltpu
from jax.experimental.pallas import tpu_sc as plsc

N = 10000
E = 160000
D = 256
HALF = 128
NC = 2
NS = 16
ROWS_PER_TILE = N // NS
RCHUNK = 632
RLAST = N - (NS - 1) * RCHUNK
EDGES_PER_TILE_SC = E // NS
EB = 125
EDGES_PER_TILE_ALL = E // (NC * NS)
MBLK = 1000
GRID_M = N // MBLK

_mesh = plsc.VectorSubcoreMesh(core_axis_name="c", subcore_axis_name="s")



@functools.partial(
    pl.kernel,
    out_type=jax.ShapeDtypeStruct((NC * NS * N,), jnp.float32),
    mesh=_mesh,
    compiler_params=pltpu.CompilerParams(needs_layout_passes=False),
    scratch_types=[
        pltpu.VMEM((N,), jnp.float32),
        pltpu.VMEM((EDGES_PER_TILE_ALL + 16,), jnp.int32),
    ],
)
def _deg_kernel(col_hbm, out_hbm, hist, colbuf):
    c = lax.axis_index("c")
    s = lax.axis_index("s")
    wid = s * NC + c
    zeros16 = jnp.zeros((16,), jnp.float32)

    def zbody(j, carry):
        hist[pl.ds(j * 16, 16)] = zeros16
        return carry

    lax.fori_loop(0, N // 16, zbody, 0)
    pltpu.sync_copy(
        col_hbm.at[pl.ds(wid * EDGES_PER_TILE_ALL, EDGES_PER_TILE_ALL)],
        colbuf.at[pl.ds(0, EDGES_PER_TILE_ALL)],
    )
    ones16 = jnp.ones((16,), jnp.float32)
    lanes = lax.iota(jnp.int32, 16)
    nit = (EDGES_PER_TILE_ALL + 15) // 16

    def body(j, carry):
        idx = colbuf[pl.ds(j * 16, 16)]
        idx = jnp.minimum(jnp.maximum(idx, 0), N - 1)
        valid = lanes < (EDGES_PER_TILE_ALL - j * 16)
        vals = jnp.where(valid, ones16, 0.0)
        plsc.addupdate_scatter(hist, [idx], vals)
        return carry

    lax.fori_loop(0, nit, body, 0)
    pltpu.sync_copy(hist, out_hbm.at[pl.ds(wid * N, N)])


NB = EDGES_PER_TILE_SC // EB


@functools.partial(
    pl.kernel,
    out_type=(
        jax.ShapeDtypeStruct((N, HALF), jnp.float32),
        jax.ShapeDtypeStruct((N, HALF), jnp.float32),
    ),
    mesh=_mesh,
    compiler_params=pltpu.CompilerParams(needs_layout_passes=False),
    scratch_types=[
        pltpu.VMEM_SHARED((N, HALF), jnp.float32),
        pltpu.VMEM((NB, EB), jnp.int32),
        pltpu.VMEM((1, EB), jnp.int32),
        pltpu.VMEM((1, EB), jnp.int32),
        pltpu.VMEM((EB, HALF), jnp.float32),
        pltpu.VMEM((EB, HALF), jnp.float32),
        pltpu.SemaphoreType.DMA,
        pltpu.SemaphoreType.DMA,
        pltpu.SemaphoreType.DMA,
        pltpu.SemaphoreType.DMA,
    ],
)
def _prop_kernel(y0_hbm, y1_hbm, row_hbm, col_hbm, out0_hbm, out1_hbm,
                 accs, rowbuf, col0, col1, rows0, rows1,
                 sem0, sem1, csem0, csem1):
    c = lax.axis_index("c")
    s = lax.axis_index("s")

    def run(y_hbm, out_hbm):
        base = s * RCHUNK
        nsl_a = pl.ds(base, RLAST)
        nsl_b = pl.ds(base + RLAST, RCHUNK - RLAST)
        pltpu.sync_copy(row_hbm.at[s], rowbuf)
        pltpu.sync_copy(y_hbm.at[nsl_a], accs.at[nsl_a])
        pl.when(s < NS - 1)(
            lambda: pltpu.sync_copy(y_hbm.at[nsl_b], accs.at[nsl_b]))
        plsc.subcore_barrier()

        def start(j, buf, sem):
            pltpu.async_copy(y_hbm.at[rowbuf.at[j]], buf, sem)

        def finish(buf, sem):
            pltpu.make_async_copy(y_hbm.at[rowbuf.at[0]], buf, sem).wait()

        def cstart(j, cbuf, csem):
            pltpu.async_copy(col_hbm.at[s, j], cbuf, csem)

        def cfinish(cbuf, csem):
            pltpu.make_async_copy(col_hbm.at[0, 0], cbuf, csem).wait()

        start(0, rows0, sem0)
        start(1, rows1, sem1)
        cstart(0, col0, csem0)
        cstart(1, col1, csem1)

        def body(j, carry):
            def step(buf, sem, cbuf, csem):
                cfinish(cbuf, csem)
                finish(buf, sem)
                pltpu.sync_copy(buf, accs.at[cbuf.at[0]], add=True)
                @pl.when(j < NB - 2)
                def _():
                    start(j + 2, buf, sem)
                    cstart(j + 2, cbuf, csem)
            pl.when(j % 2 == 0)(lambda: step(rows0, sem0, col0, csem0))
            pl.when(j % 2 == 1)(lambda: step(rows1, sem1, col1, csem1))
            return carry

        lax.fori_loop(0, NB, body, 0)
        plsc.subcore_barrier()
        pltpu.sync_copy(accs.at[nsl_a], out_hbm.at[nsl_a])
        pl.when(s < NS - 1)(
            lambda: pltpu.sync_copy(accs.at[nsl_b], out_hbm.at[nsl_b]))

    pl.when(c == 0)(lambda: run(y0_hbm, out0_hbm))
    pl.when(c == 1)(lambda: run(y1_hbm, out1_hbm))


@functools.partial(
    pl.kernel,
    out_type=jax.ShapeDtypeStruct((NC * NS * N,), jnp.float32),
    mesh=_mesh,
    compiler_params=pltpu.CompilerParams(needs_layout_passes=False),
    scratch_types=[
        pltpu.VMEM((N,), jnp.float32),
        pltpu.VMEM((N,), jnp.float32),
        pltpu.VMEM((EDGES_PER_TILE_ALL + 16,), jnp.int32),
        pltpu.VMEM((EDGES_PER_TILE_ALL + 16,), jnp.int32),
    ],
)
def _prop1_kernel(y3_hbm, row_hbm, col_hbm, out_hbm, acc, y3v, rowbuf, colbuf):
    c = lax.axis_index("c")
    s = lax.axis_index("s")
    wid = s * NC + c
    pltpu.sync_copy(y3_hbm, y3v)
    zeros16 = jnp.zeros((16,), jnp.float32)

    def zbody(j, carry):
        acc[pl.ds(j * 16, 16)] = zeros16
        return carry

    lax.fori_loop(0, N // 16, zbody, 0)
    esl = pl.ds(wid * EDGES_PER_TILE_ALL, EDGES_PER_TILE_ALL)
    bsl = pl.ds(0, EDGES_PER_TILE_ALL)
    pltpu.sync_copy(row_hbm.at[esl], rowbuf.at[bsl])
    pltpu.sync_copy(col_hbm.at[esl], colbuf.at[bsl])
    lanes = lax.iota(jnp.int32, 16)
    nit = (EDGES_PER_TILE_ALL + 15) // 16

    def body(j, carry):
        ridx = jnp.minimum(jnp.maximum(rowbuf[pl.ds(j * 16, 16)], 0), N - 1)
        cidx = jnp.minimum(jnp.maximum(colbuf[pl.ds(j * 16, 16)], 0), N - 1)
        valid = lanes < (EDGES_PER_TILE_ALL - j * 16)
        vals = jnp.where(valid, plsc.load_gather(y3v, [ridx]), 0.0)
        plsc.addupdate_scatter(acc, [cidx], vals)
        return carry

    lax.fori_loop(0, nit, body, 0)
    pltpu.sync_copy(acc, out_hbm.at[pl.ds(wid * N, N)])



def _deg_reduce_body(p_ref, dis_ref):
    p = p_ref[...]
    ones = jnp.ones((p.shape[0], 1), jnp.float32)
    deg = lax.dot_general(p, ones, (((0,), (0,)), ((), ()))) + 1.0
    dis_ref[...] = lax.rsqrt(deg)


_deg_reduce = pl.pallas_call(
    _deg_reduce_body,
    out_shape=jax.ShapeDtypeStruct((N, 1), jnp.float32),
)


def _mm1_body(x_ref, w_ref, dis_ref, y0_ref, y1_ref):
    dis = dis_ref[...]
    y = jnp.dot(x_ref[...], w_ref[...],
                preferred_element_type=jnp.float32) * dis
    y0_ref[...] = y[:, :HALF]
    y1_ref[...] = y[:, HALF:]


_mm1 = pl.pallas_call(
    _mm1_body,
    grid=(GRID_M,),
    in_specs=[
        pl.BlockSpec((MBLK, D), lambda i: (i, 0)),
        pl.BlockSpec((D, D), lambda i: (0, 0)),
        pl.BlockSpec((MBLK, 1), lambda i: (i, 0)),
    ],
    out_specs=(
        pl.BlockSpec((MBLK, HALF), lambda i: (i, 0)),
        pl.BlockSpec((MBLK, HALF), lambda i: (i, 0)),
    ),
    out_shape=(
        jax.ShapeDtypeStruct((N, HALF), jnp.float32),
        jax.ShapeDtypeStruct((N, HALF), jnp.float32),
    ),
)


def _mm2_body(a0_ref, a1_ref, dis_ref, w_ref, b_ref, y0_ref, y1_ref):
    dis = dis_ref[...]
    b = b_ref[...]
    h0 = jax.nn.sigmoid(a0_ref[...] * dis + b[:, :HALF])
    h1 = jax.nn.sigmoid(a1_ref[...] * dis + b[:, HALF:])
    h = jnp.concatenate([h0, h1], axis=1)
    y = jnp.dot(h, w_ref[...], preferred_element_type=jnp.float32) * dis
    y0_ref[...] = y[:, :HALF]
    y1_ref[...] = y[:, HALF:]


_mm2 = pl.pallas_call(
    _mm2_body,
    grid=(GRID_M,),
    in_specs=[
        pl.BlockSpec((MBLK, HALF), lambda i: (i, 0)),
        pl.BlockSpec((MBLK, HALF), lambda i: (i, 0)),
        pl.BlockSpec((MBLK, 1), lambda i: (i, 0)),
        pl.BlockSpec((D, D), lambda i: (0, 0)),
        pl.BlockSpec((1, D), lambda i: (0, 0)),
    ],
    out_specs=(
        pl.BlockSpec((MBLK, HALF), lambda i: (i, 0)),
        pl.BlockSpec((MBLK, HALF), lambda i: (i, 0)),
    ),
    out_shape=(
        jax.ShapeDtypeStruct((N, HALF), jnp.float32),
        jax.ShapeDtypeStruct((N, HALF), jnp.float32),
    ),
)


def _mm3_body(a0_ref, a1_ref, dis_ref, w_ref, b_ref, y3_ref):
    dis = dis_ref[...]
    b = b_ref[...]
    h0 = jax.nn.sigmoid(a0_ref[...] * dis + b[:, :HALF])
    h1 = jax.nn.sigmoid(a1_ref[...] * dis + b[:, HALF:])
    h = jnp.concatenate([h0, h1], axis=1)
    y3_ref[...] = jnp.dot(h, w_ref[...],
                          preferred_element_type=jnp.float32) * dis


_mm3 = pl.pallas_call(
    _mm3_body,
    grid=(GRID_M,),
    in_specs=[
        pl.BlockSpec((MBLK, HALF), lambda i: (i, 0)),
        pl.BlockSpec((MBLK, HALF), lambda i: (i, 0)),
        pl.BlockSpec((MBLK, 1), lambda i: (i, 0)),
        pl.BlockSpec((D, 1), lambda i: (0, 0)),
        pl.BlockSpec((1, D), lambda i: (0, 0)),
    ],
    out_specs=pl.BlockSpec((MBLK, 1), lambda i: (i, 0)),
    out_shape=jax.ShapeDtypeStruct((N, 1), jnp.float32),
)


def _final_body(p_ref, y3_ref, dis_ref, b3_ref, w4_ref, b4_ref, w5_ref,
                b5_ref, out_ref):
    p = p_ref[...]
    ones = jnp.ones((p.shape[0], 1), jnp.float32)
    acc3 = lax.dot_general(p, ones, (((0,), (0,)), ((), ()))) + y3_ref[...]
    out3 = dis_ref[...] * acc3 + b3_ref[...]
    m = jnp.sum(out3) * (1.0 / N)
    r = (m * w4_ref[...] + b4_ref[...]) * w5_ref[...] + b5_ref[...]
    out_ref[...] = r


_final = pl.pallas_call(
    _final_body,
    out_shape=jax.ShapeDtypeStruct((1, 1), jnp.float32),
)



def kernel(node_features, edge_index, W1, b1, W2, b2, W3, b3, W4, b4, W5, b5):
    row = edge_index[0]
    col = edge_index[1]
    row3 = row.reshape(NS, NB, EB)
    col4 = col.reshape(NS, NB, 1, EB)
    partials = _deg_kernel(col).reshape(NC * NS, N)
    dis = _deg_reduce(partials)
    y10, y11 = _mm1(node_features, W1, dis)
    a10, a11 = _prop_kernel(y10, y11, row3, col4)
    y20, y21 = _mm2(a10, a11, dis, W2, b1.reshape(1, D))
    a20, a21 = _prop_kernel(y20, y21, row3, col4)
    y3 = _mm3(a20, a21, dis, W3, b2.reshape(1, D))
    p3 = _prop1_kernel(y3.reshape(N), row, col).reshape(NC * NS, N)
    out = _final(p3, y3, dis, b3.reshape(1, 1), W4, b4.reshape(1, 1),
                 W5, b5.reshape(1, 1))
    return out

# --- scband reference (transcript-rebuilt; emitter-appended) ---
"""Pipeline reference for scband-gcn-81492709475037 (READ-ONLY COPY).

The authoritative reference and input builder live on the scoring server;
editing this copy changes nothing except your own understanding.
"""

import jax, jax.numpy as jnp
import numpy as np

N = 10000
E = 160000
D = 256
H = 256
C = 1


def gcn_conv(x, edge_index, W, b):
    n = x.shape[0]
    x = x @ W
    row = edge_index[0]
    col = edge_index[1]
    # add self-loops (PyG GCNConv default: add_self_loops=True, edge_weight=1)
    loop = jnp.arange(n, dtype=edge_index.dtype)
    row = jnp.concatenate([row, loop])
    col = jnp.concatenate([col, loop])
    ew = jnp.ones(row.shape[0], dtype=x.dtype)
    deg = jnp.zeros(n, dtype=x.dtype).at[col].add(ew)
    deg_inv_sqrt = jnp.where(deg > 0, deg ** -0.5, 0.0)
    norm = deg_inv_sqrt[row] * ew * deg_inv_sqrt[col]
    msg = norm[:, None] * x[row]
    out = jnp.zeros_like(x).at[col].add(msg)
    return out + b


def setup_inputs(seed: int = 0) -> dict:
    key = jax.random.key(seed)
    ks = jax.random.split(key, 12)
    inp = {}
    inp["node_features"] = jax.random.normal(ks[0], (N, D), dtype=jnp.float32)
    inp["edge_index"] = jax.random.randint(ks[1], (2, E), 0, N, dtype=jnp.int32)
    inp["W1"] = jax.random.normal(ks[2], (D, H), dtype=jnp.float32) / jnp.sqrt(D)
    inp["b1"] = jnp.zeros((H,), dtype=jnp.float32)
    inp["W2"] = jax.random.normal(ks[3], (H, H), dtype=jnp.float32) / jnp.sqrt(H)
    inp["b2"] = jnp.zeros((H,), dtype=jnp.float32)
    inp["W3"] = jax.random.normal(ks[4], (H, C), dtype=jnp.float32) / jnp.sqrt(H)
    inp["b3"] = jnp.zeros((C,), dtype=jnp.float32)
    inp["W4"] = jax.random.normal(ks[5], (C, C), dtype=jnp.float32)
    inp["b4"] = jnp.zeros((C,), dtype=jnp.float32)
    inp["W5"] = jax.random.normal(ks[6], (1, 1), dtype=jnp.float32)
    inp["b5"] = jnp.zeros((1,), dtype=jnp.float32)
    return inp


def reference(node_features, edge_index, W1, b1, W2, b2, W3, b3, W4, b4, W5, b5):
    h = jax.nn.sigmoid(gcn_conv(node_features, edge_index, W1, b1))
    h = jax.nn.sigmoid(gcn_conv(h, edge_index, W2, b2))
    h = gcn_conv(h, edge_index, W3, b3)
    h = h @ W4 + b4  # nn.Linear(num_classes, num_classes)
    # batch defaults to all-zeros -> single graph; global_mean_pool == mean over nodes
    pooled = jnp.mean(h, axis=0, keepdims=True)  # [1, 1]
    out = pooled @ W5 + b5  # final_layer: nn.Linear(1, 1)
    return out

if __name__ == "__main__":
    import jax
    _d = setup_inputs()
    print(jax.jit(kernel)(*tuple(_d.values())))

</pallas_src>

<mosaic_0001>
#map = affine_map<(d0, d1) -> (0, 0)>
#map1 = affine_map<(d0, d1) -> (0, 0, 0)>
#map2 = affine_map<(d0, d1) -> (0, 0, 0, 0)>
module attributes {stable_mosaic.version = 14 : i64} {
  func.func @_prop_kernel(%arg0: i32, %arg1: i32, %arg2: memref<10000x128xf32, #tpu.memory_space<hbm>>, %arg3: memref<10000x128xf32, #tpu.memory_space<hbm>>, %arg4: memref<16x80x125xi32, #tpu.memory_space<hbm>>, %arg5: memref<16x80x1x125xi32, #tpu.memory_space<hbm>>, %arg6: memref<10000x128xf32, #tpu.memory_space<hbm>>, %arg7: memref<10000x128xf32, #tpu.memory_space<hbm>>, %arg8: memref<10000x128xf32, #tpu.memory_space<vmem_shared>>, %arg9: memref<80x125xi32, #tpu.memory_space<vmem>>, %arg10: memref<1x125xi32, #tpu.memory_space<vmem>>, %arg11: memref<1x125xi32, #tpu.memory_space<vmem>>, %arg12: memref<125x128xf32, #tpu.memory_space<vmem>>, %arg13: memref<125x128xf32, #tpu.memory_space<vmem>>, %arg14: memref<!tpu.dma_semaphore, #tpu.memory_space<semaphore_mem>>, %arg15: memref<!tpu.dma_semaphore, #tpu.memory_space<semaphore_mem>>, %arg16: memref<!tpu.dma_semaphore, #tpu.memory_space<semaphore_mem>>, %arg17: memref<!tpu.dma_semaphore, #tpu.memory_space<semaphore_mem>>) attributes {dimension_semantics = [#tpu.dimension_semantics<core_parallel>, #tpu.dimension_semantics<subcore_parallel>], iteration_bounds = array<i64: 2, 16>, scalar_prefetch = 0 : i64, scratch_operands = 10 : i64, tpu.core_type = #tpu.core_type<sc_vector_subcore>, window_params = [{transform_indices = #map}, {transform_indices = #map}, {transform_indices = #map1}, {transform_indices = #map2}, {transform_indices = #map}, {transform_indices = #map}]} {
    %eq3A = arith.constant 0 : i32
    %eq3A_0 = arith.cmpi eq, %arg0, %eq3A : i32
    %convert_element_type3A = arith.extui %eq3A_0 : i1 to i32
    %cond3A = arith.constant 0 : i32
    %cond3A_1 = arith.cmpi ne, %convert_element_type3A, %cond3A : i32
    scf.if %cond3A_1 {
      %mul3A = arith.constant 632 : i32
      %mul3A_7 = arith.muli %arg1, %mul3A : i32
      %add3A = arith.constant 520 : i32
      %add3A_8 = arith.addi %mul3A_7, %add3A : i32
      "tpu.region"() ({
        %run_scoped3A = tpu.sem_alloc : memref<!tpu.dma_semaphore, #tpu.memory_space<semaphore_mem>>
        %dma_start3A_55 = arith.constant 0 : i32
        %dma_start3A_56 = arith.constant 0 : i32
        %dma_start3A_57 = tpu.memref_slice %arg4[%arg1, %dma_start3A_55, %dma_start3A_56] : memref<16x80x125xi32, #tpu.memory_space<hbm>> -> memref<1x80x125xi32, #tpu.memory_space<hbm>>
        %dma_start3A_58 = tpu.memref_squeeze %dma_start3A_57 : memref<1x80x125xi32, #tpu.memory_space<hbm>> -> memref<80x125xi32, #tpu.memory_space<hbm>>
        %dma_start3A_59 = arith.constant 0 : i32
        %dma_start3A_60 = arith.constant 0 : i32
        %dma_start3A_61 = tpu.memref_slice %arg4[%arg1, %dma_start3A_59, %dma_start3A_60] : memref<16x80x125xi32, #tpu.memory_space<hbm>> -> memref<1x80x125xi32, #tpu.memory_space<hbm>>
        %dma_start3A_62 = tpu.memref_squeeze %dma_start3A_61 : memref<1x80x125xi32, #tpu.memory_space<hbm>> -> memref<80x125xi32, #tpu.memory_space<hbm>>
        tpu.enqueue_dma source(%dma_start3A_62 : memref<80x125xi32, #tpu.memory_space<hbm>>) target(%arg9 : memref<80x125xi32, #tpu.memory_space<vmem>>) target_semaphore(%run_scoped3A : memref<!tpu.dma_semaphore, #tpu.memory_space<semaphore_mem>>)
        %dma_wait3A = arith.constant 0 : i32
        %dma_wait3A_63 = arith.constant 0 : i32
        %dma_wait3A_64 = tpu.memref_slice %arg4[%arg1, %dma_wait3A, %dma_wait3A_63] : memref<16x80x125xi32, #tpu.memory_space<hbm>> -> memref<1x80x125xi32, #tpu.memory_space<hbm>>
        %dma_wait3A_65 = tpu.memref_squeeze %dma_wait3A_64 : memref<1x80x125xi32, #tpu.memory_space<hbm>> -> memref<80x125xi32, #tpu.memory_space<hbm>>
        %dma_wait3A_66 = arith.constant 0 : i32
        %dma_wait3A_67 = arith.constant 0 : i32
        %dma_wait3A_68 = tpu.memref_slice %arg4[%arg1, %dma_wait3A_66, %dma_wait3A_67] : memref<16x80x125xi32, #tpu.memory_space<hbm>> -> memref<1x80x125xi32, #tpu.memory_space<hbm>>
        %dma_wait3A_69 = tpu.memref_squeeze %dma_wait3A_68 : memref<1x80x125xi32, #tpu.memory_space<hbm>> -> memref<80x125xi32, #tpu.memory_space<hbm>>
        tpu.wait_dma2 semaphore(%run_scoped3A : memref<!tpu.dma_semaphore, #tpu.memory_space<semaphore_mem>>) src(%dma_wait3A_69 : memref<80x125xi32, #tpu.memory_space<hbm>>) dst(%arg9 : memref<80x125xi32, #tpu.memory_space<vmem>>)
        tpu.yield
      }) : () -> ()
      "tpu.region"() ({
        %run_scoped3A = tpu.sem_alloc : memref<!tpu.dma_semaphore, #tpu.memory_space<semaphore_mem>>
        %dma_start3A_55 = arith.constant 0 : i32
        %dma_start3A_56 = tpu.memref_slice %arg8[%mul3A_7, %dma_start3A_55] : memref<10000x128xf32, #tpu.memory_space<vmem_shared>> -> memref<520x128xf32, #tpu.memory_space<vmem_shared>>
        %dma_start3A_57 = arith.constant 0 : i32
        %dma_start3A_58 = tpu.memref_slice %arg2[%mul3A_7, %dma_start3A_57] : memref<10000x128xf32, #tpu.memory_space<hbm>> -> memref<520x128xf32, #tpu.memory_space<hbm>>
        tpu.enqueue_dma source(%dma_start3A_58 : memref<520x128xf32, #tpu.memory_space<hbm>>) target(%dma_start3A_56 : memref<520x128xf32, #tpu.memory_space<vmem_shared>>) target_semaphore(%run_scoped3A : memref<!tpu.dma_semaphore, #tpu.memory_space<semaphore_mem>>)
        %dma_wait3A = arith.constant 0 : i32
        %dma_wait3A_59 = tpu.memref_slice %arg8[%mul3A_7, %dma_wait3A] : memref<10000x128xf32, #tpu.memory_space<vmem_shared>> -> memref<520x128xf32, #tpu.memory_space<vmem_shared>>
        %dma_wait3A_60 = arith.constant 0 : i32
        %dma_wait3A_61 = tpu.memref_slice %arg2[%mul3A_7, %dma_wait3A_60] : memref<10000x128xf32, #tpu.memory_space<hbm>> -> memref<520x128xf32, #tpu.memory_space<hbm>>
        tpu.wait_dma2 semaphore(%run_scoped3A : memref<!tpu.dma_semaphore, #tpu.memory_space<semaphore_mem>>) src(%dma_wait3A_61 : memref<520x128xf32, #tpu.memory_space<hbm>>) dst(%dma_wait3A_59 : memref<520x128xf32, #tpu.memory_space<vmem_shared>>)
        tpu.yield
      }) : () -> ()
      %lt3A = arith.constant 15 : i32
      %lt3A_9 = arith.cmpi slt, %arg1, %lt3A : i32
      %convert_element_type3A_10 = arith.extui %lt3A_9 : i1 to i32
      %cond3A_11 = arith.constant 0 : i32
      %cond3A_12 = arith.cmpi ne, %convert_element_type3A_10, %cond3A_11 : i32
      scf.if %cond3A_12 {
        "tpu.region"() ({
          %run_scoped3A = tpu.sem_alloc : memref<!tpu.dma_semaphore, #tpu.memory_space<semaphore_mem>>
          %dma_start3A_55 = arith.constant 0 : i32
          %dma_start3A_56 = tpu.memref_slice %arg8[%add3A_8, %dma_start3A_55] : memref<10000x128xf32, #tpu.memory_space<vmem_shared>> -> memref<112x128xf32, #tpu.memory_space<vmem_shared>>
          %dma_start3A_57 = arith.constant 0 : i32
          %dma_start3A_58 = tpu.memref_slice %arg2[%add3A_8, %dma_start3A_57] : memref<10000x128xf32, #tpu.memory_space<hbm>> -> memref<112x128xf32, #tpu.memory_space<hbm>>
          tpu.enqueue_dma source(%dma_start3A_58 : memref<112x128xf32, #tpu.memory_space<hbm>>) target(%dma_start3A_56 : memref<112x128xf32, #tpu.memory_space<vmem_shared>>) target_semaphore(%run_scoped3A : memref<!tpu.dma_semaphore, #tpu.memory_space<semaphore_mem>>)
          %dma_wait3A = arith.constant 0 : i32
          %dma_wait3A_59 = tpu.memref_slice %arg8[%add3A_8, %dma_wait3A] : memref<10000x128xf32, #tpu.memory_space<vmem_shared>> -> memref<112x128xf32, #tpu.memory_space<vmem_shared>>
          %dma_wait3A_60 = arith.constant 0 : i32
          %dma_wait3A_61 = tpu.memref_slice %arg2[%add3A_8, %dma_wait3A_60] : memref<10000x128xf32, #tpu.memory_space<hbm>> -> memref<112x128xf32, #tpu.memory_space<hbm>>
          tpu.wait_dma2 semaphore(%run_scoped3A : memref<!tpu.dma_semaphore, #tpu.memory_space<semaphore_mem>>) src(%dma_wait3A_61 : memref<112x128xf32, #tpu.memory_space<hbm>>) dst(%dma_wait3A_59 : memref<112x128xf32, #tpu.memory_space<vmem_shared>>)
          tpu.yield
        }) : () -> ()
      } else {
      }
      %barrier3A = arith.constant 0 : index
      tpu.barrier barrier_id(%barrier3A)
      %dma_start3A = arith.constant 0 : i32
      %dma_start3A_13 = arith.constant 0 : i32
      %dma_start3A_14 = tpu.memref_slice %arg9[%dma_start3A, %dma_start3A_13] : memref<80x125xi32, #tpu.memory_space<vmem>> -> memref<1x125xi32, #tpu.memory_space<vmem>>
      %dma_start3A_15 = tpu.memref_squeeze %dma_start3A_14 : memref<1x125xi32, #tpu.memory_space<vmem>> -> memref<125xi32, #tpu.memory_space<vmem>>
      %dma_start3A_16 = arith.constant 0 : i32
      %dma_start3A_17 = arith.constant 0 : i32
      %dma_start3A_18 = tpu.memref_slice %arg2[%dma_start3A_16, %dma_start3A_17] : memref<10000x128xf32, #tpu.memory_space<hbm>> -> memref<10000x128xf32, #tpu.memory_space<hbm>>
      tpu.enqueue_indirect_dma source(%dma_start3A_18 : memref<10000x128xf32, #tpu.memory_space<hbm>>) target(%arg12 : memref<125x128xf32, #tpu.memory_space<vmem>>) offsets(%dma_start3A_15 : memref<125xi32, #tpu.memory_space<vmem>>) semaphore(%arg14 : memref<!tpu.dma_semaphore, #tpu.memory_space<semaphore_mem>>)
      %dma_start3A_19 = arith.constant 1 : i32
      %dma_start3A_20 = arith.constant 0 : i32
      %dma_start3A_21 = tpu.memref_slice %arg9[%dma_start3A_19, %dma_start3A_20] : memref<80x125xi32, #tpu.memory_space<vmem>> -> memref<1x125xi32, #tpu.memory_space<vmem>>
      %dma_start3A_22 = tpu.memref_squeeze %dma_start3A_21 : memref<1x125xi32, #tpu.memory_space<vmem>> -> memref<125xi32, #tpu.memory_space<vmem>>
      %dma_start3A_23 = arith.constant 0 : i32
      %dma_start3A_24 = arith.constant 0 : i32
      %dma_start3A_25 = tpu.memref_slice %arg2[%dma_start3A_23, %dma_start3A_24] : memref<10000x128xf32, #tpu.memory_space<hbm>> -> memref<10000x128xf32, #tpu.memory_space<hbm>>
      tpu.enqueue_indirect_dma source(%dma_start3A_25 : memref<10000x128xf32, #tpu.memory_space<hbm>>) target(%arg13 : memref<125x128xf32, #tpu.memory_space<vmem>>) offsets(%dma_start3A_22 : memref<125xi32, #tpu.memory_space<vmem>>) semaphore(%arg15 : memref<!tpu.dma_semaphore, #tpu.memory_space<semaphore_mem>>)
      %dma_start3A_26 = arith.constant 0 : i32
      %dma_start3A_27 = arith.constant 0 : i32
      %dma_start3A_28 = arith.constant 0 : i32
      %dma_start3A_29 = tpu.memref_slice %arg5[%arg1, %dma_start3A_26, %dma_start3A_27, %dma_start3A_28] : memref<16x80x1x125xi32, #tpu.memory_space<hbm>> -> memref<1x1x1x125xi32, #tpu.memory_space<hbm>>
      %dma_start3A_30 = tpu.memref_squeeze %dma_start3A_29 : memref<1x1x1x125xi32, #tpu.memory_space<hbm>> -> memref<1x125xi32, #tpu.memory_space<hbm>>
      %dma_start3A_31 = arith.constant 0 : i32
      %dma_start3A_32 = arith.constant 0 : i32
      %dma_start3A_33 = tpu.memref_slice %arg5[%arg1, %dma_start3A_26, %dma_start3A_31, %dma_start3A_32] : memref<16x80x1x125xi32, #tpu.memory_space<hbm>> -> memref<1x1x1x125xi32, #tpu.memory_space<hbm>>
      %dma_start3A_34 = tpu.memref_squeeze %dma_start3A_33 : memref<1x1x1x125xi32, #tpu.memory_space<hbm>> -> memref<1x125xi32, #tpu.memory_space<hbm>>
      tpu.enqueue_dma source(%dma_start3A_34 : memref<1x125xi32, #tpu.memory_space<hbm>>) target(%arg10 : memref<1x125xi32, #tpu.memory_space<vmem>>) target_semaphore(%arg16 : memref<!tpu.dma_semaphore, #tpu.memory_space<semaphore_mem>>)
      %dma_start3A_35 = arith.constant 1 : i32
      %dma_start3A_36 = arith.constant 0 : i32
      %dma_start3A_37 = arith.constant 0 : i32
      %dma_start3A_38 = tpu.memref_slice %arg5[%arg1, %dma_start3A_35, %dma_start3A_36, %dma_start3A_37] : memref<16x80x1x125xi32, #tpu.memory_space<hbm>> -> memref<1x1x1x125xi32, #tpu.memory_space<hbm>>
      %dma_start3A_39 = tpu.memref_squeeze %dma_start3A_38 : memref<1x1x1x125xi32, #tpu.memory_space<hbm>> -> memref<1x125xi32, #tpu.memory_space<hbm>>
      %dma_start3A_40 = arith.constant 0 : i32
      %dma_start3A_41 = arith.constant 0 : i32
      %dma_start3A_42 = tpu.memref_slice %arg5[%arg1, %dma_start3A_35, %dma_start3A_40, %dma_start3A_41] : memref<16x80x1x125xi32, #tpu.memory_space<hbm>> -> memref<1x1x1x125xi32, #tpu.memory_space<hbm>>
      %dma_start3A_43 = tpu.memref_squeeze %dma_start3A_42 : memref<1x1x1x125xi32, #tpu.memory_space<hbm>> -> memref<1x125xi32, #tpu.memory_space<hbm>>
      tpu.enqueue_dma source(%dma_start3A_43 : memref<1x125xi32, #tpu.memory_space<hbm>>) target(%arg11 : memref<1x125xi32, #tpu.memory_space<vmem>>) target_semaphore(%arg17 : memref<!tpu.dma_semaphore, #tpu.memory_space<semaphore_mem>>)
      %scan3A = arith.constant 0 : i32
      %scan3A_44 = arith.constant 0 : i32
      %scan3A_45 = arith.constant 80 : i32
      %scan3A_46 = arith.addi %scan3A_44, %scan3A_45 : i32
      %scan3A_47 = arith.constant 1 : i32
      scf.for %scan3A_55 = %scan3A_44 to %scan3A_46 step %scan3A_47  : i32 {
        %jit3A = arith.constant 2 : i32
        %eq3A_56 = arith.constant 0 : i32
        %eq3A_57 = arith.cmpi eq, %jit3A, %eq3A_56 : i32
        %jit3A_58 = arith.constant 1 : i32
        %select_n3A = arith.select %eq3A_57, %jit3A_58, %jit3A : i32
        %rem3A = arith.remsi %scan3A_55, %select_n3A : i32
        %ne3A = arith.constant 0 : i32
        %ne3A_59 = arith.cmpi ne, %rem3A, %ne3A : i32
        %lt3A_60 = arith.constant 0 : i32
        %lt3A_61 = arith.cmpi slt, %rem3A, %lt3A_60 : i32
        %lt3A_62 = arith.constant 0 : i32
        %lt3A_63 = arith.cmpi slt, %select_n3A, %lt3A_62 : i32
        %ne3A_64 = arith.xori %lt3A_61, %lt3A_63 : i1
        %and3A = arith.andi %ne3A_64, %ne3A_59 : i1
        %add3A_65 = arith.addi %rem3A, %select_n3A : i32
        %select_n3A_66 = arith.select %and3A, %add3A_65, %rem3A : i32
        %eq3A_67 = arith.constant 0 : i32
        %eq3A_68 = arith.cmpi eq, %select_n3A_66, %eq3A_67 : i32
        %convert_element_type3A_69 = arith.extui %eq3A_68 : i1 to i32
        %cond3A_70 = arith.constant 0 : i32
        %cond3A_71 = arith.cmpi ne, %convert_element_type3A_69, %cond3A_70 : i32
        scf.if %cond3A_71 {
          %dma_wait3A = arith.constant 0 : i32
          %dma_wait3A_93 = arith.constant 0 : i32
          %dma_wait3A_94 = arith.constant 0 : i32
          %dma_wait3A_95 = arith.constant 0 : i32
          %dma_wait3A_96 = tpu.memref_slice %arg5[%dma_wait3A, %dma_wait3A_93, %dma_wait3A_94, %dma_wait3A_95] : memref<16x80x1x125xi32, #tpu.memory_space<hbm>> -> memref<1x1x1x125xi32, #tpu.memory_space<hbm>>
          %dma_wait3A_97 = tpu.memref_squeeze %dma_wait3A_96 : memref<1x1x1x125xi32, #tpu.memory_space<hbm>> -> memref<1x125xi32, #tpu.memory_space<hbm>>
          %dma_wait3A_98 = arith.constant 0 : i32
          %dma_wait3A_99 = arith.constant 0 : i32
          %dma_wait3A_100 = tpu.memref_slice %arg5[%dma_wait3A, %dma_wait3A_93, %dma_wait3A_98, %dma_wait3A_99] : memref<16x80x1x125xi32, #tpu.memory_space<hbm>> -> memref<1x1x1x125xi32, #tpu.memory_space<hbm>>
          %dma_wait3A_101 = tpu.memref_squeeze %dma_wait3A_100 : memref<1x1x1x125xi32, #tpu.memory_space<hbm>> -> memref<1x125xi32, #tpu.memory_space<hbm>>
          tpu.wait_dma2 semaphore(%arg16 : memref<!tpu.dma_semaphore, #tpu.memory_space<semaphore_mem>>) src(%dma_wait3A_101 : memref<1x125xi32, #tpu.memory_space<hbm>>) dst(%arg10 : memref<1x125xi32, #tpu.memory_space<vmem>>)
          %dma_wait3A_102 = arith.constant 0 : i32
          %dma_wait3A_103 = arith.constant 0 : i32
          %dma_wait3A_104 = tpu.memref_slice %arg9[%dma_wait3A_102, %dma_wait3A_103] : memref<80x125xi32, #tpu.memory_space<vmem>> -> memref<1x125xi32, #tpu.memory_space<vmem>>
          %dma_wait3A_105 = tpu.memref_squeeze %dma_wait3A_104 : memref<1x125xi32, #tpu.memory_space<vmem>> -> memref<125xi32, #tpu.memory_space<vmem>>
          %dma_wait3A_106 = arith.constant 0 : i32
          %dma_wait3A_107 = arith.constant 0 : i32
          %dma_wait3A_108 = tpu.memref_slice %arg2[%dma_wait3A_106, %dma_wait3A_107] : memref<10000x128xf32, #tpu.memory_space<hbm>> -> memref<10000x128xf32, #tpu.memory_space<hbm>>
          tpu.wait_indirect_dma semaphore(%arg14 : memref<!tpu.dma_semaphore, #tpu.memory_space<semaphore_mem>>) src(%dma_wait3A_108 : memref<10000x128xf32, #tpu.memory_space<hbm>>) dst(%arg12 : memref<125x128xf32, #tpu.memory_space<vmem>>)
          %run_scoped3A = arith.constant 0 : i32
          "tpu.region"() ({
            %run_scoped3A_114 = tpu.sem_alloc : memref<!tpu.dma_semaphore, #tpu.memory_space<semaphore_mem>>
            %dma_start3A_115 = arith.constant 0 : i32
            %dma_start3A_116 = tpu.memref_slice %arg10[%run_scoped3A, %dma_start3A_115] : memref<1x125xi32, #tpu.memory_space<vmem>> -> memref<1x125xi32, #tpu.memory_space<vmem>>
            %dma_start3A_117 = tpu.memref_squeeze %dma_start3A_116 : memref<1x125xi32, #tpu.memory_space<vmem>> -> memref<125xi32, #tpu.memory_space<vmem>>
            %dma_start3A_118 = arith.constant 0 : i32
            %dma_start3A_119 = arith.constant 0 : i32
            %dma_start3A_120 = tpu.memref_slice %arg8[%dma_start3A_118, %dma_start3A_119] : memref<10000x128xf32, #tpu.memory_space<vmem_shared>> -> memref<10000x128xf32, #tpu.memory_space<vmem_shared>>
            tpu.enqueue_indirect_dma source(%arg12 : memref<125x128xf32, #tpu.memory_space<vmem>>) target(%dma_start3A_120 : memref<10000x128xf32, #tpu.memory_space<vmem_shared>>) offsets(%dma_start3A_117 : memref<125xi32, #tpu.memory_space<vmem>>) semaphore(%run_scoped3A_114 : memref<!tpu.dma_semaphore, #tpu.memory_space<semaphore_mem>>) {add = true}
            %dma_wait3A_121 = arith.constant 0 : i32
            %dma_wait3A_122 = tpu.memref_slice %arg10[%run_scoped3A, %dma_wait3A_121] : memref<1x125xi32, #tpu.memory_space<vmem>> -> memref<1x125xi32, #tpu.memory_space<vmem>>
            %dma_wait3A_123 = tpu.memref_squeeze %dma_wait3A_122 : memref<1x125xi32, #tpu.memory_space<vmem>> -> memref<125xi32, #tpu.memory_space<vmem>>
            %dma_wait3A_124 = arith.constant 0 : i32
            %dma_wait3A_125 = arith.constant 0 : i32
            %dma_wait3A_126 = tpu.memref_slice %arg8[%dma_wait3A_124, %dma_wait3A_125] : memref<10000x128xf32, #tpu.memory_space<vmem_shared>> -> memref<10000x128xf32, #tpu.memory_space<vmem_shared>>
            tpu.wait_indirect_dma semaphore(%run_scoped3A_114 : memref<!tpu.dma_semaphore, #tpu.memory_space<semaphore_mem>>) src(%arg12 : memref<125x128xf32, #tpu.memory_space<vmem>>) dst(%dma_wait3A_126 : memref<10000x128xf32, #tpu.memory_space<vmem_shared>>)
            tpu.yield
          }) : () -> ()
          %lt3A_109 = arith.constant 78 : i32
          %lt3A_110 = arith.cmpi slt, %scan3A_55, %lt3A_109 : i32
          %convert_element_type3A_111 = arith.extui %lt3A_110 : i1 to i32
          %cond3A_112 = arith.constant 0 : i32
          %cond3A_113 = arith.cmpi ne, %convert_element_type3A_111, %cond3A_112 : i32
          scf.if %cond3A_113 {
            %add3A_114 = arith.constant 2 : i32
            %add3A_115 = arith.addi %scan3A_55, %add3A_114 : i32
            %dma_start3A_116 = arith.constant 0 : i32
            %dma_start3A_117 = tpu.memref_slice %arg9[%add3A_115, %dma_start3A_116] : memref<80x125xi32, #tpu.memory_space<vmem>> -> memref<1x125xi32, #tpu.memory_space<vmem>>
            %dma_start3A_118 = tpu.memref_squeeze %dma_start3A_117 : memref<1x125xi32, #tpu.memory_space<vmem>> -> memref<125xi32, #tpu.memory_space<vmem>>
            %dma_start3A_119 = arith.constant 0 : i32
            %dma_start3A_120 = arith.constant 0 : i32
            %dma_start3A_121 = tpu.memref_slice %arg2[%dma_start3A_119, %dma_start3A_120] : memref<10000x128xf32, #tpu.memory_space<hbm>> -> memref<10000x128xf32, #tpu.memory_space<hbm>>
            tpu.enqueue_indirect_dma source(%dma_start3A_121 : memref<10000x128xf32, #tpu.memory_space<hbm>>) target(%arg12 : memref<125x128xf32, #tpu.memory_space<vmem>>) offsets(%dma_start3A_118 : memref<125xi32, #tpu.memory_space<vmem>>) semaphore(%arg14 : memref<!tpu.dma_semaphore, #tpu.memory_space<semaphore_mem>>)
            %add3A_122 = arith.constant 2 : i32
            %add3A_123 = arith.addi %scan3A_55, %add3A_122 : i32
            %dma_start3A_124 = arith.constant 0 : i32
            %dma_start3A_125 = arith.constant 0 : i32
            %dma_start3A_126 = tpu.memref_slice %arg5[%arg1, %add3A_123, %dma_start3A_124, %dma_start3A_125] : memref<16x80x1x125xi32, #tpu.memory_space<hbm>> -> memref<1x1x1x125xi32, #tpu.memory_space<hbm>>
            %dma_start3A_127 = tpu.memref_squeeze %dma_start3A_126 : memref<1x1x1x125xi32, #tpu.memory_space<hbm>> -> memref<1x125xi32, #tpu.memory_space<hbm>>
            %dma_start3A_128 = arith.constant 0 : i32
            %dma_start3A_129 = arith.constant 0 : i32
            %dma_start3A_130 = tpu.memref_slice %arg5[%arg1, %add3A_123, %dma_start3A_128, %dma_start3A_129] : memref<16x80x1x125xi32, #tpu.memory_space<hbm>> -> memref<1x1x1x125xi32, #tpu.memory_space<hbm>>
            %dma_start3A_131 = tpu.memref_squeeze %dma_start3A_130 : memref<1x1x1x125xi32, #tpu.memory_space<hbm>> -> memref<1x125xi32, #tpu.memory_space<hbm>>
            tpu.enqueue_dma source(%dma_start3A_131 : memref<1x125xi32, #tpu.memory_space<hbm>>) target(%arg10 : memref<1x125xi32, #tpu.memory_space<vmem>>) target_semaphore(%arg16 : memref<!tpu.dma_semaphore, #tpu.memory_space<semaphore_mem>>)
          } else {
          }
        } else {
        }
        %jit3A_72 = arith.constant 2 : i32
        %eq3A_73 = arith.constant 0 : i32
        %eq3A_74 = arith.cmpi eq, %jit3A_72, %eq3A_73 : i32
        %jit3A_75 = arith.constant 1 : i32
        %select_n3A_76 = arith.select %eq3A_74, %jit3A_75, %jit3A_72 : i32
        %rem3A_77 = arith.remsi %scan3A_55, %select_n3A_76 : i32
        %ne3A_78 = arith.constant 0 : i32
        %ne3A_79 = arith.cmpi ne, %rem3A_77, %ne3A_78 : i32
        %lt3A_80 = arith.constant 0 : i32
        %lt3A_81 = arith.cmpi slt, %rem3A_77, %lt3A_80 : i32
        %lt3A_82 = arith.constant 0 : i32
        %lt3A_83 = arith.cmpi slt, %select_n3A_76, %lt3A_82 : i32
        %ne3A_84 = arith.xori %lt3A_81, %lt3A_83 : i1
        %and3A_85 = arith.andi %ne3A_84, %ne3A_79 : i1
        %add3A_86 = arith.addi %rem3A_77, %select_n3A_76 : i32
        %select_n3A_87 = arith.select %and3A_85, %add3A_86, %rem3A_77 : i32
        %eq3A_88 = arith.constant 1 : i32
        %eq3A_89 = arith.cmpi eq, %select_n3A_87, %eq3A_88 : i32
        %convert_element_type3A_90 = arith.extui %eq3A_89 : i1 to i32
        %cond3A_91 = arith.constant 0 : i32
        %cond3A_92 = arith.cmpi ne, %convert_element_type3A_90, %cond3A_91 : i32
        scf.if %cond3A_92 {
          %dma_wait3A = arith.constant 0 : i32
          %dma_wait3A_93 = arith.constant 0 : i32
          %dma_wait3A_94 = arith.constant 0 : i32
          %dma_wait3A_95 = arith.constant 0 : i32
          %dma_wait3A_96 = tpu.memref_slice %arg5[%dma_wait3A, %dma_wait3A_93, %dma_wait3A_94, %dma_wait3A_95] : memref<16x80x1x125xi32, #tpu.memory_space<hbm>> -> memref<1x1x1x125xi32, #tpu.memory_space<hbm>>
          %dma_wait3A_97 = tpu.memref_squeeze %dma_wait3A_96 : memref<1x1x1x125xi32, #tpu.memory_space<hbm>> -> memref<1x125xi32, #tpu.memory_space<hbm>>
          %dma_wait3A_98 = arith.constant 0 : i32
          %dma_wait3A_99 = arith.constant 0 : i32
          %dma_wait3A_100 = tpu.memref_slice %arg5[%dma_wait3A, %dma_wait3A_93, %dma_wait3A_98, %dma_wait3A_99] : memref<16x80x1x125xi32, #tpu.memory_space<hbm>> -> memref<1x1x1x125xi32, #tpu.memory_space<hbm>>
          %dma_wait3A_101 = tpu.memref_squeeze %dma_wait3A_100 : memref<1x1x1x125xi32, #tpu.memory_space<hbm>> -> memref<1x125xi32, #tpu.memory_space<hbm>>
          tpu.wait_dma2 semaphore(%arg17 : memref<!tpu.dma_semaphore, #tpu.memory_space<semaphore_mem>>) src(%dma_wait3A_101 : memref<1x125xi32, #tpu.memory_space<hbm>>) dst(%arg11 : memref<1x125xi32, #tpu.memory_space<vmem>>)
          %dma_wait3A_102 = arith.constant 0 : i32
          %dma_wait3A_103 = arith.constant 0 : i32
          %dma_wait3A_104 = tpu.memref_slice %arg9[%dma_wait3A_102, %dma_wait3A_103] : memref<80x125xi32, #tpu.memory_space<vmem>> -> memref<1x125xi32, #tpu.memory_space<vmem>>
          %dma_wait3A_105 = tpu.memref_squeeze %dma_wait3A_104 : memref<1x125xi32, #tpu.memory_space<vmem>> -> memref<125xi32, #tpu.memory_space<vmem>>
          %dma_wait3A_106 = arith.constant 0 : i32
          %dma_wait3A_107 = arith.constant 0 : i32
          %dma_wait3A_108 = tpu.memref_slice %arg2[%dma_wait3A_106, %dma_wait3A_107] : memref<10000x128xf32, #tpu.memory_space<hbm>> -> memref<10000x128xf32, #tpu.memory_space<hbm>>
          tpu.wait_indirect_dma semaphore(%arg15 : memref<!tpu.dma_semaphore, #tpu.memory_space<semaphore_mem>>) src(%dma_wait3A_108 : memref<10000x128xf32, #tpu.memory_space<hbm>>) dst(%arg13 : memref<125x128xf32, #tpu.memory_space<vmem>>)
          %run_scoped3A = arith.constant 0 : i32
          "tpu.region"() ({
            %run_scoped3A_114 = tpu.sem_alloc : memref<!tpu.dma_semaphore, #tpu.memory_space<semaphore_mem>>
            %dma_start3A_115 = arith.constant 0 : i32
            %dma_start3A_116 = tpu.memref_slice %arg11[%run_scoped3A, %dma_start3A_115] : memref<1x125xi32, #tpu.memory_space<vmem>> -> memref<1x125xi32, #tpu.memory_space<vmem>>
            %dma_start3A_117 = tpu.memref_squeeze %dma_start3A_116 : memref<1x125xi32, #tpu.memory_space<vmem>> -> memref<125xi32, #tpu.memory_space<vmem>>
            %dma_start3A_118 = arith.constant 0 : i32
            %dma_start3A_119 = arith.constant 0 : i32
            %dma_start3A_120 = tpu.memref_slice %arg8[%dma_start3A_118, %dma_start3A_119] : memref<10000x128xf32, #tpu.memory_space<vmem_shared>> -> memref<10000x128xf32, #tpu.memory_space<vmem_shared>>
            tpu.enqueue_indirect_dma source(%arg13 : memref<125x128xf32, #tpu.memory_space<vmem>>) target(%dma_start3A_120 : memref<10000x128xf32, #tpu.memory_space<vmem_shared>>) offsets(%dma_start3A_117 : memref<125xi32, #tpu.memory_space<vmem>>) semaphore(%run_scoped3A_114 : memref<!tpu.dma_semaphore, #tpu.memory_space<semaphore_mem>>) {add = true}
            %dma_wait3A_121 = arith.constant 0 : i32
            %dma_wait3A_122 = tpu.memref_slice %arg11[%run_scoped3A, %dma_wait3A_121] : memref<1x125xi32, #tpu.memory_space<vmem>> -> memref<1x125xi32, #tpu.memory_space<vmem>>
            %dma_wait3A_123 = tpu.memref_squeeze %dma_wait3A_122 : memref<1x125xi32, #tpu.memory_space<vmem>> -> memref<125xi32, #tpu.memory_space<vmem>>
            %dma_wait3A_124 = arith.constant 0 : i32
            %dma_wait3A_125 = arith.constant 0 : i32
            %dma_wait3A_126 = tpu.memref_slice %arg8[%dma_wait3A_124, %dma_wait3A_125] : memref<10000x128xf32, #tpu.memory_space<vmem_shared>> -> memref<10000x128xf32, #tpu.memory_space<vmem_shared>>
            tpu.wait_indirect_dma semaphore(%run_scoped3A_114 : memref<!tpu.dma_semaphore, #tpu.memory_space<semaphore_mem>>) src(%arg13 : memref<125x128xf32, #tpu.memory_space<vmem>>) dst(%dma_wait3A_126 : memref<10000x128xf32, #tpu.memory_space<vmem_shared>>)
            tpu.yield
          }) : () -> ()
          %lt3A_109 = arith.constant 78 : i32
          %lt3A_110 = arith.cmpi slt, %scan3A_55, %lt3A_109 : i32
          %convert_element_type3A_111 = arith.extui %lt3A_110 : i1 to i32
          %cond3A_112 = arith.constant 0 : i32
          %cond3A_113 = arith.cmpi ne, %convert_element_type3A_111, %cond3A_112 : i32
          scf.if %cond3A_113 {
            %add3A_114 = arith.constant 2 : i32
            %add3A_115 = arith.addi %scan3A_55, %add3A_114 : i32
            %dma_start3A_116 = arith.constant 0 : i32
            %dma_start3A_117 = tpu.memref_slice %arg9[%add3A_115, %dma_start3A_116] : memref<80x125xi32, #tpu.memory_space<vmem>> -> memref<1x125xi32, #tpu.memory_space<vmem>>
            %dma_start3A_118 = tpu.memref_squeeze %dma_start3A_117 : memref<1x125xi32, #tpu.memory_space<vmem>> -> memref<125xi32, #tpu.memory_space<vmem>>
            %dma_start3A_119 = arith.constant 0 : i32
            %dma_start3A_120 = arith.constant 0 : i32
            %dma_start3A_121 = tpu.memref_slice %arg2[%dma_start3A_119, %dma_start3A_120] : memref<10000x128xf32, #tpu.memory_space<hbm>> -> memref<10000x128xf32, #tpu.memory_space<hbm>>
            tpu.enqueue_indirect_dma source(%dma_start3A_121 : memref<10000x128xf32, #tpu.memory_space<hbm>>) target(%arg13 : memref<125x128xf32, #tpu.memory_space<vmem>>) offsets(%dma_start3A_118 : memref<125xi32, #tpu.memory_space<vmem>>) semaphore(%arg15 : memref<!tpu.dma_semaphore, #tpu.memory_space<semaphore_mem>>)
            %add3A_122 = arith.constant 2 : i32
            %add3A_123 = arith.addi %scan3A_55, %add3A_122 : i32
            %dma_start3A_124 = arith.constant 0 : i32
            %dma_start3A_125 = arith.constant 0 : i32
            %dma_start3A_126 = tpu.memref_slice %arg5[%arg1, %add3A_123, %dma_start3A_124, %dma_start3A_125] : memref<16x80x1x125xi32, #tpu.memory_space<hbm>> -> memref<1x1x1x125xi32, #tpu.memory_space<hbm>>
            %dma_start3A_127 = tpu.memref_squeeze %dma_start3A_126 : memref<1x1x1x125xi32, #tpu.memory_space<hbm>> -> memref<1x125xi32, #tpu.memory_space<hbm>>
            %dma_start3A_128 = arith.constant 0 : i32
            %dma_start3A_129 = arith.constant 0 : i32
            %dma_start3A_130 = tpu.memref_slice %arg5[%arg1, %add3A_123, %dma_start3A_128, %dma_start3A_129] : memref<16x80x1x125xi32, #tpu.memory_space<hbm>> -> memref<1x1x1x125xi32, #tpu.memory_space<hbm>>
            %dma_start3A_131 = tpu.memref_squeeze %dma_start3A_130 : memref<1x1x1x125xi32, #tpu.memory_space<hbm>> -> memref<1x125xi32, #tpu.memory_space<hbm>>
            tpu.enqueue_dma source(%dma_start3A_131 : memref<1x125xi32, #tpu.memory_space<hbm>>) target(%arg11 : memref<1x125xi32, #tpu.memory_space<vmem>>) target_semaphore(%arg17 : memref<!tpu.dma_semaphore, #tpu.memory_space<semaphore_mem>>)
          } else {
          }
        } else {
        }
      }
      %scan3A_48 = arith.constant 80 : i32
      %barrier3A_49 = arith.constant 0 : index
      tpu.barrier barrier_id(%barrier3A_49)
      "tpu.region"() ({
        %run_scoped3A = tpu.sem_alloc : memref<!tpu.dma_semaphore, #tpu.memory_space<semaphore_mem>>
        %dma_start3A_55 = arith.constant 0 : i32
        %dma_start3A_56 = tpu.memref_slice %arg6[%mul3A_7, %dma_start3A_55] : memref<10000x128xf32, #tpu.memory_space<hbm>> -> memref<520x128xf32, #tpu.memory_space<hbm>>
        %dma_start3A_57 = arith.constant 0 : i32
        %dma_start3A_58 = tpu.memref_slice %arg8[%mul3A_7, %dma_start3A_57] : memref<10000x128xf32, #tpu.memory_space<vmem_shared>> -> memref<520x128xf32, #tpu.memory_space<vmem_shared>>
        tpu.enqueue_dma source(%dma_start3A_58 : memref<520x128xf32, #tpu.memory_space<vmem_shared>>) target(%dma_start3A_56 : memref<520x128xf32, #tpu.memory_space<hbm>>) target_semaphore(%run_scoped3A : memref<!tpu.dma_semaphore, #tpu.memory_space<semaphore_mem>>)
        %dma_wait3A = arith.constant 0 : i32
        %dma_wait3A_59 = tpu.memref_slice %arg6[%mul3A_7, %dma_wait3A] : memref<10000x128xf32, #tpu.memory_space<hbm>> -> memref<520x128xf32, #tpu.memory_space<hbm>>
        %dma_wait3A_60 = arith.constant 0 : i32
        %dma_wait3A_61 = tpu.memref_slice %arg8[%mul3A_7, %dma_wait3A_60] : memref<10000x128xf32, #tpu.memory_space<vmem_shared>> -> memref<520x128xf32, #tpu.memory_space<vmem_shared>>
        tpu.wait_dma2 semaphore(%run_scoped3A : memref<!tpu.dma_semaphore, #tpu.memory_space<semaphore_mem>>) src(%dma_wait3A_61 : memref<520x128xf32, #tpu.memory_space<vmem_shared>>) dst(%dma_wait3A_59 : memref<520x128xf32, #tpu.memory_space<hbm>>)
        tpu.yield
      }) : () -> ()
      %lt3A_50 = arith.constant 15 : i32
      %lt3A_51 = arith.cmpi slt, %arg1, %lt3A_50 : i32
      %convert_element_type3A_52 = arith.extui %lt3A_51 : i1 to i32
      %cond3A_53 = arith.constant 0 : i32
      %cond3A_54 = arith.cmpi ne, %convert_element_type3A_52, %cond3A_53 : i32
      scf.if %cond3A_54 {
        "tpu.region"() ({
          %run_scoped3A = tpu.sem_alloc : memref<!tpu.dma_semaphore, #tpu.memory_space<semaphore_mem>>
          %dma_start3A_55 = arith.constant 0 : i32
          %dma_start3A_56 = tpu.memref_slice %arg6[%add3A_8, %dma_start3A_55] : memref<10000x128xf32, #tpu.memory_space<hbm>> -> memref<112x128xf32, #tpu.memory_space<hbm>>
          %dma_start3A_57 = arith.constant 0 : i32
          %dma_start3A_58 = tpu.memref_slice %arg8[%add3A_8, %dma_start3A_57] : memref<10000x128xf32, #tpu.memory_space<vmem_shared>> -> memref<112x128xf32, #tpu.memory_space<vmem_shared>>
          tpu.enqueue_dma source(%dma_start3A_58 : memref<112x128xf32, #tpu.memory_space<vmem_shared>>) target(%dma_start3A_56 : memref<112x128xf32, #tpu.memory_space<hbm>>) target_semaphore(%run_scoped3A : memref<!tpu.dma_semaphore, #tpu.memory_space<semaphore_mem>>)
          %dma_wait3A = arith.constant 0 : i32
          %dma_wait3A_59 = tpu.memref_slice %arg6[%add3A_8, %dma_wait3A] : memref<10000x128xf32, #tpu.memory_space<hbm>> -> memref<112x128xf32, #tpu.memory_space<hbm>>
          %dma_wait3A_60 = arith.constant 0 : i32
          %dma_wait3A_61 = tpu.memref_slice %arg8[%add3A_8, %dma_wait3A_60] : memref<10000x128xf32, #tpu.memory_space<vmem_shared>> -> memref<112x128xf32, #tpu.memory_space<vmem_shared>>
          tpu.wait_dma2 semaphore(%run_scoped3A : memref<!tpu.dma_semaphore, #tpu.memory_space<semaphore_mem>>) src(%dma_wait3A_61 : memref<112x128xf32, #tpu.memory_space<vmem_shared>>) dst(%dma_wait3A_59 : memref<112x128xf32, #tpu.memory_space<hbm>>)
          tpu.yield
        }) : () -> ()
      } else {
      }
    } else {
    }
    %eq3A_2 = arith.constant 1 : i32
    %eq3A_3 = arith.cmpi eq, %arg0, %eq3A_2 : i32
    %convert_element_type3A_4 = arith.extui %eq3A_3 : i1 to i32
    %cond3A_5 = arith.constant 0 : i32
    %cond3A_6 = arith.cmpi ne, %convert_element_type3A_4, %cond3A_5 : i32
    scf.if %cond3A_6 {
      %mul3A = arith.constant 632 : i32
      %mul3A_7 = arith.muli %arg1, %mul3A : i32
      %add3A = arith.constant 520 : i32
      %add3A_8 = arith.addi %mul3A_7, %add3A : i32
      "tpu.region"() ({
        %run_scoped3A = tpu.sem_alloc : memref<!tpu.dma_semaphore, #tpu.memory_space<semaphore_mem>>
        %dma_start3A_55 = arith.constant 0 : i32
        %dma_start3A_56 = arith.constant 0 : i32
        %dma_start3A_57 = tpu.memref_slice %arg4[%arg1, %dma_start3A_55, %dma_start3A_56] : memref<16x80x125xi32, #tpu.memory_space<hbm>> -> memref<1x80x125xi32, #tpu.memory_space<hbm>>
        %dma_start3A_58 = tpu.memref_squeeze %dma_start3A_57 : memref<1x80x125xi32, #tpu.memory_space<hbm>> -> memref<80x125xi32, #tpu.memory_space<hbm>>
        %dma_start3A_59 = arith.constant 0 : i32
        %dma_start3A_60 = arith.constant 0 : i32
        %dma_start3A_61 = tpu.memref_slice %arg4[%arg1, %dma_start3A_59, %dma_start3A_60] : memref<16x80x125xi32, #tpu.memory_space<hbm>> -> memref<1x80x125xi32, #tpu.memory_space<hbm>>
        %dma_start3A_62 = tpu.memref_squeeze %dma_start3A_61 : memref<1x80x125xi32, #tpu.memory_space<hbm>> -> memref<80x125xi32, #tpu.memory_space<hbm>>
        tpu.enqueue_dma source(%dma_start3A_62 : memref<80x125xi32, #tpu.memory_space<hbm>>) target(%arg9 : memref<80x125xi32, #tpu.memory_space<vmem>>) target_semaphore(%run_scoped3A : memref<!tpu.dma_semaphore, #tpu.memory_space<semaphore_mem>>)
        %dma_wait3A = arith.constant 0 : i32
        %dma_wait3A_63 = arith.constant 0 : i32
        %dma_wait3A_64 = tpu.memref_slice %arg4[%arg1, %dma_wait3A, %dma_wait3A_63] : memref<16x80x125xi32, #tpu.memory_space<hbm>> -> memref<1x80x125xi32, #tpu.memory_space<hbm>>
        %dma_wait3A_65 = tpu.memref_squeeze %dma_wait3A_64 : memref<1x80x125xi32, #tpu.memory_space<hbm>> -> memref<80x125xi32, #tpu.memory_space<hbm>>
        %dma_wait3A_66 = arith.constant 0 : i32
        %dma_wait3A_67 = arith.constant 0 : i32
        %dma_wait3A_68 = tpu.memref_slice %arg4[%arg1, %dma_wait3A_66, %dma_wait3A_67] : memref<16x80x125xi32, #tpu.memory_space<hbm>> -> memref<1x80x125xi32, #tpu.memory_space<hbm>>
        %dma_wait3A_69 = tpu.memref_squeeze %dma_wait3A_68 : memref<1x80x125xi32, #tpu.memory_space<hbm>> -> memref<80x125xi32, #tpu.memory_space<hbm>>
        tpu.wait_dma2 semaphore(%run_scoped3A : memref<!tpu.dma_semaphore, #tpu.memory_space<semaphore_mem>>) src(%dma_wait3A_69 : memref<80x125xi32, #tpu.memory_space<hbm>>) dst(%arg9 : memref<80x125xi32, #tpu.memory_space<vmem>>)
        tpu.yield
      }) : () -> ()
      "tpu.region"() ({
        %run_scoped3A = tpu.sem_alloc : memref<!tpu.dma_semaphore, #tpu.memory_space<semaphore_mem>>
        %dma_start3A_55 = arith.constant 0 : i32
        %dma_start3A_56 = tpu.memref_slice %arg8[%mul3A_7, %dma_start3A_55] : memref<10000x128xf32, #tpu.memory_space<vmem_shared>> -> memref<520x128xf32, #tpu.memory_space<vmem_shared>>
        %dma_start3A_57 = arith.constant 0 : i32
        %dma_start3A_58 = tpu.memref_slice %arg3[%mul3A_7, %dma_start3A_57] : memref<10000x128xf32, #tpu.memory_space<hbm>> -> memref<520x128xf32, #tpu.memory_space<hbm>>
        tpu.enqueue_dma source(%dma_start3A_58 : memref<520x128xf32, #tpu.memory_space<hbm>>) target(%dma_start3A_56 : memref<520x128xf32, #tpu.memory_space<vmem_shared>>) target_semaphore(%run_scoped3A : memref<!tpu.dma_semaphore, #tpu.memory_space<semaphore_mem>>)
        %dma_wait3A = arith.constant 0 : i32
        %dma_wait3A_59 = tpu.memref_slice %arg8[%mul3A_7, %dma_wait3A] : memref<10000x128xf32, #tpu.memory_space<vmem_shared>> -> memref<520x128xf32, #tpu.memory_space<vmem_shared>>
        %dma_wait3A_60 = arith.constant 0 : i32
        %dma_wait3A_61 = tpu.memref_slice %arg3[%mul3A_7, %dma_wait3A_60] : memref<10000x128xf32, #tpu.memory_space<hbm>> -> memref<520x128xf32, #tpu.memory_space<hbm>>
        tpu.wait_dma2 semaphore(%run_scoped3A : memref<!tpu.dma_semaphore, #tpu.memory_space<semaphore_mem>>) src(%dma_wait3A_61 : memref<520x128xf32, #tpu.memory_space<hbm>>) dst(%dma_wait3A_59 : memref<520x128xf32, #tpu.memory_space<vmem_shared>>)
        tpu.yield
      }) : () -> ()
      %lt3A = arith.constant 15 : i32
      %lt3A_9 = arith.cmpi slt, %arg1, %lt3A : i32
      %convert_element_type3A_10 = arith.extui %lt3A_9 : i1 to i32
      %cond3A_11 = arith.constant 0 : i32
      %cond3A_12 = arith.cmpi ne, %convert_element_type3A_10, %cond3A_11 : i32
      scf.if %cond3A_12 {
        "tpu.region"() ({
          %run_scoped3A = tpu.sem_alloc : memref<!tpu.dma_semaphore, #tpu.memory_space<semaphore_mem>>
          %dma_start3A_55 = arith.constant 0 : i32
          %dma_start3A_56 = tpu.memref_slice %arg8[%add3A_8, %dma_start3A_55] : memref<10000x128xf32, #tpu.memory_space<vmem_shared>> -> memref<112x128xf32, #tpu.memory_space<vmem_shared>>
          %dma_start3A_57 = arith.constant 0 : i32
          %dma_start3A_58 = tpu.memref_slice %arg3[%add3A_8, %dma_start3A_57] : memref<10000x128xf32, #tpu.memory_space<hbm>> -> memref<112x128xf32, #tpu.memory_space<hbm>>
          tpu.enqueue_dma source(%dma_start3A_58 : memref<112x128xf32, #tpu.memory_space<hbm>>) target(%dma_start3A_56 : memref<112x128xf32, #tpu.memory_space<vmem_shared>>) target_semaphore(%run_scoped3A : memref<!tpu.dma_semaphore, #tpu.memory_space<semaphore_mem>>)
          %dma_wait3A = arith.constant 0 : i32
          %dma_wait3A_59 = tpu.memref_slice %arg8[%add3A_8, %dma_wait3A] : memref<10000x128xf32, #tpu.memory_space<vmem_shared>> -> memref<112x128xf32, #tpu.memory_space<vmem_shared>>
          %dma_wait3A_60 = arith.constant 0 : i32
          %dma_wait3A_61 = tpu.memref_slice %arg3[%add3A_8, %dma_wait3A_60] : memref<10000x128xf32, #tpu.memory_space<hbm>> -> memref<112x128xf32, #tpu.memory_space<hbm>>
          tpu.wait_dma2 semaphore(%run_scoped3A : memref<!tpu.dma_semaphore, #tpu.memory_space<semaphore_mem>>) src(%dma_wait3A_61 : memref<112x128xf32, #tpu.memory_space<hbm>>) dst(%dma_wait3A_59 : memref<112x128xf32, #tpu.memory_space<vmem_shared>>)
          tpu.yield
        }) : () -> ()
      } else {
      }
      %barrier3A = arith.constant 0 : index
      tpu.barrier barrier_id(%barrier3A)
      %dma_start3A = arith.constant 0 : i32
      %dma_start3A_13 = arith.constant 0 : i32
      %dma_start3A_14 = tpu.memref_slice %arg9[%dma_start3A, %dma_start3A_13] : memref<80x125xi32, #tpu.memory_space<vmem>> -> memref<1x125xi32, #tpu.memory_space<vmem>>
      %dma_start3A_15 = tpu.memref_squeeze %dma_start3A_14 : memref<1x125xi32, #tpu.memory_space<vmem>> -> memref<125xi32, #tpu.memory_space<vmem>>
      %dma_start3A_16 = arith.constant 0 : i32
      %dma_start3A_17 = arith.constant 0 : i32
      %dma_start3A_18 = tpu.memref_slice %arg3[%dma_start3A_16, %dma_start3A_17] : memref<10000x128xf32, #tpu.memory_space<hbm>> -> memref<10000x128xf32, #tpu.memory_space<hbm>>
      tpu.enqueue_indirect_dma source(%dma_start3A_18 : memref<10000x128xf32, #tpu.memory_space<hbm>>) target(%arg12 : memref<125x128xf32, #tpu.memory_space<vmem>>) offsets(%dma_start3A_15 : memref<125xi32, #tpu.memory_space<vmem>>) semaphore(%arg14 : memref<!tpu.dma_semaphore, #tpu.memory_space<semaphore_mem>>)
      %dma_start3A_19 = arith.constant 1 : i32
      %dma_start3A_20 = arith.constant 0 : i32
      %dma_start3A_21 = tpu.memref_slice %arg9[%dma_start3A_19, %dma_start3A_20] : memref<80x125xi32, #tpu.memory_space<vmem>> -> memref<1x125xi32, #tpu.memory_space<vmem>>
      %dma_start3A_22 = tpu.memref_squeeze %dma_start3A_21 : memref<1x125xi32, #tpu.memory_space<vmem>> -> memref<125xi32, #tpu.memory_space<vmem>>
      %dma_start3A_23 = arith.constant 0 : i32
      %dma_start3A_24 = arith.constant 0 : i32
      %dma_start3A_25 = tpu.memref_slice %arg3[%dma_start3A_23, %dma_start3A_24] : memref<10000x128xf32, #tpu.memory_space<hbm>> -> memref<10000x128xf32, #tpu.memory_space<hbm>>
      tpu.enqueue_indirect_dma source(%dma_start3A_25 : memref<10000x128xf32, #tpu.memory_space<hbm>>) target(%arg13 : memref<125x128xf32, #tpu.memory_space<vmem>>) offsets(%dma_start3A_22 : memref<125xi32, #tpu.memory_space<vmem>>) semaphore(%arg15 : memref<!tpu.dma_semaphore, #tpu.memory_space<semaphore_mem>>)
      %dma_start3A_26 = arith.constant 0 : i32
      %dma_start3A_27 = arith.constant 0 : i32
      %dma_start3A_28 = arith.constant 0 : i32
      %dma_start3A_29 = tpu.memref_slice %arg5[%arg1, %dma_start3A_26, %dma_start3A_27, %dma_start3A_28] : memref<16x80x1x125xi32, #tpu.memory_space<hbm>> -> memref<1x1x1x125xi32, #tpu.memory_space<hbm>>
      %dma_start3A_30 = tpu.memref_squeeze %dma_start3A_29 : memref<1x1x1x125xi32, #tpu.memory_space<hbm>> -> memref<1x125xi32, #tpu.memory_space<hbm>>
      %dma_start3A_31 = arith.constant 0 : i32
      %dma_start3A_32 = arith.constant 0 : i32
      %dma_start3A_33 = tpu.memref_slice %arg5[%arg1, %dma_start3A_26, %dma_start3A_31, %dma_start3A_32] : memref<16x80x1x125xi32, #tpu.memory_space<hbm>> -> memref<1x1x1x125xi32, #tpu.memory_space<hbm>>
      %dma_start3A_34 = tpu.memref_squeeze %dma_start3A_33 : memref<1x1x1x125xi32, #tpu.memory_space<hbm>> -> memref<1x125xi32, #tpu.memory_space<hbm>>
      tpu.enqueue_dma source(%dma_start3A_34 : memref<1x125xi32, #tpu.memory_space<hbm>>) target(%arg10 : memref<1x125xi32, #tpu.memory_space<vmem>>) target_semaphore(%arg16 : memref<!tpu.dma_semaphore, #tpu.memory_space<semaphore_mem>>)
      %dma_start3A_35 = arith.constant 1 : i32
      %dma_start3A_36 = arith.constant 0 : i32
      %dma_start3A_37 = arith.constant 0 : i32
      %dma_start3A_38 = tpu.memref_slice %arg5[%arg1, %dma_start3A_35, %dma_start3A_36, %dma_start3A_37] : memref<16x80x1x125xi32, #tpu.memory_space<hbm>> -> memref<1x1x1x125xi32, #tpu.memory_space<hbm>>
      %dma_start3A_39 = tpu.memref_squeeze %dma_start3A_38 : memref<1x1x1x125xi32, #tpu.memory_space<hbm>> -> memref<1x125xi32, #tpu.memory_space<hbm>>
      %dma_start3A_40 = arith.constant 0 : i32
      %dma_start3A_41 = arith.constant 0 : i32
      %dma_start3A_42 = tpu.memref_slice %arg5[%arg1, %dma_start3A_35, %dma_start3A_40, %dma_start3A_41] : memref<16x80x1x125xi32, #tpu.memory_space<hbm>> -> memref<1x1x1x125xi32, #tpu.memory_space<hbm>>
      %dma_start3A_43 = tpu.memref_squeeze %dma_start3A_42 : memref<1x1x1x125xi32, #tpu.memory_space<hbm>> -> memref<1x125xi32, #tpu.memory_space<hbm>>
      tpu.enqueue_dma source(%dma_start3A_43 : memref<1x125xi32, #tpu.memory_space<hbm>>) target(%arg11 : memref<1x125xi32, #tpu.memory_space<vmem>>) target_semaphore(%arg17 : memref<!tpu.dma_semaphore, #tpu.memory_space<semaphore_mem>>)
      %scan3A = arith.constant 0 : i32
      %scan3A_44 = arith.constant 0 : i32
      %scan3A_45 = arith.constant 80 : i32
      %scan3A_46 = arith.addi %scan3A_44, %scan3A_45 : i32
      %scan3A_47 = arith.constant 1 : i32
      scf.for %scan3A_55 = %scan3A_44 to %scan3A_46 step %scan3A_47  : i32 {
        %jit3A = arith.constant 2 : i32
        %eq3A_56 = arith.constant 0 : i32
        %eq3A_57 = arith.cmpi eq, %jit3A, %eq3A_56 : i32
        %jit3A_58 = arith.constant 1 : i32
        %select_n3A = arith.select %eq3A_57, %jit3A_58, %jit3A : i32
        %rem3A = arith.remsi %scan3A_55, %select_n3A : i32
        %ne3A = arith.constant 0 : i32
        %ne3A_59 = arith.cmpi ne, %rem3A, %ne3A : i32
        %lt3A_60 = arith.constant 0 : i32
        %lt3A_61 = arith.cmpi slt, %rem3A, %lt3A_60 : i32
        %lt3A_62 = arith.constant 0 : i32
        %lt3A_63 = arith.cmpi slt, %select_n3A, %lt3A_62 : i32
        %ne3A_64 = arith.xori %lt3A_61, %lt3A_63 : i1
        %and3A = arith.andi %ne3A_64, %ne3A_59 : i1
        %add3A_65 = arith.addi %rem3A, %select_n3A : i32
        %select_n3A_66 = arith.select %and3A, %add3A_65, %rem3A : i32
        %eq3A_67 = arith.constant 0 : i32
        %eq3A_68 = arith.cmpi eq, %select_n3A_66, %eq3A_67 : i32
        %convert_element_type3A_69 = arith.extui %eq3A_68 : i1 to i32
        %cond3A_70 = arith.constant 0 : i32
        %cond3A_71 = arith.cmpi ne, %convert_element_type3A_69, %cond3A_70 : i32
        scf.if %cond3A_71 {
          %dma_wait3A = arith.constant 0 : i32
          %dma_wait3A_93 = arith.constant 0 : i32
          %dma_wait3A_94 = arith.constant 0 : i32
          %dma_wait3A_95 = arith.constant 0 : i32
          %dma_wait3A_96 = tpu.memref_slice %arg5[%dma_wait3A, %dma_wait3A_93, %dma_wait3A_94, %dma_wait3A_95] : memref<16x80x1x125xi32, #tpu.memory_space<hbm>> -> memref<1x1x1x125xi32, #tpu.memory_space<hbm>>
          %dma_wait3A_97 = tpu.memref_squeeze %dma_wait3A_96 : memref<1x1x1x125xi32, #tpu.memory_space<hbm>> -> memref<1x125xi32, #tpu.memory_space<hbm>>
          %dma_wait3A_98 = arith.constant 0 : i32
          %dma_wait3A_99 = arith.constant 0 : i32
          %dma_wait3A_100 = tpu.memref_slice %arg5[%dma_wait3A, %dma_wait3A_93, %dma_wait3A_98, %dma_wait3A_99] : memref<16x80x1x125xi32, #tpu.memory_space<hbm>> -> memref<1x1x1x125xi32, #tpu.memory_space<hbm>>
          %dma_wait3A_101 = tpu.memref_squeeze %dma_wait3A_100 : memref<1x1x1x125xi32, #tpu.memory_space<hbm>> -> memref<1x125xi32, #tpu.memory_space<hbm>>
          tpu.wait_dma2 semaphore(%arg16 : memref<!tpu.dma_semaphore, #tpu.memory_space<semaphore_mem>>) src(%dma_wait3A_101 : memref<1x125xi32, #tpu.memory_space<hbm>>) dst(%arg10 : memref<1x125xi32, #tpu.memory_space<vmem>>)
          %dma_wait3A_102 = arith.constant 0 : i32
          %dma_wait3A_103 = arith.constant 0 : i32
          %dma_wait3A_104 = tpu.memref_slice %arg9[%dma_wait3A_102, %dma_wait3A_103] : memref<80x125xi32, #tpu.memory_space<vmem>> -> memref<1x125xi32, #tpu.memory_space<vmem>>
          %dma_wait3A_105 = tpu.memref_squeeze %dma_wait3A_104 : memref<1x125xi32, #tpu.memory_space<vmem>> -> memref<125xi32, #tpu.memory_space<vmem>>
          %dma_wait3A_106 = arith.constant 0 : i32
          %dma_wait3A_107 = arith.constant 0 : i32
          %dma_wait3A_108 = tpu.memref_slice %arg3[%dma_wait3A_106, %dma_wait3A_107] : memref<10000x128xf32, #tpu.memory_space<hbm>> -> memref<10000x128xf32, #tpu.memory_space<hbm>>
          tpu.wait_indirect_dma semaphore(%arg14 : memref<!tpu.dma_semaphore, #tpu.memory_space<semaphore_mem>>) src(%dma_wait3A_108 : memref<10000x128xf32, #tpu.memory_space<hbm>>) dst(%arg12 : memref<125x128xf32, #tpu.memory_space<vmem>>)
          %run_scoped3A = arith.constant 0 : i32
          "tpu.region"() ({
            %run_scoped3A_114 = tpu.sem_alloc : memref<!tpu.dma_semaphore, #tpu.memory_space<semaphore_mem>>
            %dma_start3A_115 = arith.constant 0 : i32
            %dma_start3A_116 = tpu.memref_slice %arg10[%run_scoped3A, %dma_start3A_115] : memref<1x125xi32, #tpu.memory_space<vmem>> -> memref<1x125xi32, #tpu.memory_space<vmem>>
            %dma_start3A_117 = tpu.memref_squeeze %dma_start3A_116 : memref<1x125xi32, #tpu.memory_space<vmem>> -> memref<125xi32, #tpu.memory_space<vmem>>
            %dma_start3A_118 = arith.constant 0 : i32
            %dma_start3A_119 = arith.constant 0 : i32
            %dma_start3A_120 = tpu.memref_slice %arg8[%dma_start3A_118, %dma_start3A_119] : memref<10000x128xf32, #tpu.memory_space<vmem_shared>> -> memref<10000x128xf32, #tpu.memory_space<vmem_shared>>
            tpu.enqueue_indirect_dma source(%arg12 : memref<125x128xf32, #tpu.memory_space<vmem>>) target(%dma_start3A_120 : memref<10000x128xf32, #tpu.memory_space<vmem_shared>>) offsets(%dma_start3A_117 : memref<125xi32, #tpu.memory_space<vmem>>) semaphore(%run_scoped3A_114 : memref<!tpu.dma_semaphore, #tpu.memory_space<semaphore_mem>>) {add = true}
            %dma_wait3A_121 = arith.constant 0 : i32
            %dma_wait3A_122 = tpu.memref_slice %arg10[%run_scoped3A, %dma_wait3A_121] : memref<1x125xi32, #tpu.memory_space<vmem>> -> memref<1x125xi32, #tpu.memory_space<vmem>>
            %dma_wait3A_123 = tpu.memref_squeeze %dma_wait3A_122 : memref<1x125xi32, #tpu.memory_space<vmem>> -> memref<125xi32, #tpu.memory_space<vmem>>
            %dma_wait3A_124 = arith.constant 0 : i32
            %dma_wait3A_125 = arith.constant 0 : i32
            %dma_wait3A_126 = tpu.memref_slice %arg8[%dma_wait3A_124, %dma_wait3A_125] : memref<10000x128xf32, #tpu.memory_space<vmem_shared>> -> memref<10000x128xf32, #tpu.memory_space<vmem_shared>>
            tpu.wait_indirect_dma semaphore(%run_scoped3A_114 : memref<!tpu.dma_semaphore, #tpu.memory_space<semaphore_mem>>) src(%arg12 : memref<125x128xf32, #tpu.memory_space<vmem>>) dst(%dma_wait3A_126 : memref<10000x128xf32, #tpu.memory_space<vmem_shared>>)
            tpu.yield
          }) : () -> ()
          %lt3A_109 = arith.constant 78 : i32
          %lt3A_110 = arith.cmpi slt, %scan3A_55, %lt3A_109 : i32
          %convert_element_type3A_111 = arith.extui %lt3A_110 : i1 to i32
          %cond3A_112 = arith.constant 0 : i32
          %cond3A_113 = arith.cmpi ne, %convert_element_type3A_111, %cond3A_112 : i32
          scf.if %cond3A_113 {
            %add3A_114 = arith.constant 2 : i32
            %add3A_115 = arith.addi %scan3A_55, %add3A_114 : i32
            %dma_start3A_116 = arith.constant 0 : i32
            %dma_start3A_117 = tpu.memref_slice %arg9[%add3A_115, %dma_start3A_116] : memref<80x125xi32, #tpu.memory_space<vmem>> -> memref<1x125xi32, #tpu.memory_space<vmem>>
            %dma_start3A_118 = tpu.memref_squeeze %dma_start3A_117 : memref<1x125xi32, #tpu.memory_space<vmem>> -> memref<125xi32, #tpu.memory_space<vmem>>
            %dma_start3A_119 = arith.constant 0 : i32
            %dma_start3A_120 = arith.constant 0 : i32
            %dma_start3A_121 = tpu.memref_slice %arg3[%dma_start3A_119, %dma_start3A_120] : memref<10000x128xf32, #tpu.memory_space<hbm>> -> memref<10000x128xf32, #tpu.memory_space<hbm>>
            tpu.enqueue_indirect_dma source(%dma_start3A_121 : memref<10000x128xf32, #tpu.memory_space<hbm>>) target(%arg12 : memref<125x128xf32, #tpu.memory_space<vmem>>) offsets(%dma_start3A_118 : memref<125xi32, #tpu.memory_space<vmem>>) semaphore(%arg14 : memref<!tpu.dma_semaphore, #tpu.memory_space<semaphore_mem>>)
            %add3A_122 = arith.constant 2 : i32
            %add3A_123 = arith.addi %scan3A_55, %add3A_122 : i32
            %dma_start3A_124 = arith.constant 0 : i32
            %dma_start3A_125 = arith.constant 0 : i32
            %dma_start3A_126 = tpu.memref_slice %arg5[%arg1, %add3A_123, %dma_start3A_124, %dma_start3A_125] : memref<16x80x1x125xi32, #tpu.memory_space<hbm>> -> memref<1x1x1x125xi32, #tpu.memory_space<hbm>>
            %dma_start3A_127 = tpu.memref_squeeze %dma_start3A_126 : memref<1x1x1x125xi32, #tpu.memory_space<hbm>> -> memref<1x125xi32, #tpu.memory_space<hbm>>
            %dma_start3A_128 = arith.constant 0 : i32
            %dma_start3A_129 = arith.constant 0 : i32
            %dma_start3A_130 = tpu.memref_slice %arg5[%arg1, %add3A_123, %dma_start3A_128, %dma_start3A_129] : memref<16x80x1x125xi32, #tpu.memory_space<hbm>> -> memref<1x1x1x125xi32, #tpu.memory_space<hbm>>
            %dma_start3A_131 = tpu.memref_squeeze %dma_start3A_130 : memref<1x1x1x125xi32, #tpu.memory_space<hbm>> -> memref<1x125xi32, #tpu.memory_space<hbm>>
            tpu.enqueue_dma source(%dma_start3A_131 : memref<1x125xi32, #tpu.memory_space<hbm>>) target(%arg10 : memref<1x125xi32, #tpu.memory_space<vmem>>) target_semaphore(%arg16 : memref<!tpu.dma_semaphore, #tpu.memory_space<semaphore_mem>>)
          } else {
          }
        } else {
        }
        %jit3A_72 = arith.constant 2 : i32
        %eq3A_73 = arith.constant 0 : i32
        %eq3A_74 = arith.cmpi eq, %jit3A_72, %eq3A_73 : i32
        %jit3A_75 = arith.constant 1 : i32
        %select_n3A_76 = arith.select %eq3A_74, %jit3A_75, %jit3A_72 : i32
        %rem3A_77 = arith.remsi %scan3A_55, %select_n3A_76 : i32
        %ne3A_78 = arith.constant 0 : i32
        %ne3A_79 = arith.cmpi ne, %rem3A_77, %ne3A_78 : i32
        %lt3A_80 = arith.constant 0 : i32
        %lt3A_81 = arith.cmpi slt, %rem3A_77, %lt3A_80 : i32
        %lt3A_82 = arith.constant 0 : i32
        %lt3A_83 = arith.cmpi slt, %select_n3A_76, %lt3A_82 : i32
        %ne3A_84 = arith.xori %lt3A_81, %lt3A_83 : i1
        %and3A_85 = arith.andi %ne3A_84, %ne3A_79 : i1
        %add3A_86 = arith.addi %rem3A_77, %select_n3A_76 : i32
        %select_n3A_87 = arith.select %and3A_85, %add3A_86, %rem3A_77 : i32
        %eq3A_88 = arith.constant 1 : i32
        %eq3A_89 = arith.cmpi eq, %select_n3A_87, %eq3A_88 : i32
        %convert_element_type3A_90 = arith.extui %eq3A_89 : i1 to i32
        %cond3A_91 = arith.constant 0 : i32
        %cond3A_92 = arith.cmpi ne, %convert_element_type3A_90, %cond3A_91 : i32
        scf.if %cond3A_92 {
          %dma_wait3A = arith.constant 0 : i32
          %dma_wait3A_93 = arith.constant 0 : i32
          %dma_wait3A_94 = arith.constant 0 : i32
          %dma_wait3A_95 = arith.constant 0 : i32
          %dma_wait3A_96 = tpu.memref_slice %arg5[%dma_wait3A, %dma_wait3A_93, %dma_wait3A_94, %dma_wait3A_95] : memref<16x80x1x125xi32, #tpu.memory_space<hbm>> -> memref<1x1x1x125xi32, #tpu.memory_space<hbm>>
          %dma_wait3A_97 = tpu.memref_squeeze %dma_wait3A_96 : memref<1x1x1x125xi32, #tpu.memory_space<hbm>> -> memref<1x125xi32, #tpu.memory_space<hbm>>
          %dma_wait3A_98 = arith.constant 0 : i32
          %dma_wait3A_99 = arith.constant 0 : i32
          %dma_wait3A_100 = tpu.memref_slice %arg5[%dma_wait3A, %dma_wait3A_93, %dma_wait3A_98, %dma_wait3A_99] : memref<16x80x1x125xi32, #tpu.memory_space<hbm>> -> memref<1x1x1x125xi32, #tpu.memory_space<hbm>>
          %dma_wait3A_101 = tpu.memref_squeeze %dma_wait3A_100 : memref<1x1x1x125xi32, #tpu.memory_space<hbm>> -> memref<1x125xi32, #tpu.memory_space<hbm>>
          tpu.wait_dma2 semaphore(%arg17 : memref<!tpu.dma_semaphore, #tpu.memory_space<semaphore_mem>>) src(%dma_wait3A_101 : memref<1x125xi32, #tpu.memory_space<hbm>>) dst(%arg11 : memref<1x125xi32, #tpu.memory_space<vmem>>)
          %dma_wait3A_102 = arith.constant 0 : i32
          %dma_wait3A_103 = arith.constant 0 : i32
          %dma_wait3A_104 = tpu.memref_slice %arg9[%dma_wait3A_102, %dma_wait3A_103] : memref<80x125xi32, #tpu.memory_space<vmem>> -> memref<1x125xi32, #tpu.memory_space<vmem>>
          %dma_wait3A_105 = tpu.memref_squeeze %dma_wait3A_104 : memref<1x125xi32, #tpu.memory_space<vmem>> -> memref<125xi32, #tpu.memory_space<vmem>>
          %dma_wait3A_106 = arith.constant 0 : i32
          %dma_wait3A_107 = arith.constant 0 : i32
          %dma_wait3A_108 = tpu.memref_slice %arg3[%dma_wait3A_106, %dma_wait3A_107] : memref<10000x128xf32, #tpu.memory_space<hbm>> -> memref<10000x128xf32, #tpu.memory_space<hbm>>
          tpu.wait_indirect_dma semaphore(%arg15 : memref<!tpu.dma_semaphore, #tpu.memory_space<semaphore_mem>>) src(%dma_wait3A_108 : memref<10000x128xf32, #tpu.memory_space<hbm>>) dst(%arg13 : memref<125x128xf32, #tpu.memory_space<vmem>>)
          %run_scoped3A = arith.constant 0 : i32
          "tpu.region"() ({
            %run_scoped3A_114 = tpu.sem_alloc : memref<!tpu.dma_semaphore, #tpu.memory_space<semaphore_mem>>
            %dma_start3A_115 = arith.constant 0 : i32
            %dma_start3A_116 = tpu.memref_slice %arg11[%run_scoped3A, %dma_start3A_115] : memref<1x125xi32, #tpu.memory_space<vmem>> -> memref<1x125xi32, #tpu.memory_space<vmem>>
            %dma_start3A_117 = tpu.memref_squeeze %dma_start3A_116 : memref<1x125xi32, #tpu.memory_space<vmem>> -> memref<125xi32, #tpu.memory_space<vmem>>
            %dma_start3A_118 = arith.constant 0 : i32
            %dma_start3A_119 = arith.constant 0 : i32
            %dma_start3A_120 = tpu.memref_slice %arg8[%dma_start3A_118, %dma_start3A_119] : memref<10000x128xf32, #tpu.memory_space<vmem_shared>> -> memref<10000x128xf32, #tpu.memory_space<vmem_shared>>
            tpu.enqueue_indirect_dma source(%arg13 : memref<125x128xf32, #tpu.memory_space<vmem>>) target(%dma_start3A_120 : memref<10000x128xf32, #tpu.memory_space<vmem_shared>>) offsets(%dma_start3A_117 : memref<125xi32, #tpu.memory_space<vmem>>) semaphore(%run_scoped3A_114 : memref<!tpu.dma_semaphore, #tpu.memory_space<semaphore_mem>>) {add = true}
            %dma_wait3A_121 = arith.constant 0 : i32
            %dma_wait3A_122 = tpu.memref_slice %arg11[%run_scoped3A, %dma_wait3A_121] : memref<1x125xi32, #tpu.memory_space<vmem>> -> memref<1x125xi32, #tpu.memory_space<vmem>>
            %dma_wait3A_123 = tpu.memref_squeeze %dma_wait3A_122 : memref<1x125xi32, #tpu.memory_space<vmem>> -> memref<125xi32, #tpu.memory_space<vmem>>
            %dma_wait3A_124 = arith.constant 0 : i32
            %dma_wait3A_125 = arith.constant 0 : i32
            %dma_wait3A_126 = tpu.memref_slice %arg8[%dma_wait3A_124, %dma_wait3A_125] : memref<10000x128xf32, #tpu.memory_space<vmem_shared>> -> memref<10000x128xf32, #tpu.memory_space<vmem_shared>>
            tpu.wait_indirect_dma semaphore(%run_scoped3A_114 : memref<!tpu.dma_semaphore, #tpu.memory_space<semaphore_mem>>) src(%arg13 : memref<125x128xf32, #tpu.memory_space<vmem>>) dst(%dma_wait3A_126 : memref<10000x128xf32, #tpu.memory_space<vmem_shared>>)
            tpu.yield
          }) : () -> ()
          %lt3A_109 = arith.constant 78 : i32
          %lt3A_110 = arith.cmpi slt, %scan3A_55, %lt3A_109 : i32
          %convert_element_type3A_111 = arith.extui %lt3A_110 : i1 to i32
          %cond3A_112 = arith.constant 0 : i32
          %cond3A_113 = arith.cmpi ne, %convert_element_type3A_111, %cond3A_112 : i32
          scf.if %cond3A_113 {
            %add3A_114 = arith.constant 2 : i32
            %add3A_115 = arith.addi %scan3A_55, %add3A_114 : i32
            %dma_start3A_116 = arith.constant 0 : i32
            %dma_start3A_117 = tpu.memref_slice %arg9[%add3A_115, %dma_start3A_116] : memref<80x125xi32, #tpu.memory_space<vmem>> -> memref<1x125xi32, #tpu.memory_space<vmem>>
            %dma_start3A_118 = tpu.memref_squeeze %dma_start3A_117 : memref<1x125xi32, #tpu.memory_space<vmem>> -> memref<125xi32, #tpu.memory_space<vmem>>
            %dma_start3A_119 = arith.constant 0 : i32
            %dma_start3A_120 = arith.constant 0 : i32
            %dma_start3A_121 = tpu.memref_slice %arg3[%dma_start3A_119, %dma_start3A_120] : memref<10000x128xf32, #tpu.memory_space<hbm>> -> memref<10000x128xf32, #tpu.memory_space<hbm>>
            tpu.enqueue_indirect_dma source(%dma_start3A_121 : memref<10000x128xf32, #tpu.memory_space<hbm>>) target(%arg13 : memref<125x128xf32, #tpu.memory_space<vmem>>) offsets(%dma_start3A_118 : memref<125xi32, #tpu.memory_space<vmem>>) semaphore(%arg15 : memref<!tpu.dma_semaphore, #tpu.memory_space<semaphore_mem>>)
            %add3A_122 = arith.constant 2 : i32
            %add3A_123 = arith.addi %scan3A_55, %add3A_122 : i32
            %dma_start3A_124 = arith.constant 0 : i32
            %dma_start3A_125 = arith.constant 0 : i32
            %dma_start3A_126 = tpu.memref_slice %arg5[%arg1, %add3A_123, %dma_start3A_124, %dma_start3A_125] : memref<16x80x1x125xi32, #tpu.memory_space<hbm>> -> memref<1x1x1x125xi32, #tpu.memory_space<hbm>>
            %dma_start3A_127 = tpu.memref_squeeze %dma_start3A_126 : memref<1x1x1x125xi32, #tpu.memory_space<hbm>> -> memref<1x125xi32, #tpu.memory_space<hbm>>
            %dma_start3A_128 = arith.constant 0 : i32
            %dma_start3A_129 = arith.constant 0 : i32
            %dma_start3A_130 = tpu.memref_slice %arg5[%arg1, %add3A_123, %dma_start3A_128, %dma_start3A_129] : memref<16x80x1x125xi32, #tpu.memory_space<hbm>> -> memref<1x1x1x125xi32, #tpu.memory_space<hbm>>
            %dma_start3A_131 = tpu.memref_squeeze %dma_start3A_130 : memref<1x1x1x125xi32, #tpu.memory_space<hbm>> -> memref<1x125xi32, #tpu.memory_space<hbm>>
            tpu.enqueue_dma source(%dma_start3A_131 : memref<1x125xi32, #tpu.memory_space<hbm>>) target(%arg11 : memref<1x125xi32, #tpu.memory_space<vmem>>) target_semaphore(%arg17 : memref<!tpu.dma_semaphore, #tpu.memory_space<semaphore_mem>>)
          } else {
          }
        } else {
        }
      }
      %scan3A_48 = arith.constant 80 : i32
      %barrier3A_49 = arith.constant 0 : index
      tpu.barrier barrier_id(%barrier3A_49)
      "tpu.region"() ({
        %run_scoped3A = tpu.sem_alloc : memref<!tpu.dma_semaphore, #tpu.memory_space<semaphore_mem>>
        %dma_start3A_55 = arith.constant 0 : i32
        %dma_start3A_56 = tpu.memref_slice %arg7[%mul3A_7, %dma_start3A_55] : memref<10000x128xf32, #tpu.memory_space<hbm>> -> memref<520x128xf32, #tpu.memory_space<hbm>>
        %dma_start3A_57 = arith.constant 0 : i32
        %dma_start3A_58 = tpu.memref_slice %arg8[%mul3A_7, %dma_start3A_57] : memref<10000x128xf32, #tpu.memory_space<vmem_shared>> -> memref<520x128xf32, #tpu.memory_space<vmem_shared>>
        tpu.enqueue_dma source(%dma_start3A_58 : memref<520x128xf32, #tpu.memory_space<vmem_shared>>) target(%dma_start3A_56 : memref<520x128xf32, #tpu.memory_space<hbm>>) target_semaphore(%run_scoped3A : memref<!tpu.dma_semaphore, #tpu.memory_space<semaphore_mem>>)
        %dma_wait3A = arith.constant 0 : i32
        %dma_wait3A_59 = tpu.memref_slice %arg7[%mul3A_7, %dma_wait3A] : memref<10000x128xf32, #tpu.memory_space<hbm>> -> memref<520x128xf32, #tpu.memory_space<hbm>>
        %dma_wait3A_60 = arith.constant 0 : i32
        %dma_wait3A_61 = tpu.memref_slice %arg8[%mul3A_7, %dma_wait3A_60] : memref<10000x128xf32, #tpu.memory_space<vmem_shared>> -> memref<520x128xf32, #tpu.memory_space<vmem_shared>>
        tpu.wait_dma2 semaphore(%run_scoped3A : memref<!tpu.dma_semaphore, #tpu.memory_space<semaphore_mem>>) src(%dma_wait3A_61 : memref<520x128xf32, #tpu.memory_space<vmem_shared>>) dst(%dma_wait3A_59 : memref<520x128xf32, #tpu.memory_space<hbm>>)
        tpu.yield
      }) : () -> ()
      %lt3A_50 = arith.constant 15 : i32
      %lt3A_51 = arith.cmpi slt, %arg1, %lt3A_50 : i32
      %convert_element_type3A_52 = arith.extui %lt3A_51 : i1 to i32
      %cond3A_53 = arith.constant 0 : i32
      %cond3A_54 = arith.cmpi ne, %convert_element_type3A_52, %cond3A_53 : i32
      scf.if %cond3A_54 {
        "tpu.region"() ({
          %run_scoped3A = tpu.sem_alloc : memref<!tpu.dma_semaphore, #tpu.memory_space<semaphore_mem>>
          %dma_start3A_55 = arith.constant 0 : i32
          %dma_start3A_56 = tpu.memref_slice %arg7[%add3A_8, %dma_start3A_55] : memref<10000x128xf32, #tpu.memory_space<hbm>> -> memref<112x128xf32, #tpu.memory_space<hbm>>
          %dma_start3A_57 = arith.constant 0 : i32
          %dma_start3A_58 = tpu.memref_slice %arg8[%add3A_8, %dma_start3A_57] : memref<10000x128xf32, #tpu.memory_space<vmem_shared>> -> memref<112x128xf32, #tpu.memory_space<vmem_shared>>
          tpu.enqueue_dma source(%dma_start3A_58 : memref<112x128xf32, #tpu.memory_space<vmem_shared>>) target(%dma_start3A_56 : memref<112x128xf32, #tpu.memory_space<hbm>>) target_semaphore(%run_scoped3A : memref<!tpu.dma_semaphore, #tpu.memory_space<semaphore_mem>>)
          %dma_wait3A = arith.constant 0 : i32
          %dma_wait3A_59 = tpu.memref_slice %arg7[%add3A_8, %dma_wait3A] : memref<10000x128xf32, #tpu.memory_space<hbm>> -> memref<112x128xf32, #tpu.memory_space<hbm>>
          %dma_wait3A_60 = arith.constant 0 : i32
          %dma_wait3A_61 = tpu.memref_slice %arg8[%add3A_8, %dma_wait3A_60] : memref<10000x128xf32, #tpu.memory_space<vmem_shared>> -> memref<112x128xf32, #tpu.memory_space<vmem_shared>>
          tpu.wait_dma2 semaphore(%run_scoped3A : memref<!tpu.dma_semaphore, #tpu.memory_space<semaphore_mem>>) src(%dma_wait3A_61 : memref<112x128xf32, #tpu.memory_space<vmem_shared>>) dst(%dma_wait3A_59 : memref<112x128xf32, #tpu.memory_space<hbm>>)
          tpu.yield
        }) : () -> ()
      } else {
      }
    } else {
    }
    return
  }
}

#map = affine_map<(d0, d1) -> (0, 0)>
#map1 = affine_map<(d0, d1) -> (0, 0, 0)>
#map2 = affine_map<(d0, d1) -> (0, 0, 0, 0)>
module attributes {stable_mosaic.version = 14 : i64} {
  func.func @_prop_kernel(%arg0: i32, %arg1: i32, %arg2: memref<10000x128xf32, #tpu.memory_space<hbm>>, %arg3: memref<10000x128xf32, #tpu.memory_space<hbm>>, %arg4: memref<16x80x125xi32, #tpu.memory_space<hbm>>, %arg5: memref<16x80x1x125xi32, #tpu.memory_space<hbm>>, %arg6: memref<10000x128xf32, #tpu.memory_space<hbm>>, %arg7: memref<10000x128xf32, #tpu.memory_space<hbm>>, %arg8: memref<10000x128xf32, #tpu.memory_space<vmem_shared>>, %arg9: memref<80x125xi32, #tpu.memory_space<vmem>>, %arg10: memref<1x125xi32, #tpu.memory_space<vmem>>, %arg11: memref<1x125xi32, #tpu.memory_space<vmem>>, %arg12: memref<125x128xf32, #tpu.memory_space<vmem>>, %arg13: memref<125x128xf32, #tpu.memory_space<vmem>>, %arg14: memref<!tpu.dma_semaphore, #tpu.memory_space<semaphore_mem>>, %arg15: memref<!tpu.dma_semaphore, #tpu.memory_space<semaphore_mem>>, %arg16: memref<!tpu.dma_semaphore, #tpu.memory_space<semaphore_mem>>, %arg17: memref<!tpu.dma_semaphore, #tpu.memory_space<semaphore_mem>>) attributes {dimension_semantics = [#tpu.dimension_semantics<core_parallel>, #tpu.dimension_semantics<subcore_parallel>], iteration_bounds = array<i64: 2, 16>, scalar_prefetch = 0 : i64, scratch_operands = 10 : i64, tpu.core_type = #tpu.core_type<sc_vector_subcore>, window_params = [{transform_indices = #map}, {transform_indices = #map}, {transform_indices = #map1}, {transform_indices = #map2}, {transform_indices = #map}, {transform_indices = #map}]} {
    %eq3A = arith.constant 0 : i32
    %eq3A_0 = arith.cmpi eq, %arg0, %eq3A : i32
    %convert_element_type3A = arith.extui %eq3A_0 : i1 to i32
    %cond3A = arith.constant 0 : i32
    %cond3A_1 = arith.cmpi ne, %convert_element_type3A, %cond3A : i32
    scf.if %cond3A_1 {
      %mul3A = arith.constant 632 : i32
      %mul3A_7 = arith.muli %arg1, %mul3A : i32
      %add3A = arith.constant 520 : i32
      %add3A_8 = arith.addi %mul3A_7, %add3A : i32
      "tpu.region"() ({
        %run_scoped3A = tpu.sem_alloc : memref<!tpu.dma_semaphore, #tpu.memory_space<semaphore_mem>>
        %dma_start3A_55 = arith.constant 0 : i32
        %dma_start3A_56 = arith.constant 0 : i32
        %dma_start3A_57 = tpu.memref_slice %arg4[%arg1, %dma_start3A_55, %dma_start3A_56] : memref<16x80x125xi32, #tpu.memory_space<hbm>> -> memref<1x80x125xi32, #tpu.memory_space<hbm>>
        %dma_start3A_58 = tpu.memref_squeeze %dma_start3A_57 : memref<1x80x125xi32, #tpu.memory_space<hbm>> -> memref<80x125xi32, #tpu.memory_space<hbm>>
        %dma_start3A_59 = arith.constant 0 : i32
        %dma_start3A_60 = arith.constant 0 : i32
        %dma_start3A_61 = tpu.memref_slice %arg4[%arg1, %dma_start3A_59, %dma_start3A_60] : memref<16x80x125xi32, #tpu.memory_space<hbm>> -> memref<1x80x125xi32, #tpu.memory_space<hbm>>
        %dma_start3A_62 = tpu.memref_squeeze %dma_start3A_61 : memref<1x80x125xi32, #tpu.memory_space<hbm>> -> memref<80x125xi32, #tpu.memory_space<hbm>>
        tpu.enqueue_dma source(%dma_start3A_62 : memref<80x125xi32, #tpu.memory_space<hbm>>) target(%arg9 : memref<80x125xi32, #tpu.memory_space<vmem>>) target_semaphore(%run_scoped3A : memref<!tpu.dma_semaphore, #tpu.memory_space<semaphore_mem>>)
        %dma_wait3A = arith.constant 0 : i32
        %dma_wait3A_63 = arith.constant 0 : i32
        %dma_wait3A_64 = tpu.memref_slice %arg4[%arg1, %dma_wait3A, %dma_wait3A_63] : memref<16x80x125xi32, #tpu.memory_space<hbm>> -> memref<1x80x125xi32, #tpu.memory_space<hbm>>
        %dma_wait3A_65 = tpu.memref_squeeze %dma_wait3A_64 : memref<1x80x125xi32, #tpu.memory_space<hbm>> -> memref<80x125xi32, #tpu.memory_space<hbm>>
        %dma_wait3A_66 = arith.constant 0 : i32
        %dma_wait3A_67 = arith.constant 0 : i32
        %dma_wait3A_68 = tpu.memref_slice %arg4[%arg1, %dma_wait3A_66, %dma_wait3A_67] : memref<16x80x125xi32, #tpu.memory_space<hbm>> -> memref<1x80x125xi32, #tpu.memory_space<hbm>>
        %dma_wait3A_69 = tpu.memref_squeeze %dma_wait3A_68 : memref<1x80x125xi32, #tpu.memory_space<hbm>> -> memref<80x125xi32, #tpu.memory_space<hbm>>
        tpu.wait_dma2 semaphore(%run_scoped3A : memref<!tpu.dma_semaphore, #tpu.memory_space<semaphore_mem>>) src(%dma_wait3A_69 : memref<80x125xi32, #tpu.memory_space<hbm>>) dst(%arg9 : memref<80x125xi32, #tpu.memory_space<vmem>>)
        tpu.yield
      }) : () -> ()
      "tpu.region"() ({
        %run_scoped3A = tpu.sem_alloc : memref<!tpu.dma_semaphore, #tpu.memory_space<semaphore_mem>>
        %dma_start3A_55 = arith.constant 0 : i32
        %dma_start3A_56 = tpu.memref_slice %arg8[%mul3A_7, %dma_start3A_55] : memref<10000x128xf32, #tpu.memory_space<vmem_shared>> -> memref<520x128xf32, #tpu.memory_space<vmem_shared>>
        %dma_start3A_57 = arith.constant 0 : i32
        %dma_start3A_58 = tpu.memref_slice %arg2[%mul3A_7, %dma_start3A_57] : memref<10000x128xf32, #tpu.memory_space<hbm>> -> memref<520x128xf32, #tpu.memory_space<hbm>>
        tpu.enqueue_dma source(%dma_start3A_58 : memref<520x128xf32, #tpu.memory_space<hbm>>) target(%dma_start3A_56 : memref<520x128xf32, #tpu.memory_space<vmem_shared>>) target_semaphore(%run_scoped3A : memref<!tpu.dma_semaphore, #tpu.memory_space<semaphore_mem>>)
        %dma_wait3A = arith.constant 0 : i32
        %dma_wait3A_59 = tpu.memref_slice %arg8[%mul3A_7, %dma_wait3A] : memref<10000x128xf32, #tpu.memory_space<vmem_shared>> -> memref<520x128xf32, #tpu.memory_space<vmem_shared>>
        %dma_wait3A_60 = arith.constant 0 : i32
        %dma_wait3A_61 = tpu.memref_slice %arg2[%mul3A_7, %dma_wait3A_60] : memref<10000x128xf32, #tpu.memory_space<hbm>> -> memref<520x128xf32, #tpu.memory_space<hbm>>
        tpu.wait_dma2 semaphore(%run_scoped3A : memref<!tpu.dma_semaphore, #tpu.memory_space<semaphore_mem>>) src(%dma_wait3A_61 : memref<520x128xf32, #tpu.memory_space<hbm>>) dst(%dma_wait3A_59 : memref<520x128xf32, #tpu.memory_space<vmem_shared>>)
        tpu.yield
      }) : () -> ()
      %lt3A = arith.constant 15 : i32
      %lt3A_9 = arith.cmpi slt, %arg1, %lt3A : i32
      %convert_element_type3A_10 = arith.extui %lt3A_9 : i1 to i32
      %cond3A_11 = arith.constant 0 : i32
      %cond3A_12 = arith.cmpi ne, %convert_element_type3A_10, %cond3A_11 : i32
      scf.if %cond3A_12 {
        "tpu.region"() ({
          %run_scoped3A = tpu.sem_alloc : memref<!tpu.dma_semaphore, #tpu.memory_space<semaphore_mem>>
          %dma_start3A_55 = arith.constant 0 : i32
          %dma_start3A_56 = tpu.memref_slice %arg8[%add3A_8, %dma_start3A_55] : memref<10000x128xf32, #tpu.memory_space<vmem_shared>> -> memref<112x128xf32, #tpu.memory_space<vmem_shared>>
          %dma_start3A_57 = arith.constant 0 : i32
          %dma_start3A_58 = tpu.memref_slice %arg2[%add3A_8, %dma_start3A_57] : memref<10000x128xf32, #tpu.memory_space<hbm>> -> memref<112x128xf32, #tpu.memory_space<hbm>>
          tpu.enqueue_dma source(%dma_start3A_58 : memref<112x128xf32, #tpu.memory_space<hbm>>) target(%dma_start3A_56 : memref<112x128xf32, #tpu.memory_space<vmem_shared>>) target_semaphore(%run_scoped3A : memref<!tpu.dma_semaphore, #tpu.memory_space<semaphore_mem>>)
          %dma_wait3A = arith.constant 0 : i32
          %dma_wait3A_59 = tpu.memref_slice %arg8[%add3A_8, %dma_wait3A] : memref<10000x128xf32, #tpu.memory_space<vmem_shared>> -> memref<112x128xf32, #tpu.memory_space<vmem_shared>>
          %dma_wait3A_60 = arith.constant 0 : i32
          %dma_wait3A_61 = tpu.memref_slice %arg2[%add3A_8, %dma_wait3A_60] : memref<10000x128xf32, #tpu.memory_space<hbm>> -> memref<112x128xf32, #tpu.memory_space<hbm>>
          tpu.wait_dma2 semaphore(%run_scoped3A : memref<!tpu.dma_semaphore, #tpu.memory_space<semaphore_mem>>) src(%dma_wait3A_61 : memref<112x128xf32, #tpu.memory_space<hbm>>) dst(%dma_wait3A_59 : memref<112x128xf32, #tpu.memory_space<vmem_shared>>)
          tpu.yield
        }) : () -> ()
      } else {
      }
      %barrier3A = arith.constant 0 : index
      tpu.barrier barrier_id(%barrier3A)
      %dma_start3A = arith.constant 0 : i32
      %dma_start3A_13 = arith.constant 0 : i32
      %dma_start3A_14 = tpu.memref_slice %arg9[%dma_start3A, %dma_start3A_13] : memref<80x125xi32, #tpu.memory_space<vmem>> -> memref<1x125xi32, #tpu.memory_space<vmem>>
      %dma_start3A_15 = tpu.memref_squeeze %dma_start3A_14 : memref<1x125xi32, #tpu.memory_space<vmem>> -> memref<125xi32, #tpu.memory_space<vmem>>
      %dma_start3A_16 = arith.constant 0 : i32
      %dma_start3A_17 = arith.constant 0 : i32
      %dma_start3A_18 = tpu.memref_slice %arg2[%dma_start3A_16, %dma_start3A_17] : memref<10000x128xf32, #tpu.memory_space<hbm>> -> memref<10000x128xf32, #tpu.memory_space<hbm>>
      tpu.enqueue_indirect_dma source(%dma_start3A_18 : memref<10000x128xf32, #tpu.memory_space<hbm>>) target(%arg12 : memref<125x128xf32, #tpu.memory_space<vmem>>) offsets(%dma_start3A_15 : memref<125xi32, #tpu.memory_space<vmem>>) semaphore(%arg14 : memref<!tpu.dma_semaphore, #tpu.memory_space<semaphore_mem>>)
      %dma_start3A_19 = arith.constant 1 : i32
      %dma_start3A_20 = arith.constant 0 : i32
      %dma_start3A_21 = tpu.memref_slice %arg9[%dma_start3A_19, %dma_start3A_20] : memref<80x125xi32, #tpu.memory_space<vmem>> -> memref<1x125xi32, #tpu.memory_space<vmem>>
      %dma_start3A_22 = tpu.memref_squeeze %dma_start3A_21 : memref<1x125xi32, #tpu.memory_space<vmem>> -> memref<125xi32, #tpu.memory_space<vmem>>
      %dma_start3A_23 = arith.constant 0 : i32
      %dma_start3A_24 = arith.constant 0 : i32
      %dma_start3A_25 = tpu.memref_slice %arg2[%dma_start3A_23, %dma_start3A_24] : memref<10000x128xf32, #tpu.memory_space<hbm>> -> memref<10000x128xf32, #tpu.memory_space<hbm>>
      tpu.enqueue_indirect_dma source(%dma_start3A_25 : memref<10000x128xf32, #tpu.memory_space<hbm>>) target(%arg13 : memref<125x128xf32, #tpu.memory_space<vmem>>) offsets(%dma_start3A_22 : memref<125xi32, #tpu.memory_space<vmem>>) semaphore(%arg15 : memref<!tpu.dma_semaphore, #tpu.memory_space<semaphore_mem>>)
      %dma_start3A_26 = arith.constant 0 : i32
      %dma_start3A_27 = arith.constant 0 : i32
      %dma_start3A_28 = arith.constant 0 : i32
      %dma_start3A_29 = tpu.memref_slice %arg5[%arg1, %dma_start3A_26, %dma_start3A_27, %dma_start3A_28] : memref<16x80x1x125xi32, #tpu.memory_space<hbm>> -> memref<1x1x1x125xi32, #tpu.memory_space<hbm>>
      %dma_start3A_30 = tpu.memref_squeeze %dma_start3A_29 : memref<1x1x1x125xi32, #tpu.memory_space<hbm>> -> memref<1x125xi32, #tpu.memory_space<hbm>>
      %dma_start3A_31 = arith.constant 0 : i32
      %dma_start3A_32 = arith.constant 0 : i32
      %dma_start3A_33 = tpu.memref_slice %arg5[%arg1, %dma_start3A_26, %dma_start3A_31, %dma_start3A_32] : memref<16x80x1x125xi32, #tpu.memory_space<hbm>> -> memref<1x1x1x125xi32, #tpu.memory_space<hbm>>
      %dma_start3A_34 = tpu.memref_squeeze %dma_start3A_33 : memref<1x1x1x125xi32, #tpu.memory_space<hbm>> -> memref<1x125xi32, #tpu.memory_space<hbm>>
      tpu.enqueue_dma source(%dma_start3A_34 : memref<1x125xi32, #tpu.memory_space<hbm>>) target(%arg10 : memref<1x125xi32, #tpu.memory_space<vmem>>) target_semaphore(%arg16 : memref<!tpu.dma_semaphore, #tpu.memory_space<semaphore_mem>>)
      %dma_start3A_35 = arith.constant 1 : i32
      %dma_start3A_36 = arith.constant 0 : i32
      %dma_start3A_37 = arith.constant 0 : i32
      %dma_start3A_38 = tpu.memref_slice %arg5[%arg1, %dma_start3A_35, %dma_start3A_36, %dma_start3A_37] : memref<16x80x1x125xi32, #tpu.memory_space<hbm>> -> memref<1x1x1x125xi32, #tpu.memory_space<hbm>>
      %dma_start3A_39 = tpu.memref_squeeze %dma_start3A_38 : memref<1x1x1x125xi32, #tpu.memory_space<hbm>> -> memref<1x125xi32, #tpu.memory_space<hbm>>
      %dma_start3A_40 = arith.constant 0 : i32
      %dma_start3A_41 = arith.constant 0 : i32
      %dma_start3A_42 = tpu.memref_slice %arg5[%arg1, %dma_start3A_35, %dma_start3A_40, %dma_start3A_41] : memref<16x80x1x125xi32, #tpu.memory_space<hbm>> -> memref<1x1x1x125xi32, #tpu.memory_space<hbm>>
      %dma_start3A_43 = tpu.memref_squeeze %dma_start3A_42 : memref<1x1x1x125xi32, #tpu.memory_space<hbm>> -> memref<1x125xi32, #tpu.memory_space<hbm>>
      tpu.enqueue_dma source(%dma_start3A_43 : memref<1x125xi32, #tpu.memory_space<hbm>>) target(%arg11 : memref<1x125xi32, #tpu.memory_space<vmem>>) target_semaphore(%arg17 : memref<!tpu.dma_semaphore, #tpu.memory_space<semaphore_mem>>)
      %scan3A = arith.constant 0 : i32
      %scan3A_44 = arith.constant 0 : i32
      %scan3A_45 = arith.constant 80 : i32
      %scan3A_46 = arith.addi %scan3A_44, %scan3A_45 : i32
      %scan3A_47 = arith.constant 1 : i32
      scf.for %scan3A_55 = %scan3A_44 to %scan3A_46 step %scan3A_47  : i32 {
        %jit3A = arith.constant 2 : i32
        %eq3A_56 = arith.constant 0 : i32
        %eq3A_57 = arith.cmpi eq, %jit3A, %eq3A_56 : i32
        %jit3A_58 = arith.constant 1 : i32
        %select_n3A = arith.select %eq3A_57, %jit3A_58, %jit3A : i32
        %rem3A = arith.remsi %scan3A_55, %select_n3A : i32
        %ne3A = arith.constant 0 : i32
        %ne3A_59 = arith.cmpi ne, %rem3A, %ne3A : i32
        %lt3A_60 = arith.constant 0 : i32
        %lt3A_61 = arith.cmpi slt, %rem3A, %lt3A_60 : i32
        %lt3A_62 = arith.constant 0 : i32
        %lt3A_63 = arith.cmpi slt, %select_n3A, %lt3A_62 : i32
        %ne3A_64 = arith.xori %lt3A_61, %lt3A_63 : i1
        %and3A = arith.andi %ne3A_64, %ne3A_59 : i1
        %add3A_65 = arith.addi %rem3A, %select_n3A : i32
        %select_n3A_66 = arith.select %and3A, %add3A_65, %rem3A : i32
        %eq3A_67 = arith.constant 0 : i32
        %eq3A_68 = arith.cmpi eq, %select_n3A_66, %eq3A_67 : i32
        %convert_element_type3A_69 = arith.extui %eq3A_68 : i1 to i32
        %cond3A_70 = arith.constant 0 : i32
        %cond3A_71 = arith.cmpi ne, %convert_element_type3A_69, %cond3A_70 : i32
        scf.if %cond3A_71 {
          %dma_wait3A = arith.constant 0 : i32
          %dma_wait3A_93 = arith.constant 0 : i32
          %dma_wait3A_94 = arith.constant 0 : i32
          %dma_wait3A_95 = arith.constant 0 : i32
          %dma_wait3A_96 = tpu.memref_slice %arg5[%dma_wait3A, %dma_wait3A_93, %dma_wait3A_94, %dma_wait3A_95] : memref<16x80x1x125xi32, #tpu.memory_space<hbm>> -> memref<1x1x1x125xi32, #tpu.memory_space<hbm>>
          %dma_wait3A_97 = tpu.memref_squeeze %dma_wait3A_96 : memref<1x1x1x125xi32, #tpu.memory_space<hbm>> -> memref<1x125xi32, #tpu.memory_space<hbm>>
          %dma_wait3A_98 = arith.constant 0 : i32
          %dma_wait3A_99 = arith.constant 0 : i32
          %dma_wait3A_100 = tpu.memref_slice %arg5[%dma_wait3A, %dma_wait3A_93, %dma_wait3A_98, %dma_wait3A_99] : memref<16x80x1x125xi32, #tpu.memory_space<hbm>> -> memref<1x1x1x125xi32, #tpu.memory_space<hbm>>
          %dma_wait3A_101 = tpu.memref_squeeze %dma_wait3A_100 : memref<1x1x1x125xi32, #tpu.memory_space<hbm>> -> memref<1x125xi32, #tpu.memory_space<hbm>>
          tpu.wait_dma2 semaphore(%arg16 : memref<!tpu.dma_semaphore, #tpu.memory_space<semaphore_mem>>) src(%dma_wait3A_101 : memref<1x125xi32, #tpu.memory_space<hbm>>) dst(%arg10 : memref<1x125xi32, #tpu.memory_space<vmem>>)
          %dma_wait3A_102 = arith.constant 0 : i32
          %dma_wait3A_103 = arith.constant 0 : i32
          %dma_wait3A_104 = tpu.memref_slice %arg9[%dma_wait3A_102, %dma_wait3A_103] : memref<80x125xi32, #tpu.memory_space<vmem>> -> memref<1x125xi32, #tpu.memory_space<vmem>>
          %dma_wait3A_105 = tpu.memref_squeeze %dma_wait3A_104 : memref<1x125xi32, #tpu.memory_space<vmem>> -> memref<125xi32, #tpu.memory_space<vmem>>
          %dma_wait3A_106 = arith.constant 0 : i32
          %dma_wait3A_107 = arith.constant 0 : i32
          %dma_wait3A_108 = tpu.memref_slice %arg2[%dma_wait3A_106, %dma_wait3A_107] : memref<10000x128xf32, #tpu.memory_space<hbm>> -> memref<10000x128xf32, #tpu.memory_space<hbm>>
          tpu.wait_indirect_dma semaphore(%arg14 : memref<!tpu.dma_semaphore, #tpu.memory_space<semaphore_mem>>) src(%dma_wait3A_108 : memref<10000x128xf32, #tpu.memory_space<hbm>>) dst(%arg12 : memref<125x128xf32, #tpu.memory_space<vmem>>)
          %run_scoped3A = arith.constant 0 : i32
          "tpu.region"() ({
            %run_scoped3A_114 = tpu.sem_alloc : memref<!tpu.dma_semaphore, #tpu.memory_space<semaphore_mem>>
            %dma_start3A_115 = arith.constant 0 : i32
            %dma_start3A_116 = tpu.memref_slice %arg10[%run_scoped3A, %dma_start3A_115] : memref<1x125xi32, #tpu.memory_space<vmem>> -> memref<1x125xi32, #tpu.memory_space<vmem>>
            %dma_start3A_117 = tpu.memref_squeeze %dma_start3A_116 : memref<1x125xi32, #tpu.memory_space<vmem>> -> memref<125xi32, #tpu.memory_space<vmem>>
            %dma_start3A_118 = arith.constant 0 : i32
            %dma_start3A_119 = arith.constant 0 : i32
            %dma_start3A_120 = tpu.memref_slice %arg8[%dma_start3A_118, %dma_start3A_119] : memref<10000x128xf32, #tpu.memory_space<vmem_shared>> -> memref<10000x128xf32, #tpu.memory_space<vmem_shared>>
            tpu.enqueue_indirect_dma source(%arg12 : memref<125x128xf32, #tpu.memory_space<vmem>>) target(%dma_start3A_120 : memref<10000x128xf32, #tpu.memory_space<vmem_shared>>) offsets(%dma_start3A_117 : memref<125xi32, #tpu.memory_space<vmem>>) semaphore(%run_scoped3A_114 : memref<!tpu.dma_semaphore, #tpu.memory_space<semaphore_mem>>) {add = true}
            %dma_wait3A_121 = arith.constant 0 : i32
            %dma_wait3A_122 = tpu.memref_slice %arg10[%run_scoped3A, %dma_wait3A_121] : memref<1x125xi32, #tpu.memory_space<vmem>> -> memref<1x125xi32, #tpu.memory_space<vmem>>
            %dma_wait3A_123 = tpu.memref_squeeze %dma_wait3A_122 : memref<1x125xi32, #tpu.memory_space<vmem>> -> memref<125xi32, #tpu.memory_space<vmem>>
            %dma_wait3A_124 = arith.constant 0 : i32
            %dma_wait3A_125 = arith.constant 0 : i32
            %dma_wait3A_126 = tpu.memref_slice %arg8[%dma_wait3A_124, %dma_wait3A_125] : memref<10000x128xf32, #tpu.memory_space<vmem_shared>> -> memref<10000x128xf32, #tpu.memory_space<vmem_shared>>
            tpu.wait_indirect_dma semaphore(%run_scoped3A_114 : memref<!tpu.dma_semaphore, #tpu.memory_space<semaphore_mem>>) src(%arg12 : memref<125x128xf32, #tpu.memory_space<vmem>>) dst(%dma_wait3A_126 : memref<10000x128xf32, #tpu.memory_space<vmem_shared>>)
            tpu.yield
          }) : () -> ()
          %lt3A_109 = arith.constant 78 : i32
          %lt3A_110 = arith.cmpi slt, %scan3A_55, %lt3A_109 : i32
          %convert_element_type3A_111 = arith.extui %lt3A_110 : i1 to i32
          %cond3A_112 = arith.constant 0 : i32
          %cond3A_113 = arith.cmpi ne, %convert_element_type3A_111, %cond3A_112 : i32
          scf.if %cond3A_113 {
            %add3A_114 = arith.constant 2 : i32
            %add3A_115 = arith.addi %scan3A_55, %add3A_114 : i32
            %dma_start3A_116 = arith.constant 0 : i32
            %dma_start3A_117 = tpu.memref_slice %arg9[%add3A_115, %dma_start3A_116] : memref<80x125xi32, #tpu.memory_space<vmem>> -> memref<1x125xi32, #tpu.memory_space<vmem>>
            %dma_start3A_118 = tpu.memref_squeeze %dma_start3A_117 : memref<1x125xi32, #tpu.memory_space<vmem>> -> memref<125xi32, #tpu.memory_space<vmem>>
            %dma_start3A_119 = arith.constant 0 : i32
            %dma_start3A_120 = arith.constant 0 : i32
            %dma_start3A_121 = tpu.memref_slice %arg2[%dma_start3A_119, %dma_start3A_120] : memref<10000x128xf32, #tpu.memory_space<hbm>> -> memref<10000x128xf32, #tpu.memory_space<hbm>>
            tpu.enqueue_indirect_dma source(%dma_start3A_121 : memref<10000x128xf32, #tpu.memory_space<hbm>>) target(%arg12 : memref<125x128xf32, #tpu.memory_space<vmem>>) offsets(%dma_start3A_118 : memref<125xi32, #tpu.memory_space<vmem>>) semaphore(%arg14 : memref<!tpu.dma_semaphore, #tpu.memory_space<semaphore_mem>>)
            %add3A_122 = arith.constant 2 : i32
            %add3A_123 = arith.addi %scan3A_55, %add3A_122 : i32
            %dma_start3A_124 = arith.constant 0 : i32
            %dma_start3A_125 = arith.constant 0 : i32
            %dma_start3A_126 = tpu.memref_slice %arg5[%arg1, %add3A_123, %dma_start3A_124, %dma_start3A_125] : memref<16x80x1x125xi32, #tpu.memory_space<hbm>> -> memref<1x1x1x125xi32, #tpu.memory_space<hbm>>
            %dma_start3A_127 = tpu.memref_squeeze %dma_start3A_126 : memref<1x1x1x125xi32, #tpu.memory_space<hbm>> -> memref<1x125xi32, #tpu.memory_space<hbm>>
            %dma_start3A_128 = arith.constant 0 : i32
            %dma_start3A_129 = arith.constant 0 : i32
            %dma_start3A_130 = tpu.memref_slice %arg5[%arg1, %add3A_123, %dma_start3A_128, %dma_start3A_129] : memref<16x80x1x125xi32, #tpu.memory_space<hbm>> -> memref<1x1x1x125xi32, #tpu.memory_space<hbm>>
            %dma_start3A_131 = tpu.memref_squeeze %dma_start3A_130 : memref<1x1x1x125xi32, #tpu.memory_space<hbm>> -> memref<1x125xi32, #tpu.memory_space<hbm>>
            tpu.enqueue_dma source(%dma_start3A_131 : memref<1x125xi32, #tpu.memory_space<hbm>>) target(%arg10 : memref<1x125xi32, #tpu.memory_space<vmem>>) target_semaphore(%arg16 : memref<!tpu.dma_semaphore, #tpu.memory_space<semaphore_mem>>)
          } else {
          }
        } else {
        }
        %jit3A_72 = arith.constant 2 : i32
        %eq3A_73 = arith.constant 0 : i32
        %eq3A_74 = arith.cmpi eq, %jit3A_72, %eq3A_73 : i32
        %jit3A_75 = arith.constant 1 : i32
        %select_n3A_76 = arith.select %eq3A_74, %jit3A_75, %jit3A_72 : i32
        %rem3A_77 = arith.remsi %scan3A_55, %select_n3A_76 : i32
        %ne3A_78 = arith.constant 0 : i32
        %ne3A_79 = arith.cmpi ne, %rem3A_77, %ne3A_78 : i32
        %lt3A_80 = arith.constant 0 : i32
        %lt3A_81 = arith.cmpi slt, %rem3A_77, %lt3A_80 : i32
        %lt3A_82 = arith.constant 0 : i32
        %lt3A_83 = arith.cmpi slt, %select_n3A_76, %lt3A_82 : i32
        %ne3A_84 = arith.xori %lt3A_81, %lt3A_83 : i1
        %and3A_85 = arith.andi %ne3A_84, %ne3A_79 : i1
        %add3A_86 = arith.addi %rem3A_77, %select_n3A_76 : i32
        %select_n3A_87 = arith.select %and3A_85, %add3A_86, %rem3A_77 : i32
        %eq3A_88 = arith.constant 1 : i32
        %eq3A_89 = arith.cmpi eq, %select_n3A_87, %eq3A_88 : i32
        %convert_element_type3A_90 = arith.extui %eq3A_89 : i1 to i32
        %cond3A_91 = arith.constant 0 : i32
        %cond3A_92 = arith.cmpi ne, %convert_element_type3A_90, %cond3A_91 : i32
        scf.if %cond3A_92 {
          %dma_wait3A = arith.constant 0 : i32
          %dma_wait3A_93 = arith.constant 0 : i32
          %dma_wait3A_94 = arith.constant 0 : i32
          %dma_wait3A_95 = arith.constant 0 : i32
          %dma_wait3A_96 = tpu.memref_slice %arg5[%dma_wait3A, %dma_wait3A_93, %dma_wait3A_94, %dma_wait3A_95] : memref<16x80x1x125xi32, #tpu.memory_space<hbm>> -> memref<1x1x1x125xi32, #tpu.memory_space<hbm>>
          %dma_wait3A_97 = tpu.memref_squeeze %dma_wait3A_96 : memref<1x1x1x125xi32, #tpu.memory_space<hbm>> -> memref<1x125xi32, #tpu.memory_space<hbm>>
          %dma_wait3A_98 = arith.constant 0 : i32
          %dma_wait3A_99 = arith.constant 0 : i32
          %dma_wait3A_100 = tpu.memref_slice %arg5[%dma_wait3A, %dma_wait3A_93, %dma_wait3A_98, %dma_wait3A_99] : memref<16x80x1x125xi32, #tpu.memory_space<hbm>> -> memref<1x1x1x125xi32, #tpu.memory_space<hbm>>
          %dma_wait3A_101 = tpu.memref_squeeze %dma_wait3A_100 : memref<1x1x1x125xi32, #tpu.memory_space<hbm>> -> memref<1x125xi32, #tpu.memory_space<hbm>>
          tpu.wait_dma2 semaphore(%arg17 : memref<!tpu.dma_semaphore, #tpu.memory_space<semaphore_mem>>) src(%dma_wait3A_101 : memref<1x125xi32, #tpu.memory_space<hbm>>) dst(%arg11 : memref<1x125xi32, #tpu.memory_space<vmem>>)
          %dma_wait3A_102 = arith.constant 0 : i32
          %dma_wait3A_103 = arith.constant 0 : i32
          %dma_wait3A_104 = tpu.memref_slice %arg9[%dma_wait3A_102, %dma_wait3A_103] : memref<80x125xi32, #tpu.memory_space<vmem>> -> memref<1x125xi32, #tpu.memory_space<vmem>>
          %dma_wait3A_105 = tpu.memref_squeeze %dma_wait3A_104 : memref<1x125xi32, #tpu.memory_space<vmem>> -> memref<125xi32, #tpu.memory_space<vmem>>
          %dma_wait3A_106 = arith.constant 0 : i32
          %dma_wait3A_107 = arith.constant 0 : i32
          %dma_wait3A_108 = tpu.memref_slice %arg2[%dma_wait3A_106, %dma_wait3A_107] : memref<10000x128xf32, #tpu.memory_space<hbm>> -> memref<10000x128xf32, #tpu.memory_space<hbm>>
          tpu.wait_indirect_dma semaphore(%arg15 : memref<!tpu.dma_semaphore, #tpu.memory_space<semaphore_mem>>) src(%dma_wait3A_108 : memref<10000x128xf32, #tpu.memory_space<hbm>>) dst(%arg13 : memref<125x128xf32, #tpu.memory_space<vmem>>)
          %run_scoped3A = arith.constant 0 : i32
          "tpu.region"() ({
            %run_scoped3A_114 = tpu.sem_alloc : memref<!tpu.dma_semaphore, #tpu.memory_space<semaphore_mem>>
            %dma_start3A_115 = arith.constant 0 : i32
            %dma_start3A_116 = tpu.memref_slice %arg11[%run_scoped3A, %dma_start3A_115] : memref<1x125xi32, #tpu.memory_space<vmem>> -> memref<1x125xi32, #tpu.memory_space<vmem>>
            %dma_start3A_117 = tpu.memref_squeeze %dma_start3A_116 : memref<1x125xi32, #tpu.memory_space<vmem>> -> memref<125xi32, #tpu.memory_space<vmem>>
            %dma_start3A_118 = arith.constant 0 : i32
            %dma_start3A_119 = arith.constant 0 : i32
            %dma_start3A_120 = tpu.memref_slice %arg8[%dma_start3A_118, %dma_start3A_119] : memref<10000x128xf32, #tpu.memory_space<vmem_shared>> -> memref<10000x128xf32, #tpu.memory_space<vmem_shared>>
            tpu.enqueue_indirect_dma source(%arg13 : memref<125x128xf32, #tpu.memory_space<vmem>>) target(%dma_start3A_120 : memref<10000x128xf32, #tpu.memory_space<vmem_shared>>) offsets(%dma_start3A_117 : memref<125xi32, #tpu.memory_space<vmem>>) semaphore(%run_scoped3A_114 : memref<!tpu.dma_semaphore, #tpu.memory_space<semaphore_mem>>) {add = true}
            %dma_wait3A_121 = arith.constant 0 : i32
            %dma_wait3A_122 = tpu.memref_slice %arg11[%run_scoped3A, %dma_wait3A_121] : memref<1x125xi32, #tpu.memory_space<vmem>> -> memref<1x125xi32, #tpu.memory_space<vmem>>
            %dma_wait3A_123 = tpu.memref_squeeze %dma_wait3A_122 : memref<1x125xi32, #tpu.memory_space<vmem>> -> memref<125xi32, #tpu.memory_space<vmem>>
            %dma_wait3A_124 = arith.constant 0 : i32
            %dma_wait3A_125 = arith.constant 0 : i32
            %dma_wait3A_126 = tpu.memref_slice %arg8[%dma_wait3A_124, %dma_wait3A_125] : memref<10000x128xf32, #tpu.memory_space<vmem_shared>> -> memref<10000x128xf32, #tpu.memory_space<vmem_shared>>
            tpu.wait_indirect_dma semaphore(%run_scoped3A_114 : memref<!tpu.dma_semaphore, #tpu.memory_space<semaphore_mem>>) src(%arg13 : memref<125x128xf32, #tpu.memory_space<vmem>>) dst(%dma_wait3A_126 : memref<10000x128xf32, #tpu.memory_space<vmem_shared>>)
            tpu.yield
          }) : () -> ()
          %lt3A_109 = arith.constant 78 : i32
          %lt3A_110 = arith.cmpi slt, %scan3A_55, %lt3A_109 : i32
          %convert_element_type3A_111 = arith.extui %lt3A_110 : i1 to i32
          %cond3A_112 = arith.constant 0 : i32
          %cond3A_113 = arith.cmpi ne, %convert_element_type3A_111, %cond3A_112 : i32
          scf.if %cond3A_113 {
            %add3A_114 = arith.constant 2 : i32
            %add3A_115 = arith.addi %scan3A_55, %add3A_114 : i32
            %dma_start3A_116 = arith.constant 0 : i32
            %dma_start3A_117 = tpu.memref_slice %arg9[%add3A_115, %dma_start3A_116] : memref<80x125xi32, #tpu.memory_space<vmem>> -> memref<1x125xi32, #tpu.memory_space<vmem>>
            %dma_start3A_118 = tpu.memref_squeeze %dma_start3A_117 : memref<1x125xi32, #tpu.memory_space<vmem>> -> memref<125xi32, #tpu.memory_space<vmem>>
            %dma_start3A_119 = arith.constant 0 : i32
            %dma_start3A_120 = arith.constant 0 : i32
            %dma_start3A_121 = tpu.memref_slice %arg2[%dma_start3A_119, %dma_start3A_120] : memref<10000x128xf32, #tpu.memory_space<hbm>> -> memref<10000x128xf32, #tpu.memory_space<hbm>>
            tpu.enqueue_indirect_dma source(%dma_start3A_121 : memref<10000x128xf32, #tpu.memory_space<hbm>>) target(%arg13 : memref<125x128xf32, #tpu.memory_space<vmem>>) offsets(%dma_start3A_118 : memref<125xi32, #tpu.memory_space<vmem>>) semaphore(%arg15 : memref<!tpu.dma_semaphore, #tpu.memory_space<semaphore_mem>>)
            %add3A_122 = arith.constant 2 : i32
            %add3A_123 = arith.addi %scan3A_55, %add3A_122 : i32
            %dma_start3A_124 = arith.constant 0 : i32
            %dma_start3A_125 = arith.constant 0 : i32
            %dma_start3A_126 = tpu.memref_slice %arg5[%arg1, %add3A_123, %dma_start3A_124, %dma_start3A_125] : memref<16x80x1x125xi32, #tpu.memory_space<hbm>> -> memref<1x1x1x125xi32, #tpu.memory_space<hbm>>
            %dma_start3A_127 = tpu.memref_squeeze %dma_start3A_126 : memref<1x1x1x125xi32, #tpu.memory_space<hbm>> -> memref<1x125xi32, #tpu.memory_space<hbm>>
            %dma_start3A_128 = arith.constant 0 : i32
            %dma_start3A_129 = arith.constant 0 : i32
            %dma_start3A_130 = tpu.memref_slice %arg5[%arg1, %add3A_123, %dma_start3A_128, %dma_start3A_129] : memref<16x80x1x125xi32, #tpu.memory_space<hbm>> -> memref<1x1x1x125xi32, #tpu.memory_space<hbm>>
            %dma_start3A_131 = tpu.memref_squeeze %dma_start3A_130 : memref<1x1x1x125xi32, #tpu.memory_space<hbm>> -> memref<1x125xi32, #tpu.memory_space<hbm>>
            tpu.enqueue_dma source(%dma_start3A_131 : memref<1x125xi32, #tpu.memory_space<hbm>>) target(%arg11 : memref<1x125xi32, #tpu.memory_space<vmem>>) target_semaphore(%arg17 : memref<!tpu.dma_semaphore, #tpu.memory_space<semaphore_mem>>)
          } else {
          }
        } else {
        }
      }
      %scan3A_48 = arith.constant 80 : i32
      %barrier3A_49 = arith.constant 0 : index
      tpu.barrier barrier_id(%barrier3A_49)
      "tpu.region"() ({
        %run_scoped3A = tpu.sem_alloc : memref<!tpu.dma_semaphore, #tpu.memory_space<semaphore_mem>>
        %dma_start3A_55 = arith.constant 0 : i32
        %dma_start3A_56 = tpu.memref_slice %arg6[%mul3A_7, %dma_start3A_55] : memref<10000x128xf32, #tpu.memory_space<hbm>> -> memref<520x128xf32, #tpu.memory_space<hbm>>
        %dma_start3A_57 = arith.constant 0 : i32
        %dma_start3A_58 = tpu.memref_slice %arg8[%mul3A_7, %dma_start3A_57] : memref<10000x128xf32, #tpu.memory_space<vmem_shared>> -> memref<520x128xf32, #tpu.memory_space<vmem_shared>>
        tpu.enqueue_dma source(%dma_start3A_58 : memref<520x128xf32, #tpu.memory_space<vmem_shared>>) target(%dma_start3A_56 : memref<520x128xf32, #tpu.memory_space<hbm>>) target_semaphore(%run_scoped3A : memref<!tpu.dma_semaphore, #tpu.memory_space<semaphore_mem>>)
        %dma_wait3A = arith.constant 0 : i32
        %dma_wait3A_59 = tpu.memref_slice %arg6[%mul3A_7, %dma_wait3A] : memref<10000x128xf32, #tpu.memory_space<hbm>> -> memref<520x128xf32, #tpu.memory_space<hbm>>
        %dma_wait3A_60 = arith.constant 0 : i32
        %dma_wait3A_61 = tpu.memref_slice %arg8[%mul3A_7, %dma_wait3A_60] : memref<10000x128xf32, #tpu.memory_space<vmem_shared>> -> memref<520x128xf32, #tpu.memory_space<vmem_shared>>
        tpu.wait_dma2 semaphore(%run_scoped3A : memref<!tpu.dma_semaphore, #tpu.memory_space<semaphore_mem>>) src(%dma_wait3A_61 : memref<520x128xf32, #tpu.memory_space<vmem_shared>>) dst(%dma_wait3A_59 : memref<520x128xf32, #tpu.memory_space<hbm>>)
        tpu.yield
      }) : () -> ()
      %lt3A_50 = arith.constant 15 : i32
      %lt3A_51 = arith.cmpi slt, %arg1, %lt3A_50 : i32
      %convert_element_type3A_52 = arith.extui %lt3A_51 : i1 to i32
      %cond3A_53 = arith.constant 0 : i32
      %cond3A_54 = arith.cmpi ne, %convert_element_type3A_52, %cond3A_53 : i32
      scf.if %cond3A_54 {
        "tpu.region"() ({
          %run_scoped3A = tpu.sem_alloc : memref<!tpu.dma_semaphore, #tpu.memory_space<semaphore_mem>>
          %dma_start3A_55 = arith.constant 0 : i32
          %dma_start3A_56 = tpu.memref_slice %arg6[%add3A_8, %dma_start3A_55] : memref<10000x128xf32, #tpu.memory_space<hbm>> -> memref<112x128xf32, #tpu.memory_space<hbm>>
          %dma_start3A_57 = arith.constant 0 : i32
          %dma_start3A_58 = tpu.memref_slice %arg8[%add3A_8, %dma_start3A_57] : memref<10000x128xf32, #tpu.memory_space<vmem_shared>> -> memref<112x128xf32, #tpu.memory_space<vmem_shared>>
          tpu.enqueue_dma source(%dma_start3A_58 : memref<112x128xf32, #tpu.memory_space<vmem_shared>>) target(%dma_start3A_56 : memref<112x128xf32, #tpu.memory_space<hbm>>) target_semaphore(%run_scoped3A : memref<!tpu.dma_semaphore, #tpu.memory_space<semaphore_mem>>)
          %dma_wait3A = arith.constant 0 : i32
          %dma_wait3A_59 = tpu.memref_slice %arg6[%add3A_8, %dma_wait3A] : memref<10000x128xf32, #tpu.memory_space<hbm>> -> memref<112x128xf32, #tpu.memory_space<hbm>>
          %dma_wait3A_60 = arith.constant 0 : i32
          %dma_wait3A_61 = tpu.memref_slice %arg8[%add3A_8, %dma_wait3A_60] : memref<10000x128xf32, #tpu.memory_space<vmem_shared>> -> memref<112x128xf32, #tpu.memory_space<vmem_shared>>
          tpu.wait_dma2 semaphore(%run_scoped3A : memref<!tpu.dma_semaphore, #tpu.memory_space<semaphore_mem>>) src(%dma_wait3A_61 : memref<112x128xf32, #tpu.memory_space<vmem_shared>>) dst(%dma_wait3A_59 : memref<112x128xf32, #tpu.memory_space<hbm>>)
          tpu.yield
        }) : () -> ()
      } else {
      }
    } else {
    }
    %eq3A_2 = arith.constant 1 : i32
    %eq3A_3 = arith.cmpi eq, %arg0, %eq3A_2 : i32
    %convert_element_type3A_4 = arith.extui %eq3A_3 : i1 to i32
    %cond3A_5 = arith.constant 0 : i32
    %cond3A_6 = arith.cmpi ne, %convert_element_type3A_4, %cond3A_5 : i32
    scf.if %cond3A_6 {
      %mul3A = arith.constant 632 : i32
      %mul3A_7 = arith.muli %arg1, %mul3A : i32
      %add3A = arith.constant 520 : i32
      %add3A_8 = arith.addi %mul3A_7, %add3A : i32
      "tpu.region"() ({
        %run_scoped3A = tpu.sem_alloc : memref<!tpu.dma_semaphore, #tpu.memory_space<semaphore_mem>>
        %dma_start3A_55 = arith.constant 0 : i32
        %dma_start3A_56 = arith.constant 0 : i32
        %dma_start3A_57 = tpu.memref_slice %arg4[%arg1, %dma_start3A_55, %dma_start3A_56] : memref<16x80x125xi32, #tpu.memory_space<hbm>> -> memref<1x80x125xi32, #tpu.memory_space<hbm>>
        %dma_start3A_58 = tpu.memref_squeeze %dma_start3A_57 : memref<1x80x125xi32, #tpu.memory_space<hbm>> -> memref<80x125xi32, #tpu.memory_space<hbm>>
        %dma_start3A_59 = arith.constant 0 : i32
        %dma_start3A_60 = arith.constant 0 : i32
        %dma_start3A_61 = tpu.memref_slice %arg4[%arg1, %dma_start3A_59, %dma_start3A_60] : memref<16x80x125xi32, #tpu.memory_space<hbm>> -> memref<1x80x125xi32, #tpu.memory_space<hbm>>
        %dma_start3A_62 = tpu.memref_squeeze %dma_start3A_61 : memref<1x80x125xi32, #tpu.memory_space<hbm>> -> memref<80x125xi32, #tpu.memory_space<hbm>>
        tpu.enqueue_dma source(%dma_start3A_62 : memref<80x125xi32, #tpu.memory_space<hbm>>) target(%arg9 : memref<80x125xi32, #tpu.memory_space<vmem>>) target_semaphore(%run_scoped3A : memref<!tpu.dma_semaphore, #tpu.memory_space<semaphore_mem>>)
        %dma_wait3A = arith.constant 0 : i32
        %dma_wait3A_63 = arith.constant 0 : i32
        %dma_wait3A_64 = tpu.memref_slice %arg4[%arg1, %dma_wait3A, %dma_wait3A_63] : memref<16x80x125xi32, #tpu.memory_space<hbm>> -> memref<1x80x125xi32, #tpu.memory_space<hbm>>
        %dma_wait3A_65 = tpu.memref_squeeze %dma_wait3A_64 : memref<1x80x125xi32, #tpu.memory_space<hbm>> -> memref<80x125xi32, #tpu.memory_space<hbm>>
        %dma_wait3A_66 = arith.constant 0 : i32
        %dma_wait3A_67 = arith.constant 0 : i32
        %dma_wait3A_68 = tpu.memref_slice %arg4[%arg1, %dma_wait3A_66, %dma_wait3A_67] : memref<16x80x125xi32, #tpu.memory_space<hbm>> -> memref<1x80x125xi32, #tpu.memory_space<hbm>>
        %dma_wait3A_69 = tpu.memref_squeeze %dma_wait3A_68 : memref<1x80x125xi32, #tpu.memory_space<hbm>> -> memref<80x125xi32, #tpu.memory_space<hbm>>
        tpu.wait_dma2 semaphore(%run_scoped3A : memref<!tpu.dma_semaphore, #tpu.memory_space<semaphore_mem>>) src(%dma_wait3A_69 : memref<80x125xi32, #tpu.memory_space<hbm>>) dst(%arg9 : memref<80x125xi32, #tpu.memory_space<vmem>>)
        tpu.yield
      }) : () -> ()
      "tpu.region"() ({
        %run_scoped3A = tpu.sem_alloc : memref<!tpu.dma_semaphore, #tpu.memory_space<semaphore_mem>>
        %dma_start3A_55 = arith.constant 0 : i32
        %dma_start3A_56 = tpu.memref_slice %arg8[%mul3A_7, %dma_start3A_55] : memref<10000x128xf32, #tpu.memory_space<vmem_shared>> -> memref<520x128xf32, #tpu.memory_space<vmem_shared>>
        %dma_start3A_57 = arith.constant 0 : i32
        %dma_start3A_58 = tpu.memref_slice %arg3[%mul3A_7, %dma_start3A_57] : memref<10000x128xf32, #tpu.memory_space<hbm>> -> memref<520x128xf32, #tpu.memory_space<hbm>>
        tpu.enqueue_dma source(%dma_start3A_58 : memref<520x128xf32, #tpu.memory_space<hbm>>) target(%dma_start3A_56 : memref<520x128xf32, #tpu.memory_space<vmem_shared>>) target_semaphore(%run_scoped3A : memref<!tpu.dma_semaphore, #tpu.memory_space<semaphore_mem>>)
        %dma_wait3A = arith.constant 0 : i32
        %dma_wait3A_59 = tpu.memref_slice %arg8[%mul3A_7, %dma_wait3A] : memref<10000x128xf32, #tpu.memory_space<vmem_shared>> -> memref<520x128xf32, #tpu.memory_space<vmem_shared>>
        %dma_wait3A_60 = arith.constant 0 : i32
        %dma_wait3A_61 = tpu.memref_slice %arg3[%mul3A_7, %dma_wait3A_60] : memref<10000x128xf32, #tpu.memory_space<hbm>> -> memref<520x128xf32, #tpu.memory_space<hbm>>
        tpu.wait_dma2 semaphore(%run_scoped3A : memref<!tpu.dma_semaphore, #tpu.memory_space<semaphore_mem>>) src(%dma_wait3A_61 : memref<520x128xf32, #tpu.memory_space<hbm>>) dst(%dma_wait3A_59 : memref<520x128xf32, #tpu.memory_space<vmem_shared>>)
        tpu.yield
      }) : () -> ()
      %lt3A = arith.constant 15 : i32
      %lt3A_9 = arith.cmpi slt, %arg1, %lt3A : i32
      %convert_element_type3A_10 = arith.extui %lt3A_9 : i1 to i32
      %cond3A_11 = arith.constant 0 : i32
      %cond3A_12 = arith.cmpi ne, %convert_element_type3A_10, %cond3A_11 : i32
      scf.if %cond3A_12 {
        "tpu.region"() ({
          %run_scoped3A = tpu.sem_alloc : memref<!tpu.dma_semaphore, #tpu.memory_space<semaphore_mem>>
          %dma_start3A_55 = arith.constant 0 : i32
          %dma_start3A_56 = tpu.memref_slice %arg8[%add3A_8, %dma_start3A_55] : memref<10000x128xf32, #tpu.memory_space<vmem_shared>> -> memref<112x128xf32, #tpu.memory_space<vmem_shared>>
          %dma_start3A_57 = arith.constant 0 : i32
          %dma_start3A_58 = tpu.memref_slice %arg3[%add3A_8, %dma_start3A_57] : memref<10000x128xf32, #tpu.memory_space<hbm>> -> memref<112x128xf32, #tpu.memory_space<hbm>>
          tpu.enqueue_dma source(%dma_start3A_58 : memref<112x128xf32, #tpu.memory_space<hbm>>) target(%dma_start3A_56 : memref<112x128xf32, #tpu.memory_space<vmem_shared>>) target_semaphore(%run_scoped3A : memref<!tpu.dma_semaphore, #tpu.memory_space<semaphore_mem>>)
          %dma_wait3A = arith.constant 0 : i32
          %dma_wait3A_59 = tpu.memref_slice %arg8[%add3A_8, %dma_wait3A] : memref<10000x128xf32, #tpu.memory_space<vmem_shared>> -> memref<112x128xf32, #tpu.memory_space<vmem_shared>>
          %dma_wait3A_60 = arith.constant 0 : i32
          %dma_wait3A_61 = tpu.memref_slice %arg3[%add3A_8, %dma_wait3A_60] : memref<10000x128xf32, #tpu.memory_space<hbm>> -> memref<112x128xf32, #tpu.memory_space<hbm>>
          tpu.wait_dma2 semaphore(%run_scoped3A : memref<!tpu.dma_semaphore, #tpu.memory_space<semaphore_mem>>) src(%dma_wait3A_61 : memref<112x128xf32, #tpu.memory_space<hbm>>) dst(%dma_wait3A_59 : memref<112x128xf32, #tpu.memory_space<vmem_shared>>)
          tpu.yield
        }) : () -> ()
      } else {
      }
      %barrier3A = arith.constant 0 : index
      tpu.barrier barrier_id(%barrier3A)
      %dma_start3A = arith.constant 0 : i32
      %dma_start3A_13 = arith.constant 0 : i32
      %dma_start3A_14 = tpu.memref_slice %arg9[%dma_start3A, %dma_start3A_13] : memref<80x125xi32, #tpu.memory_space<vmem>> -> memref<1x125xi32, #tpu.memory_space<vmem>>
      %dma_start3A_15 = tpu.memref_squeeze %dma_start3A_14 : memref<1x125xi32, #tpu.memory_space<vmem>> -> memref<125xi32, #tpu.memory_space<vmem>>
      %dma_start3A_16 = arith.constant 0 : i32
      %dma_start3A_17 = arith.constant 0 : i32
      %dma_start3A_18 = tpu.memref_slice %arg3[%dma_start3A_16, %dma_start3A_17] : memref<10000x128xf32, #tpu.memory_space<hbm>> -> memref<10000x128xf32, #tpu.memory_space<hbm>>
      tpu.enqueue_indirect_dma source(%dma_start3A_18 : memref<10000x128xf32, #tpu.memory_space<hbm>>) target(%arg12 : memref<125x128xf32, #tpu.memory_space<vmem>>) offsets(%dma_start3A_15 : memref<125xi32, #tpu.memory_space<vmem>>) semaphore(%arg14 : memref<!tpu.dma_semaphore, #tpu.memory_space<semaphore_mem>>)
      %dma_start3A_19 = arith.constant 1 : i32
      %dma_start3A_20 = arith.constant 0 : i32
      %dma_start3A_21 = tpu.memref_slice %arg9[%dma_start3A_19, %dma_start3A_20] : memref<80x125xi32, #tpu.memory_space<vmem>> -> memref<1x125xi32, #tpu.memory_space<vmem>>
      %dma_start3A_22 = tpu.memref_squeeze %dma_start3A_21 : memref<1x125xi32, #tpu.memory_space<vmem>> -> memref<125xi32, #tpu.memory_space<vmem>>
      %dma_start3A_23 = arith.constant 0 : i32
      %dma_start3A_24 = arith.constant 0 : i32
      %dma_start3A_25 = tpu.memref_slice %arg3[%dma_start3A_23, %dma_start3A_24] : memref<10000x128xf32, #tpu.memory_space<hbm>> -> memref<10000x128xf32, #tpu.memory_space<hbm>>
      tpu.enqueue_indirect_dma source(%dma_start3A_25 : memref<10000x128xf32, #tpu.memory_space<hbm>>) target(%arg13 : memref<125x128xf32, #tpu.memory_space<vmem>>) offsets(%dma_start3A_22 : memref<125xi32, #tpu.memory_space<vmem>>) semaphore(%arg15 : memref<!tpu.dma_semaphore, #tpu.memory_space<semaphore_mem>>)
      %dma_start3A_26 = arith.constant 0 : i32
      %dma_start3A_27 = arith.constant 0 : i32
      %dma_start3A_28 = arith.constant 0 : i32
      %dma_start3A_29 = tpu.memref_slice %arg5[%arg1, %dma_start3A_26, %dma_start3A_27, %dma_start3A_28] : memref<16x80x1x125xi32, #tpu.memory_space<hbm>> -> memref<1x1x1x125xi32, #tpu.memory_space<hbm>>
      %dma_start3A_30 = tpu.memref_squeeze %dma_start3A_29 : memref<1x1x1x125xi32, #tpu.memory_space<hbm>> -> memref<1x125xi32, #tpu.memory_space<hbm>>
      %dma_start3A_31 = arith.constant 0 : i32
      %dma_start3A_32 = arith.constant 0 : i32
      %dma_start3A_33 = tpu.memref_slice %arg5[%arg1, %dma_start3A_26, %dma_start3A_31, %dma_start3A_32] : memref<16x80x1x125xi32, #tpu.memory_space<hbm>> -> memref<1x1x1x125xi32, #tpu.memory_space<hbm>>
      %dma_start3A_34 = tpu.memref_squeeze %dma_start3A_33 : memref<1x1x1x125xi32, #tpu.memory_space<hbm>> -> memref<1x125xi32, #tpu.memory_space<hbm>>
      tpu.enqueue_dma source(%dma_start3A_34 : memref<1x125xi32, #tpu.memory_space<hbm>>) target(%arg10 : memref<1x125xi32, #tpu.memory_space<vmem>>) target_semaphore(%arg16 : memref<!tpu.dma_semaphore, #tpu.memory_space<semaphore_mem>>)
      %dma_start3A_35 = arith.constant 1 : i32
      %dma_start3A_36 = arith.constant 0 : i32
      %dma_start3A_37 = arith.constant 0 : i32
      %dma_start3A_38 = tpu.memref_slice %arg5[%arg1, %dma_start3A_35, %dma_start3A_36, %dma_start3A_37] : memref<16x80x1x125xi32, #tpu.memory_space<hbm>> -> memref<1x1x1x125xi32, #tpu.memory_space<hbm>>
      %dma_start3A_39 = tpu.memref_squeeze %dma_start3A_38 : memref<1x1x1x125xi32, #tpu.memory_space<hbm>> -> memref<1x125xi32, #tpu.memory_space<hbm>>
      %dma_start3A_40 = arith.constant 0 : i32
      %dma_start3A_41 = arith.constant 0 : i32
      %dma_start3A_42 = tpu.memref_slice %arg5[%arg1, %dma_start3A_35, %dma_start3A_40, %dma_start3A_41] : memref<16x80x1x125xi32, #tpu.memory_space<hbm>> -> memref<1x1x1x125xi32, #tpu.memory_space<hbm>>
      %dma_start3A_43 = tpu.memref_squeeze %dma_start3A_42 : memref<1x1x1x125xi32, #tpu.memory_space<hbm>> -> memref<1x125xi32, #tpu.memory_space<hbm>>
      tpu.enqueue_dma source(%dma_start3A_43 : memref<1x125xi32, #tpu.memory_space<hbm>>) target(%arg11 : memref<1x125xi32, #tpu.memory_space<vmem>>) target_semaphore(%arg17 : memref<!tpu.dma_semaphore, #tpu.memory_space<semaphore_mem>>)
      %scan3A = arith.constant 0 : i32
      %scan3A_44 = arith.constant 0 : i32
      %scan3A_45 = arith.constant 80 : i32
      %scan3A_46 = arith.addi %scan3A_44, %scan3A_45 : i32
      %scan3A_47 = arith.constant 1 : i32
      scf.for %scan3A_55 = %scan3A_44 to %scan3A_46 step %scan3A_47  : i32 {
        %jit3A = arith.constant 2 : i32
        %eq3A_56 = arith.constant 0 : i32
        %eq3A_57 = arith.cmpi eq, %jit3A, %eq3A_56 : i32
        %jit3A_58 = arith.constant 1 : i32
        %select_n3A = arith.select %eq3A_57, %jit3A_58, %jit3A : i32
        %rem3A = arith.remsi %scan3A_55, %select_n3A : i32
        %ne3A = arith.constant 0 : i32
        %ne3A_59 = arith.cmpi ne, %rem3A, %ne3A : i32
        %lt3A_60 = arith.constant 0 : i32
        %lt3A_61 = arith.cmpi slt, %rem3A, %lt3A_60 : i32
        %lt3A_62 = arith.constant 0 : i32
        %lt3A_63 = arith.cmpi slt, %select_n3A, %lt3A_62 : i32
        %ne3A_64 = arith.xori %lt3A_61, %lt3A_63 : i1
        %and3A = arith.andi %ne3A_64, %ne3A_59 : i1
        %add3A_65 = arith.addi %rem3A, %select_n3A : i32
        %select_n3A_66 = arith.select %and3A, %add3A_65, %rem3A : i32
        %eq3A_67 = arith.constant 0 : i32
        %eq3A_68 = arith.cmpi eq, %select_n3A_66, %eq3A_67 : i32
        %convert_element_type3A_69 = arith.extui %eq3A_68 : i1 to i32
        %cond3A_70 = arith.constant 0 : i32
        %cond3A_71 = arith.cmpi ne, %convert_element_type3A_69, %cond3A_70 : i32
        scf.if %cond3A_71 {
          %dma_wait3A = arith.constant 0 : i32
          %dma_wait3A_93 = arith.constant 0 : i32
          %dma_wait3A_94 = arith.constant 0 : i32
          %dma_wait3A_95 = arith.constant 0 : i32
          %dma_wait3A_96 = tpu.memref_slice %arg5[%dma_wait3A, %dma_wait3A_93, %dma_wait3A_94, %dma_wait3A_95] : memref<16x80x1x125xi32, #tpu.memory_space<hbm>> -> memref<1x1x1x125xi32, #tpu.memory_space<hbm>>
          %dma_wait3A_97 = tpu.memref_squeeze %dma_wait3A_96 : memref<1x1x1x125xi32, #tpu.memory_space<hbm>> -> memref<1x125xi32, #tpu.memory_space<hbm>>
          %dma_wait3A_98 = arith.constant 0 : i32
          %dma_wait3A_99 = arith.constant 0 : i32
          %dma_wait3A_100 = tpu.memref_slice %arg5[%dma_wait3A, %dma_wait3A_93, %dma_wait3A_98, %dma_wait3A_99] : memref<16x80x1x125xi32, #tpu.memory_space<hbm>> -> memref<1x1x1x125xi32, #tpu.memory_space<hbm>>
          %dma_wait3A_101 = tpu.memref_squeeze %dma_wait3A_100 : memref<1x1x1x125xi32, #tpu.memory_space<hbm>> -> memref<1x125xi32, #tpu.memory_space<hbm>>
          tpu.wait_dma2 semaphore(%arg16 : memref<!tpu.dma_semaphore, #tpu.memory_space<semaphore_mem>>) src(%dma_wait3A_101 : memref<1x125xi32, #tpu.memory_space<hbm>>) dst(%arg10 : memref<1x125xi32, #tpu.memory_space<vmem>>)
          %dma_wait3A_102 = arith.constant 0 : i32
          %dma_wait3A_103 = arith.constant 0 : i32
          %dma_wait3A_104 = tpu.memref_slice %arg9[%dma_wait3A_102, %dma_wait3A_103] : memref<80x125xi32, #tpu.memory_space<vmem>> -> memref<1x125xi32, #tpu.memory_space<vmem>>
          %dma_wait3A_105 = tpu.memref_squeeze %dma_wait3A_104 : memref<1x125xi32, #tpu.memory_space<vmem>> -> memref<125xi32, #tpu.memory_space<vmem>>
          %dma_wait3A_106 = arith.constant 0 : i32
          %dma_wait3A_107 = arith.constant 0 : i32
          %dma_wait3A_108 = tpu.memref_slice %arg3[%dma_wait3A_106, %dma_wait3A_107] : memref<10000x128xf32, #tpu.memory_space<hbm>> -> memref<10000x128xf32, #tpu.memory_space<hbm>>
          tpu.wait_indirect_dma semaphore(%arg14 : memref<!tpu.dma_semaphore, #tpu.memory_space<semaphore_mem>>) src(%dma_wait3A_108 : memref<10000x128xf32, #tpu.memory_space<hbm>>) dst(%arg12 : memref<125x128xf32, #tpu.memory_space<vmem>>)
          %run_scoped3A = arith.constant 0 : i32
          "tpu.region"() ({
            %run_scoped3A_114 = tpu.sem_alloc : memref<!tpu.dma_semaphore, #tpu.memory_space<semaphore_mem>>
            %dma_start3A_115 = arith.constant 0 : i32
            %dma_start3A_116 = tpu.memref_slice %arg10[%run_scoped3A, %dma_start3A_115] : memref<1x125xi32, #tpu.memory_space<vmem>> -> memref<1x125xi32, #tpu.memory_space<vmem>>
            %dma_start3A_117 = tpu.memref_squeeze %dma_start3A_116 : memref<1x125xi32, #tpu.memory_space<vmem>> -> memref<125xi32, #tpu.memory_space<vmem>>
            %dma_start3A_118 = arith.constant 0 : i32
            %dma_start3A_119 = arith.constant 0 : i32
            %dma_start3A_120 = tpu.memref_slice %arg8[%dma_start3A_118, %dma_start3A_119] : memref<10000x128xf32, #tpu.memory_space<vmem_shared>> -> memref<10000x128xf32, #tpu.memory_space<vmem_shared>>
            tpu.enqueue_indirect_dma source(%arg12 : memref<125x128xf32, #tpu.memory_space<vmem>>) target(%dma_start3A_120 : memref<10000x128xf32, #tpu.memory_space<vmem_shared>>) offsets(%dma_start3A_117 : memref<125xi32, #tpu.memory_space<vmem>>) semaphore(%run_scoped3A_114 : memref<!tpu.dma_semaphore, #tpu.memory_space<semaphore_mem>>) {add = true}
            %dma_wait3A_121 = arith.constant 0 : i32
            %dma_wait3A_122 = tpu.memref_slice %arg10[%run_scoped3A, %dma_wait3A_121] : memref<1x125xi32, #tpu.memory_space<vmem>> -> memref<1x125xi32, #tpu.memory_space<vmem>>
            %dma_wait3A_123 = tpu.memref_squeeze %dma_wait3A_122 : memref<1x125xi32, #tpu.memory_space<vmem>> -> memref<125xi32, #tpu.memory_space<vmem>>
            %dma_wait3A_124 = arith.constant 0 : i32
            %dma_wait3A_125 = arith.constant 0 : i32
            %dma_wait3A_126 = tpu.memref_slice %arg8[%dma_wait3A_124, %dma_wait3A_125] : memref<10000x128xf32, #tpu.memory_space<vmem_shared>> -> memref<10000x128xf32, #tpu.memory_space<vmem_shared>>
            tpu.wait_indirect_dma semaphore(%run_scoped3A_114 : memref<!tpu.dma_semaphore, #tpu.memory_space<semaphore_mem>>) src(%arg12 : memref<125x128xf32, #tpu.memory_space<vmem>>) dst(%dma_wait3A_126 : memref<10000x128xf32, #tpu.memory_space<vmem_shared>>)
            tpu.yield
          }) : () -> ()
          %lt3A_109 = arith.constant 78 : i32
          %lt3A_110 = arith.cmpi slt, %scan3A_55, %lt3A_109 : i32
          %convert_element_type3A_111 = arith.extui %lt3A_110 : i1 to i32
          %cond3A_112 = arith.constant 0 : i32
          %cond3A_113 = arith.cmpi ne, %convert_element_type3A_111, %cond3A_112 : i32
          scf.if %cond3A_113 {
            %add3A_114 = arith.constant 2 : i32
            %add3A_115 = arith.addi %scan3A_55, %add3A_114 : i32
            %dma_start3A_116 = arith.constant 0 : i32
            %dma_start3A_117 = tpu.memref_slice %arg9[%add3A_115, %dma_start3A_116] : memref<80x125xi32, #tpu.memory_space<vmem>> -> memref<1x125xi32, #tpu.memory_space<vmem>>
            %dma_start3A_118 = tpu.memref_squeeze %dma_start3A_117 : memref<1x125xi32, #tpu.memory_space<vmem>> -> memref<125xi32, #tpu.memory_space<vmem>>
            %dma_start3A_119 = arith.constant 0 : i32
            %dma_start3A_120 = arith.constant 0 : i32
            %dma_start3A_121 = tpu.memref_slice %arg3[%dma_start3A_119, %dma_start3A_120] : memref<10000x128xf32, #tpu.memory_space<hbm>> -> memref<10000x128xf32, #tpu.memory_space<hbm>>
            tpu.enqueue_indirect_dma source(%dma_start3A_121 : memref<10000x128xf32, #tpu.memory_space<hbm>>) target(%arg12 : memref<125x128xf32, #tpu.memory_space<vmem>>) offsets(%dma_start3A_118 : memref<125xi32, #tpu.memory_space<vmem>>) semaphore(%arg14 : memref<!tpu.dma_semaphore, #tpu.memory_space<semaphore_mem>>)
            %add3A_122 = arith.constant 2 : i32
            %add3A_123 = arith.addi %scan3A_55, %add3A_122 : i32
            %dma_start3A_124 = arith.constant 0 : i32
            %dma_start3A_125 = arith.constant 0 : i32
            %dma_start3A_126 = tpu.memref_slice %arg5[%arg1, %add3A_123, %dma_start3A_124, %dma_start3A_125] : memref<16x80x1x125xi32, #tpu.memory_space<hbm>> -> memref<1x1x1x125xi32, #tpu.memory_space<hbm>>
            %dma_start3A_127 = tpu.memref_squeeze %dma_start3A_126 : memref<1x1x1x125xi32, #tpu.memory_space<hbm>> -> memref<1x125xi32, #tpu.memory_space<hbm>>
            %dma_start3A_128 = arith.constant 0 : i32
            %dma_start3A_129 = arith.constant 0 : i32
            %dma_start3A_130 = tpu.memref_slice %arg5[%arg1, %add3A_123, %dma_start3A_128, %dma_start3A_129] : memref<16x80x1x125xi32, #tpu.memory_space<hbm>> -> memref<1x1x1x125xi32, #tpu.memory_space<hbm>>
            %dma_start3A_131 = tpu.memref_squeeze %dma_start3A_130 : memref<1x1x1x125xi32, #tpu.memory_space<hbm>> -> memref<1x125xi32, #tpu.memory_space<hbm>>
            tpu.enqueue_dma source(%dma_start3A_131 : memref<1x125xi32, #tpu.memory_space<hbm>>) target(%arg10 : memref<1x125xi32, #tpu.memory_space<vmem>>) target_semaphore(%arg16 : memref<!tpu.dma_semaphore, #tpu.memory_space<semaphore_mem>>)
          } else {
          }
        } else {
        }
        %jit3A_72 = arith.constant 2 : i32
        %eq3A_73 = arith.constant 0 : i32
        %eq3A_74 = arith.cmpi eq, %jit3A_72, %eq3A_73 : i32
        %jit3A_75 = arith.constant 1 : i32
        %select_n3A_76 = arith.select %eq3A_74, %jit3A_75, %jit3A_72 : i32
        %rem3A_77 = arith.remsi %scan3A_55, %select_n3A_76 : i32
        %ne3A_78 = arith.constant 0 : i32
        %ne3A_79 = arith.cmpi ne, %rem3A_77, %ne3A_78 : i32
        %lt3A_80 = arith.constant 0 : i32
        %lt3A_81 = arith.cmpi slt, %rem3A_77, %lt3A_80 : i32
        %lt3A_82 = arith.constant 0 : i32
        %lt3A_83 = arith.cmpi slt, %select_n3A_76, %lt3A_82 : i32
        %ne3A_84 = arith.xori %lt3A_81, %lt3A_83 : i1
        %and3A_85 = arith.andi %ne3A_84, %ne3A_79 : i1
        %add3A_86 = arith.addi %rem3A_77, %select_n3A_76 : i32
        %select_n3A_87 = arith.select %and3A_85, %add3A_86, %rem3A_77 : i32
        %eq3A_88 = arith.constant 1 : i32
        %eq3A_89 = arith.cmpi eq, %select_n3A_87, %eq3A_88 : i32
        %convert_element_type3A_90 = arith.extui %eq3A_89 : i1 to i32
        %cond3A_91 = arith.constant 0 : i32
        %cond3A_92 = arith.cmpi ne, %convert_element_type3A_90, %cond3A_91 : i32
        scf.if %cond3A_92 {
          %dma_wait3A = arith.constant 0 : i32
          %dma_wait3A_93 = arith.constant 0 : i32
          %dma_wait3A_94 = arith.constant 0 : i32
          %dma_wait3A_95 = arith.constant 0 : i32
          %dma_wait3A_96 = tpu.memref_slice %arg5[%dma_wait3A, %dma_wait3A_93, %dma_wait3A_94, %dma_wait3A_95] : memref<16x80x1x125xi32, #tpu.memory_space<hbm>> -> memref<1x1x1x125xi32, #tpu.memory_space<hbm>>
          %dma_wait3A_97 = tpu.memref_squeeze %dma_wait3A_96 : memref<1x1x1x125xi32, #tpu.memory_space<hbm>> -> memref<1x125xi32, #tpu.memory_space<hbm>>
          %dma_wait3A_98 = arith.constant 0 : i32
          %dma_wait3A_99 = arith.constant 0 : i32
          %dma_wait3A_100 = tpu.memref_slice %arg5[%dma_wait3A, %dma_wait3A_93, %dma_wait3A_98, %dma_wait3A_99] : memref<16x80x1x125xi32, #tpu.memory_space<hbm>> -> memref<1x1x1x125xi32, #tpu.memory_space<hbm>>
          %dma_wait3A_101 = tpu.memref_squeeze %dma_wait3A_100 : memref<1x1x1x125xi32, #tpu.memory_space<hbm>> -> memref<1x125xi32, #tpu.memory_space<hbm>>
          tpu.wait_dma2 semaphore(%arg17 : memref<!tpu.dma_semaphore, #tpu.memory_space<semaphore_mem>>) src(%dma_wait3A_101 : memref<1x125xi32, #tpu.memory_space<hbm>>) dst(%arg11 : memref<1x125xi32, #tpu.memory_space<vmem>>)
          %dma_wait3A_102 = arith.constant 0 : i32
          %dma_wait3A_103 = arith.constant 0 : i32
          %dma_wait3A_104 = tpu.memref_slice %arg9[%dma_wait3A_102, %dma_wait3A_103] : memref<80x125xi32, #tpu.memory_space<vmem>> -> memref<1x125xi32, #tpu.memory_space<vmem>>
          %dma_wait3A_105 = tpu.memref_squeeze %dma_wait3A_104 : memref<1x125xi32, #tpu.memory_space<vmem>> -> memref<125xi32, #tpu.memory_space<vmem>>
          %dma_wait3A_106 = arith.constant 0 : i32
          %dma_wait3A_107 = arith.constant 0 : i32
          %dma_wait3A_108 = tpu.memref_slice %arg3[%dma_wait3A_106, %dma_wait3A_107] : memref<10000x128xf32, #tpu.memory_space<hbm>> -> memref<10000x128xf32, #tpu.memory_space<hbm>>
          tpu.wait_indirect_dma semaphore(%arg15 : memref<!tpu.dma_semaphore, #tpu.memory_space<semaphore_mem>>) src(%dma_wait3A_108 : memref<10000x128xf32, #tpu.memory_space<hbm>>) dst(%arg13 : memref<125x128xf32, #tpu.memory_space<vmem>>)
          %run_scoped3A = arith.constant 0 : i32
          "tpu.region"() ({
            %run_scoped3A_114 = tpu.sem_alloc : memref<!tpu.dma_semaphore, #tpu.memory_space<semaphore_mem>>
            %dma_start3A_115 = arith.constant 0 : i32
            %dma_start3A_116 = tpu.memref_slice %arg11[%run_scoped3A, %dma_start3A_115] : memref<1x125xi32, #tpu.memory_space<vmem>> -> memref<1x125xi32, #tpu.memory_space<vmem>>
            %dma_start3A_117 = tpu.memref_squeeze %dma_start3A_116 : memref<1x125xi32, #tpu.memory_space<vmem>> -> memref<125xi32, #tpu.memory_space<vmem>>
            %dma_start3A_118 = arith.constant 0 : i32
            %dma_start3A_119 = arith.constant 0 : i32
            %dma_start3A_120 = tpu.memref_slice %arg8[%dma_start3A_118, %dma_start3A_119] : memref<10000x128xf32, #tpu.memory_space<vmem_shared>> -> memref<10000x128xf32, #tpu.memory_space<vmem_shared>>
            tpu.enqueue_indirect_dma source(%arg13 : memref<125x128xf32, #tpu.memory_space<vmem>>) target(%dma_start3A_120 : memref<10000x128xf32, #tpu.memory_space<vmem_shared>>) offsets(%dma_start3A_117 : memref<125xi32, #tpu.memory_space<vmem>>) semaphore(%run_scoped3A_114 : memref<!tpu.dma_semaphore, #tpu.memory_space<semaphore_mem>>) {add = true}
            %dma_wait3A_121 = arith.constant 0 : i32
            %dma_wait3A_122 = tpu.memref_slice %arg11[%run_scoped3A, %dma_wait3A_121] : memref<1x125xi32, #tpu.memory_space<vmem>> -> memref<1x125xi32, #tpu.memory_space<vmem>>
            %dma_wait3A_123 = tpu.memref_squeeze %dma_wait3A_122 : memref<1x125xi32, #tpu.memory_space<vmem>> -> memref<125xi32, #tpu.memory_space<vmem>>
            %dma_wait3A_124 = arith.constant 0 : i32
            %dma_wait3A_125 = arith.constant 0 : i32
            %dma_wait3A_126 = tpu.memref_slice %arg8[%dma_wait3A_124, %dma_wait3A_125] : memref<10000x128xf32, #tpu.memory_space<vmem_shared>> -> memref<10000x128xf32, #tpu.memory_space<vmem_shared>>
            tpu.wait_indirect_dma semaphore(%run_scoped3A_114 : memref<!tpu.dma_semaphore, #tpu.memory_space<semaphore_mem>>) src(%arg13 : memref<125x128xf32, #tpu.memory_space<vmem>>) dst(%dma_wait3A_126 : memref<10000x128xf32, #tpu.memory_space<vmem_shared>>)
            tpu.yield
          }) : () -> ()
          %lt3A_109 = arith.constant 78 : i32
          %lt3A_110 = arith.cmpi slt, %scan3A_55, %lt3A_109 : i32
          %convert_element_type3A_111 = arith.extui %lt3A_110 : i1 to i32
          %cond3A_112 = arith.constant 0 : i32
          %cond3A_113 = arith.cmpi ne, %convert_element_type3A_111, %cond3A_112 : i32
          scf.if %cond3A_113 {
            %add3A_114 = arith.constant 2 : i32
            %add3A_115 = arith.addi %scan3A_55, %add3A_114 : i32
            %dma_start3A_116 = arith.constant 0 : i32
            %dma_start3A_117 = tpu.memref_slice %arg9[%add3A_115, %dma_start3A_116] : memref<80x125xi32, #tpu.memory_space<vmem>> -> memref<1x125xi32, #tpu.memory_space<vmem>>
            %dma_start3A_118 = tpu.memref_squeeze %dma_start3A_117 : memref<1x125xi32, #tpu.memory_space<vmem>> -> memref<125xi32, #tpu.memory_space<vmem>>
            %dma_start3A_119 = arith.constant 0 : i32
            %dma_start3A_120 = arith.constant 0 : i32
            %dma_start3A_121 = tpu.memref_slice %arg3[%dma_start3A_119, %dma_start3A_120] : memref<10000x128xf32, #tpu.memory_space<hbm>> -> memref<10000x128xf32, #tpu.memory_space<hbm>>
            tpu.enqueue_indirect_dma source(%dma_start3A_121 : memref<10000x128xf32, #tpu.memory_space<hbm>>) target(%arg13 : memref<125x128xf32, #tpu.memory_space<vmem>>) offsets(%dma_start3A_118 : memref<125xi32, #tpu.memory_space<vmem>>) semaphore(%arg15 : memref<!tpu.dma_semaphore, #tpu.memory_space<semaphore_mem>>)
            %add3A_122 = arith.constant 2 : i32
            %add3A_123 = arith.addi %scan3A_55, %add3A_122 : i32
            %dma_start3A_124 = arith.constant 0 : i32
            %dma_start3A_125 = arith.constant 0 : i32
            %dma_start3A_126 = tpu.memref_slice %arg5[%arg1, %add3A_123, %dma_start3A_124, %dma_start3A_125] : memref<16x80x1x125xi32, #tpu.memory_space<hbm>> -> memref<1x1x1x125xi32, #tpu.memory_space<hbm>>
            %dma_start3A_127 = tpu.memref_squeeze %dma_start3A_126 : memref<1x1x1x125xi32, #tpu.memory_space<hbm>> -> memref<1x125xi32, #tpu.memory_space<hbm>>
            %dma_start3A_128 = arith.constant 0 : i32
            %dma_start3A_129 = arith.constant 0 : i32
            %dma_start3A_130 = tpu.memref_slice %arg5[%arg1, %add3A_123, %dma_start3A_128, %dma_start3A_129] : memref<16x80x1x125xi32, #tpu.memory_space<hbm>> -> memref<1x1x1x125xi32, #tpu.memory_space<hbm>>
            %dma_start3A_131 = tpu.memref_squeeze %dma_start3A_130 : memref<1x1x1x125xi32, #tpu.memory_space<hbm>> -> memref<1x125xi32, #tpu.memory_space<hbm>>
            tpu.enqueue_dma source(%dma_start3A_131 : memref<1x125xi32, #tpu.memory_space<hbm>>) target(%arg11 : memref<1x125xi32, #tpu.memory_space<vmem>>) target_semaphore(%arg17 : memref<!tpu.dma_semaphore, #tpu.memory_space<semaphore_mem>>)
          } else {
          }
        } else {
        }
      }
      %scan3A_48 = arith.constant 80 : i32
      %barrier3A_49 = arith.constant 0 : index
      tpu.barrier barrier_id(%barrier3A_49)
      "tpu.region"() ({
        %run_scoped3A = tpu.sem_alloc : memref<!tpu.dma_semaphore, #tpu.memory_space<semaphore_mem>>
        %dma_start3A_55 = arith.constant 0 : i32
        %dma_start3A_56 = tpu.memref_slice %arg7[%mul3A_7, %dma_start3A_55] : memref<10000x128xf32, #tpu.memory_space<hbm>> -> memref<520x128xf32, #tpu.memory_space<hbm>>
        %dma_start3A_57 = arith.constant 0 : i32
        %dma_start3A_58 = tpu.memref_slice %arg8[%mul3A_7, %dma_start3A_57] : memref<10000x128xf32, #tpu.memory_space<vmem_shared>> -> memref<520x128xf32, #tpu.memory_space<vmem_shared>>
        tpu.enqueue_dma source(%dma_start3A_58 : memref<520x128xf32, #tpu.memory_space<vmem_shared>>) target(%dma_start3A_56 : memref<520x128xf32, #tpu.memory_space<hbm>>) target_semaphore(%run_scoped3A : memref<!tpu.dma_semaphore, #tpu.memory_space<semaphore_mem>>)
        %dma_wait3A = arith.constant 0 : i32
        %dma_wait3A_59 = tpu.memref_slice %arg7[%mul3A_7, %dma_wait3A] : memref<10000x128xf32, #tpu.memory_space<hbm>> -> memref<520x128xf32, #tpu.memory_space<hbm>>
        %dma_wait3A_60 = arith.constant 0 : i32
        %dma_wait3A_61 = tpu.memref_slice %arg8[%mul3A_7, %dma_wait3A_60] : memref<10000x128xf32, #tpu.memory_space<vmem_shared>> -> memref<520x128xf32, #tpu.memory_space<vmem_shared>>
        tpu.wait_dma2 semaphore(%run_scoped3A : memref<!tpu.dma_semaphore, #tpu.memory_space<semaphore_mem>>) src(%dma_wait3A_61 : memref<520x128xf32, #tpu.memory_space<vmem_shared>>) dst(%dma_wait3A_59 : memref<520x128xf32, #tpu.memory_space<hbm>>)
        tpu.yield
      }) : () -> ()
      %lt3A_50 = arith.constant 15 : i32
      %lt3A_51 = arith.cmpi slt, %arg1, %lt3A_50 : i32
      %convert_element_type3A_52 = arith.extui %lt3A_51 : i1 to i32
      %cond3A_53 = arith.constant 0 : i32
      %cond3A_54 = arith.cmpi ne, %convert_element_type3A_52, %cond3A_53 : i32
      scf.if %cond3A_54 {
        "tpu.region"() ({
          %run_scoped3A = tpu.sem_alloc : memref<!tpu.dma_semaphore, #tpu.memory_space<semaphore_mem>>
          %dma_start3A_55 = arith.constant 0 : i32
          %dma_start3A_56 = tpu.memref_slice %arg7[%add3A_8, %dma_start3A_55] : memref<10000x128xf32, #tpu.memory_space<hbm>> -> memref<112x128xf32, #tpu.memory_space<hbm>>
          %dma_start3A_57 = arith.constant 0 : i32
          %dma_start3A_58 = tpu.memref_slice %arg8[%add3A_8, %dma_start3A_57] : memref<10000x128xf32, #tpu.memory_space<vmem_shared>> -> memref<112x128xf32, #tpu.memory_space<vmem_shared>>
          tpu.enqueue_dma source(%dma_start3A_58 : memref<112x128xf32, #tpu.memory_space<vmem_shared>>) target(%dma_start3A_56 : memref<112x128xf32, #tpu.memory_space<hbm>>) target_semaphore(%run_scoped3A : memref<!tpu.dma_semaphore, #tpu.memory_space<semaphore_mem>>)
          %dma_wait3A = arith.constant 0 : i32
          %dma_wait3A_59 = tpu.memref_slice %arg7[%add3A_8, %dma_wait3A] : memref<10000x128xf32, #tpu.memory_space<hbm>> -> memref<112x128xf32, #tpu.memory_space<hbm>>
          %dma_wait3A_60 = arith.constant 0 : i32
          %dma_wait3A_61 = tpu.memref_slice %arg8[%add3A_8, %dma_wait3A_60] : memref<10000x128xf32, #tpu.memory_space<vmem_shared>> -> memref<112x128xf32, #tpu.memory_space<vmem_shared>>
          tpu.wait_dma2 semaphore(%run_scoped3A : memref<!tpu.dma_semaphore, #tpu.memory_space<semaphore_mem>>) src(%dma_wait3A_61 : memref<112x128xf32, #tpu.memory_space<vmem_shared>>) dst(%dma_wait3A_59 : memref<112x128xf32, #tpu.memory_space<hbm>>)
          tpu.yield
        }) : () -> ()
      } else {
      }
    } else {
    }
    return
  }
}

#map = affine_map<(d0, d1) -> (0)>
module attributes {stable_mosaic.version = 14 : i64} {
  func.func @_deg_kernel(%arg0: i32, %arg1: i32, %arg2: memref<160000xi32, #tpu.memory_space<hbm>>, %arg3: memref<320000xf32, #tpu.memory_space<hbm>>, %arg4: memref<10000xf32, #tpu.memory_space<vmem>>, %arg5: memref<5016xi32, #tpu.memory_space<vmem>>) attributes {dimension_semantics = [#tpu.dimension_semantics<core_parallel>, #tpu.dimension_semantics<subcore_parallel>], iteration_bounds = array<i64: 2, 16>, scalar_prefetch = 0 : i64, scratch_operands = 2 : i64, tpu.core_type = #tpu.core_type<sc_vector_subcore>, window_params = [{transform_indices = #map}, {transform_indices = #map}]} {
    %mul3A = arith.constant 2 : i32
    %mul3A_0 = arith.muli %arg1, %mul3A : i32
    %add3A = arith.addi %mul3A_0, %arg0 : i32
    %broadcast_in_dim3A = arith.constant 0.000000e+00 : f32
    %broadcast_in_dim3A_1 = vector.broadcast %broadcast_in_dim3A : f32 to vector<16xf32>
    %scan3A = arith.constant 0 : i32
    %scan3A_2 = arith.constant 0 : i32
    %scan3A_3 = arith.constant 625 : i32
    %scan3A_4 = arith.addi %scan3A_2, %scan3A_3 : i32
    %scan3A_5 = arith.constant 1 : i32
    scf.for %scan3A_19 = %scan3A_2 to %scan3A_4 step %scan3A_5  : i32 {
      %mul3A_20 = arith.constant 16 : i32
      %mul3A_21 = arith.muli %scan3A_19, %mul3A_20 : i32
      %swap3A = arith.index_cast %mul3A_21 : i32 to index
      %swap3A_22 = tpu.vector_load %arg4[%swap3A] {strides = array<i32>} : memref<10000xf32, #tpu.memory_space<vmem>>, vector<16xf32>,
      tpu.vector_store %arg4[%swap3A], %broadcast_in_dim3A_1 {strides = array<i32>} : memref<10000xf32, #tpu.memory_space<vmem>>, vector<16xf32>,
    }
    %scan3A_6 = arith.constant 625 : i32
    %mul3A_7 = arith.constant 5000 : i32
    %mul3A_8 = arith.muli %add3A, %mul3A_7 : i32
    "tpu.region"() ({
      %run_scoped3A = tpu.sem_alloc : memref<!tpu.dma_semaphore, #tpu.memory_space<semaphore_mem>>
      %dma_start3A = arith.constant 0 : i32
      %dma_start3A_19 = tpu.memref_slice %arg5[%dma_start3A] : memref<5016xi32, #tpu.memory_space<vmem>> -> memref<5000xi32, #tpu.memory_space<vmem>>
      %dma_start3A_20 = tpu.memref_slice %arg2[%mul3A_8] : memref<160000xi32, #tpu.memory_space<hbm>> -> memref<5000xi32, #tpu.memory_space<hbm>>
      %dma_start3A_21 = arith.constant 0 : i32
      %dma_start3A_22 = tpu.memref_slice %arg5[%dma_start3A_21] : memref<5016xi32, #tpu.memory_space<vmem>> -> memref<5000xi32, #tpu.memory_space<vmem>>
      %dma_start3A_23 = tpu.memref_slice %arg2[%mul3A_8] : memref<160000xi32, #tpu.memory_space<hbm>> -> memref<5000xi32, #tpu.memory_space<hbm>>
      tpu.enqueue_dma source(%dma_start3A_23 : memref<5000xi32, #tpu.memory_space<hbm>>) target(%dma_start3A_22 : memref<5000xi32, #tpu.memory_space<vmem>>) target_semaphore(%run_scoped3A : memref<!tpu.dma_semaphore, #tpu.memory_space<semaphore_mem>>)
      %dma_wait3A = arith.constant 0 : i32
      %dma_wait3A_24 = tpu.memref_slice %arg5[%dma_wait3A] : memref<5016xi32, #tpu.memory_space<vmem>> -> memref<5000xi32, #tpu.memory_space<vmem>>
      %dma_wait3A_25 = tpu.memref_slice %arg2[%mul3A_8] : memref<160000xi32, #tpu.memory_space<hbm>> -> memref<5000xi32, #tpu.memory_space<hbm>>
      %dma_wait3A_26 = arith.constant 0 : i32
      %dma_wait3A_27 = tpu.memref_slice %arg5[%dma_wait3A_26] : memref<5016xi32, #tpu.memory_space<vmem>> -> memref<5000xi32, #tpu.memory_space<vmem>>
      %dma_wait3A_28 = tpu.memref_slice %arg2[%mul3A_8] : memref<160000xi32, #tpu.memory_space<hbm>> -> memref<5000xi32, #tpu.memory_space<hbm>>
      tpu.wait_dma2 semaphore(%run_scoped3A : memref<!tpu.dma_semaphore, #tpu.memory_space<semaphore_mem>>) src(%dma_wait3A_28 : memref<5000xi32, #tpu.memory_space<hbm>>) dst(%dma_wait3A_27 : memref<5000xi32, #tpu.memory_space<vmem>>)
      tpu.yield
    }) : () -> ()
    %broadcast_in_dim3A_9 = arith.constant 1.000000e+00 : f32
    %broadcast_in_dim3A_10 = vector.broadcast %broadcast_in_dim3A_9 : f32 to vector<16xf32>
    %iota3A = tpu.iota {dimensions = array<i32: 0>} : vector<16xi32>
    %scan3A_11 = arith.constant 0 : i32
    %scan3A_12 = arith.constant 0 : i32
    %scan3A_13 = arith.constant 313 : i32
    %scan3A_14 = arith.addi %scan3A_12, %scan3A_13 : i32
    %scan3A_15 = arith.constant 1 : i32
    scf.for %scan3A_19 = %scan3A_12 to %scan3A_14 step %scan3A_15  : i32 {
      %mul3A_20 = arith.constant 16 : i32
      %mul3A_21 = arith.muli %scan3A_19, %mul3A_20 : i32
      %get3A = arith.index_cast %mul3A_21 : i32 to index
      %get3A_22 = tpu.vector_load %arg5[%get3A] {strides = array<i32>} : memref<5016xi32, #tpu.memory_space<vmem>>, vector<16xi32>,
      %max3A = arith.constant 0 : i32
      %max3A_23 = vector.broadcast %max3A : i32 to vector<16xi32>
      %max3A_24 = arith.maxsi %get3A_22, %max3A_23 : vector<16xi32>
      %min3A = arith.constant 9999 : i32
      %min3A_25 = vector.broadcast %min3A : i32 to vector<16xi32>
      %min3A_26 = arith.minsi %max3A_24, %min3A_25 : vector<16xi32>
      %mul3A_27 = arith.constant 16 : i32
      %mul3A_28 = arith.muli %scan3A_19, %mul3A_27 : i32
      %sub3A = arith.constant 5000 : i32
      %sub3A_29 = arith.subi %sub3A, %mul3A_28 : i32
      %lt3A = vector.broadcast %sub3A_29 : i32 to vector<16xi32>
      %lt3A_30 = arith.cmpi slt, %iota3A, %lt3A : vector<16xi32>
      %jit3A = arith.constant 0.000000e+00 : f32
      %broadcast_in_dim3A_31 = vector.broadcast %jit3A : f32 to vector<16xf32>
      %select_n3A = arith.select %lt3A_30, %broadcast_in_dim3A_10, %broadcast_in_dim3A_31 : vector<16xi1>, vector<16xf32>
      tpu.vector_store_idx %arg4[%min3A_26], %select_n3A {add = true} : memref<10000xf32, #tpu.memory_space<vmem>>[vector<16xi32>], vector<16xf32>,
    }
    %scan3A_16 = arith.constant 313 : i32
    %mul3A_17 = arith.constant 10000 : i32
    %mul3A_18 = arith.muli %add3A, %mul3A_17 : i32
    "tpu.region"() ({
      %run_scoped3A = tpu.sem_alloc : memref<!tpu.dma_semaphore, #tpu.memory_space<semaphore_mem>>
      %dma_start3A = tpu.memref_slice %arg3[%mul3A_18] : memref<320000xf32, #tpu.memory_space<hbm>> -> memref<10000xf32, #tpu.memory_space<hbm>>
      %dma_start3A_19 = tpu.memref_slice %arg3[%mul3A_18] : memref<320000xf32, #tpu.memory_space<hbm>> -> memref<10000xf32, #tpu.memory_space<hbm>>
      tpu.enqueue_dma source(%arg4 : memref<10000xf32, #tpu.memory_space<vmem>>) target(%dma_start3A_19 : memref<10000xf32, #tpu.memory_space<hbm>>) target_semaphore(%run_scoped3A : memref<!tpu.dma_semaphore, #tpu.memory_space<semaphore_mem>>)
      %dma_wait3A = tpu.memref_slice %arg3[%mul3A_18] : memref<320000xf32, #tpu.memory_space<hbm>> -> memref<10000xf32, #tpu.memory_space<hbm>>
      %dma_wait3A_20 = tpu.memref_slice %arg3[%mul3A_18] : memref<320000xf32, #tpu.memory_space<hbm>> -> memref<10000xf32, #tpu.memory_space<hbm>>
      tpu.wait_dma2 semaphore(%run_scoped3A : memref<!tpu.dma_semaphore, #tpu.memory_space<semaphore_mem>>) src(%arg4 : memref<10000xf32, #tpu.memory_space<vmem>>) dst(%dma_wait3A_20 : memref<10000xf32, #tpu.memory_space<hbm>>)
      tpu.yield
    }) : () -> ()
    return
  }
}

#map = affine_map<(d0, d1) -> (0)>
module attributes {stable_mosaic.version = 14 : i64} {
  func.func @_prop1_kernel(%arg0: i32, %arg1: i32, %arg2: memref<10000xf32, #tpu.memory_space<hbm>>, %arg3: memref<160000xi32, #tpu.memory_space<hbm>>, %arg4: memref<160000xi32, #tpu.memory_space<hbm>>, %arg5: memref<320000xf32, #tpu.memory_space<hbm>>, %arg6: memref<10000xf32, #tpu.memory_space<vmem>>, %arg7: memref<10000xf32, #tpu.memory_space<vmem>>, %arg8: memref<5016xi32, #tpu.memory_space<vmem>>, %arg9: memref<5016xi32, #tpu.memory_space<vmem>>) attributes {dimension_semantics = [#tpu.dimension_semantics<core_parallel>, #tpu.dimension_semantics<subcore_parallel>], iteration_bounds = array<i64: 2, 16>, scalar_prefetch = 0 : i64, scratch_operands = 4 : i64, tpu.core_type = #tpu.core_type<sc_vector_subcore>, window_params = [{transform_indices = #map}, {transform_indices = #map}, {transform_indices = #map}, {transform_indices = #map}]} {
    %mul3A = arith.constant 2 : i32
    %mul3A_0 = arith.muli %arg1, %mul3A : i32
    %add3A = arith.addi %mul3A_0, %arg0 : i32
    "tpu.region"() ({
      %run_scoped3A = tpu.sem_alloc : memref<!tpu.dma_semaphore, #tpu.memory_space<semaphore_mem>>
      tpu.enqueue_dma source(%arg2 : memref<10000xf32, #tpu.memory_space<hbm>>) target(%arg7 : memref<10000xf32, #tpu.memory_space<vmem>>) target_semaphore(%run_scoped3A : memref<!tpu.dma_semaphore, #tpu.memory_space<semaphore_mem>>)
      tpu.wait_dma2 semaphore(%run_scoped3A : memref<!tpu.dma_semaphore, #tpu.memory_space<semaphore_mem>>) src(%arg2 : memref<10000xf32, #tpu.memory_space<hbm>>) dst(%arg7 : memref<10000xf32, #tpu.memory_space<vmem>>)
      tpu.yield
    }) : () -> ()
    %broadcast_in_dim3A = arith.constant 0.000000e+00 : f32
    %broadcast_in_dim3A_1 = vector.broadcast %broadcast_in_dim3A : f32 to vector<16xf32>
    %scan3A = arith.constant 0 : i32
    %scan3A_2 = arith.constant 0 : i32
    %scan3A_3 = arith.constant 625 : i32
    %scan3A_4 = arith.addi %scan3A_2, %scan3A_3 : i32
    %scan3A_5 = arith.constant 1 : i32
    scf.for %scan3A_17 = %scan3A_2 to %scan3A_4 step %scan3A_5  : i32 {
      %mul3A_18 = arith.constant 16 : i32
      %mul3A_19 = arith.muli %scan3A_17, %mul3A_18 : i32
      %swap3A = arith.index_cast %mul3A_19 : i32 to index
      %swap3A_20 = tpu.vector_load %arg6[%swap3A] {strides = array<i32>} : memref<10000xf32, #tpu.memory_space<vmem>>, vector<16xf32>,
      tpu.vector_store %arg6[%swap3A], %broadcast_in_dim3A_1 {strides = array<i32>} : memref<10000xf32, #tpu.memory_space<vmem>>, vector<16xf32>,
    }
    %scan3A_6 = arith.constant 625 : i32
    %mul3A_7 = arith.constant 5000 : i32
    %mul3A_8 = arith.muli %add3A, %mul3A_7 : i32
    "tpu.region"() ({
      %run_scoped3A = tpu.sem_alloc : memref<!tpu.dma_semaphore, #tpu.memory_space<semaphore_mem>>
      %dma_start3A = arith.constant 0 : i32
      %dma_start3A_17 = tpu.memref_slice %arg8[%dma_start3A] : memref<5016xi32, #tpu.memory_space<vmem>> -> memref<5000xi32, #tpu.memory_space<vmem>>
      %dma_start3A_18 = tpu.memref_slice %arg3[%mul3A_8] : memref<160000xi32, #tpu.memory_space<hbm>> -> memref<5000xi32, #tpu.memory_space<hbm>>
      %dma_start3A_19 = arith.constant 0 : i32
      %dma_start3A_20 = tpu.memref_slice %arg8[%dma_start3A_19] : memref<5016xi32, #tpu.memory_space<vmem>> -> memref<5000xi32, #tpu.memory_space<vmem>>
      %dma_start3A_21 = tpu.memref_slice %arg3[%mul3A_8] : memref<160000xi32, #tpu.memory_space<hbm>> -> memref<5000xi32, #tpu.memory_space<hbm>>
      tpu.enqueue_dma source(%dma_start3A_21 : memref<5000xi32, #tpu.memory_space<hbm>>) target(%dma_start3A_20 : memref<5000xi32, #tpu.memory_space<vmem>>) target_semaphore(%run_scoped3A : memref<!tpu.dma_semaphore, #tpu.memory_space<semaphore_mem>>)
      %dma_wait3A = arith.constant 0 : i32
      %dma_wait3A_22 = tpu.memref_slice %arg8[%dma_wait3A] : memref<5016xi32, #tpu.memory_space<vmem>> -> memref<5000xi32, #tpu.memory_space<vmem>>
      %dma_wait3A_23 = tpu.memref_slice %arg3[%mul3A_8] : memref<160000xi32, #tpu.memory_space<hbm>> -> memref<5000xi32, #tpu.memory_space<hbm>>
      %dma_wait3A_24 = arith.constant 0 : i32
      %dma_wait3A_25 = tpu.memref_slice %arg8[%dma_wait3A_24] : memref<5016xi32, #tpu.memory_space<vmem>> -> memref<5000xi32, #tpu.memory_space<vmem>>
      %dma_wait3A_26 = tpu.memref_slice %arg3[%mul3A_8] : memref<160000xi32, #tpu.memory_space<hbm>> -> memref<5000xi32, #tpu.memory_space<hbm>>
      tpu.wait_dma2 semaphore(%run_scoped3A : memref<!tpu.dma_semaphore, #tpu.memory_space<semaphore_mem>>) src(%dma_wait3A_26 : memref<5000xi32, #tpu.memory_space<hbm>>) dst(%dma_wait3A_25 : memref<5000xi32, #tpu.memory_space<vmem>>)
      tpu.yield
    }) : () -> ()
    "tpu.region"() ({
      %run_scoped3A = tpu.sem_alloc : memref<!tpu.dma_semaphore, #tpu.memory_space<semaphore_mem>>
      %dma_start3A = arith.constant 0 : i32
      %dma_start3A_17 = tpu.memref_slice %arg9[%dma_start3A] : memref<5016xi32, #tpu.memory_space<vmem>> -> memref<5000xi32, #tpu.memory_space<vmem>>
      %dma_start3A_18 = tpu.memref_slice %arg4[%mul3A_8] : memref<160000xi32, #tpu.memory_space<hbm>> -> memref<5000xi32, #tpu.memory_space<hbm>>
      %dma_start3A_19 = arith.constant 0 : i32
      %dma_start3A_20 = tpu.memref_slice %arg9[%dma_start3A_19] : memref<5016xi32, #tpu.memory_space<vmem>> -> memref<5000xi32, #tpu.memory_space<vmem>>
      %dma_start3A_21 = tpu.memref_slice %arg4[%mul3A_8] : memref<160000xi32, #tpu.memory_space<hbm>> -> memref<5000xi32, #tpu.memory_space<hbm>>
      tpu.enqueue_dma source(%dma_start3A_21 : memref<5000xi32, #tpu.memory_space<hbm>>) target(%dma_start3A_20 : memref<5000xi32, #tpu.memory_space<vmem>>) target_semaphore(%run_scoped3A : memref<!tpu.dma_semaphore, #tpu.memory_space<semaphore_mem>>)
      %dma_wait3A = arith.constant 0 : i32
      %dma_wait3A_22 = tpu.memref_slice %arg9[%dma_wait3A] : memref<5016xi32, #tpu.memory_space<vmem>> -> memref<5000xi32, #tpu.memory_space<vmem>>
      %dma_wait3A_23 = tpu.memref_slice %arg4[%mul3A_8] : memref<160000xi32, #tpu.memory_space<hbm>> -> memref<5000xi32, #tpu.memory_space<hbm>>
      %dma_wait3A_24 = arith.constant 0 : i32
      %dma_wait3A_25 = tpu.memref_slice %arg9[%dma_wait3A_24] : memref<5016xi32, #tpu.memory_space<vmem>> -> memref<5000xi32, #tpu.memory_space<vmem>>
      %dma_wait3A_26 = tpu.memref_slice %arg4[%mul3A_8] : memref<160000xi32, #tpu.memory_space<hbm>> -> memref<5000xi32, #tpu.memory_space<hbm>>
      tpu.wait_dma2 semaphore(%run_scoped3A : memref<!tpu.dma_semaphore, #tpu.memory_space<semaphore_mem>>) src(%dma_wait3A_26 : memref<5000xi32, #tpu.memory_space<hbm>>) dst(%dma_wait3A_25 : memref<5000xi32, #tpu.memory_space<vmem>>)
      tpu.yield
    }) : () -> ()
    %iota3A = tpu.iota {dimensions = array<i32: 0>} : vector<16xi32>
    %scan3A_9 = arith.constant 0 : i32
    %scan3A_10 = arith.constant 0 : i32
    %scan3A_11 = arith.constant 313 : i32
    %scan3A_12 = arith.addi %scan3A_10, %scan3A_11 : i32
    %scan3A_13 = arith.constant 1 : i32
    scf.for %scan3A_17 = %scan3A_10 to %scan3A_12 step %scan3A_13  : i32 {
      %mul3A_18 = arith.constant 16 : i32
      %mul3A_19 = arith.muli %scan3A_17, %mul3A_18 : i32
      %get3A = arith.index_cast %mul3A_19 : i32 to index
      %get3A_20 = tpu.vector_load %arg8[%get3A] {strides = array<i32>} : memref<5016xi32, #tpu.memory_space<vmem>>, vector<16xi32>,
      %max3A = arith.constant 0 : i32
      %max3A_21 = vector.broadcast %max3A : i32 to vector<16xi32>
      %max3A_22 = arith.maxsi %get3A_20, %max3A_21 : vector<16xi32>
      %min3A = arith.constant 9999 : i32
      %min3A_23 = vector.broadcast %min3A : i32 to vector<16xi32>
      %min3A_24 = arith.minsi %max3A_22, %min3A_23 : vector<16xi32>
      %mul3A_25 = arith.constant 16 : i32
      %mul3A_26 = arith.muli %scan3A_17, %mul3A_25 : i32
      %get3A_27 = arith.index_cast %mul3A_26 : i32 to index
      %get3A_28 = tpu.vector_load %arg9[%get3A_27] {strides = array<i32>} : memref<5016xi32, #tpu.memory_space<vmem>>, vector<16xi32>,
      %max3A_29 = arith.constant 0 : i32
      %max3A_30 = vector.broadcast %max3A_29 : i32 to vector<16xi32>
      %max3A_31 = arith.maxsi %get3A_28, %max3A_30 : vector<16xi32>
      %min3A_32 = arith.constant 9999 : i32
      %min3A_33 = vector.broadcast %min3A_32 : i32 to vector<16xi32>
      %min3A_34 = arith.minsi %max3A_31, %min3A_33 : vector<16xi32>
      %mul3A_35 = arith.constant 16 : i32
      %mul3A_36 = arith.muli %scan3A_17, %mul3A_35 : i32
      %sub3A = arith.constant 5000 : i32
      %sub3A_37 = arith.subi %sub3A, %mul3A_36 : i32
      %lt3A = vector.broadcast %sub3A_37 : i32 to vector<16xi32>
      %lt3A_38 = arith.cmpi slt, %iota3A, %lt3A : vector<16xi32>
      %gather3A = tpu.vector_load_idx %arg7[%min3A_24] : memref<10000xf32, #tpu.memory_space<vmem>>[vector<16xi32>], vector<16xf32>,
      %jit3A = arith.constant 0.000000e+00 : f32
      %broadcast_in_dim3A_39 = vector.broadcast %jit3A : f32 to vector<16xf32>
      %select_n3A = arith.select %lt3A_38, %gather3A, %broadcast_in_dim3A_39 : vector<16xi1>, vector<16xf32>
      tpu.vector_store_idx %arg6[%min3A_34], %select_n3A {add = true} : memref<10000xf32, #tpu.memory_space<vmem>>[vector<16xi32>], vector<16xf32>,
    }
    %scan3A_14 = arith.constant 313 : i32
    %mul3A_15 = arith.constant 10000 : i32
    %mul3A_16 = arith.muli %add3A, %mul3A_15 : i32
    "tpu.region"() ({
      %run_scoped3A = tpu.sem_alloc : memref<!tpu.dma_semaphore, #tpu.memory_space<semaphore_mem>>
      %dma_start3A = tpu.memref_slice %arg5[%mul3A_16] : memref<320000xf32, #tpu.memory_space<hbm>> -> memref<10000xf32, #tpu.memory_space<hbm>>
      %dma_start3A_17 = tpu.memref_slice %arg5[%mul3A_16] : memref<320000xf32, #tpu.memory_space<hbm>> -> memref<10000xf32, #tpu.memory_space<hbm>>
      tpu.enqueue_dma source(%arg6 : memref<10000xf32, #tpu.memory_space<vmem>>) target(%dma_start3A_17 : memref<10000xf32, #tpu.memory_space<hbm>>) target_semaphore(%run_scoped3A : memref<!tpu.dma_semaphore, #tpu.memory_space<semaphore_mem>>)
      %dma_wait3A = tpu.memref_slice %arg5[%mul3A_16] : memref<320000xf32, #tpu.memory_space<hbm>> -> memref<10000xf32, #tpu.memory_space<hbm>>
      %dma_wait3A_18 = tpu.memref_slice %arg5[%mul3A_16] : memref<320000xf32, #tpu.memory_space<hbm>> -> memref<10000xf32, #tpu.memory_space<hbm>>
      tpu.wait_dma2 semaphore(%run_scoped3A : memref<!tpu.dma_semaphore, #tpu.memory_space<semaphore_mem>>) src(%arg6 : memref<10000xf32, #tpu.memory_space<vmem>>) dst(%dma_wait3A_18 : memref<10000xf32, #tpu.memory_space<hbm>>)
      tpu.yield
    }) : () -> ()
    return
  }
}

module attributes {stable_mosaic.version = 14 : i64} {
  func.func @_deg_reduce_body(%arg0: memref<32x10000xf32, #tpu.memory_space<vmem>>, %arg1: memref<10000x1xf32, #tpu.memory_space<vmem>>) attributes {dimension_semantics = [], scalar_prefetch = 0 : i64, scratch_operands = 0 : i64, tpu.core_type = #tpu.core_type<tc>} {
    %get3A = arith.constant 0 : index
    %get3A_0 = arith.constant 0 : index
    %get3A_1 = vector.load %arg0[%get3A, %get3A_0] : memref<32x10000xf32, #tpu.memory_space<vmem>>, vector<32x10000xf32>
    %broadcast_in_dim3A = arith.constant 1.000000e+00 : f32
    %broadcast_in_dim3A_2 = vector.broadcast %broadcast_in_dim3A : f32 to vector<32x1xf32>
    %dot_general3A = arith.constant dense<0.000000e+00> : vector<10000x1xf32>
    %dot_general3A_3 = tpu.matmul %get3A_1, %broadcast_in_dim3A_2, %dot_general3A {dimension_numbers = #tpu.dot_dimension_numbers<[0], [0], [1], [1], [0, 1, 1, 1], [], []>, transpose_lhs_hint = false} : vector<32x10000xf32>, vector<32x1xf32>, vector<10000x1xf32> -> vector<10000x1xf32>
    %add3A = arith.constant 1.000000e+00 : f32
    %add3A_4 = vector.broadcast %add3A : f32 to vector<10000x1xf32>
    %add3A_5 = arith.addf %dot_general3A_3, %add3A_4 : vector<10000x1xf32>
    %rsqrt3A = math.rsqrt %add3A_5 : vector<10000x1xf32>
    %swap3A = arith.constant 0 : index
    %swap3A_6 = arith.constant 0 : index
    %swap3A_7 = vector.load %arg1[%swap3A, %swap3A_6] : memref<10000x1xf32, #tpu.memory_space<vmem>>, vector<10000x1xf32>
    tpu.vector_store %arg1[%swap3A, %swap3A_6], %rsqrt3A {strides = array<i32>} : memref<10000x1xf32, #tpu.memory_space<vmem>>, vector<10000x1xf32>,
    return
  }
}

module attributes {stable_mosaic.version = 14 : i64} {
  func.func @_mm1_body(%arg0: i32, %arg1: memref<1000x256xf32, #tpu.memory_space<vmem>>, %arg2: memref<256x256xf32, #tpu.memory_space<vmem>>, %arg3: memref<1000x1xf32, #tpu.memory_space<vmem>>, %arg4: memref<1000x128xf32, #tpu.memory_space<vmem>>, %arg5: memref<1000x128xf32, #tpu.memory_space<vmem>>) attributes {dimension_semantics = [#tpu.dimension_semantics<arbitrary>], iteration_bounds = array<i64: 10>, scalar_prefetch = 0 : i64, scratch_operands = 0 : i64, tpu.core_type = #tpu.core_type<tc>, window_params = [{transform_indices = @transform_0, window_bounds = array<i64: 1000, 256>}, {pipeline_mode = #tpu.pipeline_mode<synchronous>, transform_indices = @transform_1, window_bounds = array<i64: 256, 256>}, {transform_indices = @transform_2, window_bounds = array<i64: 1000, 1>}, {transform_indices = @transform_3, window_bounds = array<i64: 1000, 128>}, {transform_indices = @transform_4, window_bounds = array<i64: 1000, 128>}]} {
    %get3A = arith.constant 0 : index
    %get3A_0 = arith.constant 0 : index
    %get3A_1 = vector.load %arg3[%get3A, %get3A_0] : memref<1000x1xf32, #tpu.memory_space<vmem>>, vector<1000x1xf32>
    %get3A_2 = arith.constant 0 : index
    %get3A_3 = arith.constant 0 : index
    %get3A_4 = vector.load %arg1[%get3A_2, %get3A_3] : memref<1000x256xf32, #tpu.memory_space<vmem>>, vector<1000x256xf32>
    %get3A_5 = arith.constant 0 : index
    %get3A_6 = arith.constant 0 : index
    %get3A_7 = vector.load %arg2[%get3A_5, %get3A_6] : memref<256x256xf32, #tpu.memory_space<vmem>>, vector<256x256xf32>
    %dot_general3A = arith.constant dense<0.000000e+00> : vector<1000x256xf32>
    %dot_general3A_8 = tpu.matmul %get3A_4, %get3A_7, %dot_general3A {dimension_numbers = #tpu.dot_dimension_numbers<[1], [0], [0], [1], [0, 0, 1, 1], [], []>, transpose_lhs_hint = false} : vector<1000x256xf32>, vector<256x256xf32>, vector<1000x256xf32> -> vector<1000x256xf32>
    %mul3A = vector.broadcast %get3A_1 : vector<1000x1xf32> to vector<1000x256xf32>
    %mul3A_9 = arith.mulf %dot_general3A_8, %mul3A : vector<1000x256xf32>
    %slice3A = vector.extract_strided_slice %mul3A_9 {offsets = [0, 0], sizes = [1000, 128], strides = [1, 1]} : vector<1000x256xf32> to vector<1000x128xf32>
    %swap3A = arith.constant 0 : index
    %swap3A_10 = arith.constant 0 : index
    %swap3A_11 = vector.load %arg4[%swap3A, %swap3A_10] : memref<1000x128xf32, #tpu.memory_space<vmem>>, vector<1000x128xf32>
    tpu.vector_store %arg4[%swap3A, %swap3A_10], %slice3A {strides = array<i32>} : memref<1000x128xf32, #tpu.memory_space<vmem>>, vector<1000x128xf32>,
    %slice3A_12 = vector.extract_strided_slice %mul3A_9 {offsets = [0, 128], sizes = [1000, 128], strides = [1, 1]} : vector<1000x256xf32> to vector<1000x128xf32>
    %swap3A_13 = arith.constant 0 : index
    %swap3A_14 = arith.constant 0 : index
    %swap3A_15 = vector.load %arg5[%swap3A_13, %swap3A_14] : memref<1000x128xf32, #tpu.memory_space<vmem>>, vector<1000x128xf32>
    tpu.vector_store %arg5[%swap3A_13, %swap3A_14], %slice3A_12 {strides = array<i32>} : memref<1000x128xf32, #tpu.memory_space<vmem>>, vector<1000x128xf32>,
    return
  }
  func.func @transform_0(%arg0: i32) -> (i32, i32) {
    %c0_i32 = arith.constant 0 : i32
    %c0_i32_0 = arith.constant 0 : i32
    return %arg0, %c0_i32 : i32, i32
  }
  func.func @transform_1(%arg0: i32) -> (i32, i32) {
    %c0_i32 = arith.constant 0 : i32
    %c0_i32_0 = arith.constant 0 : i32
    %c0_i32_1 = arith.constant 0 : i32
    return %c0_i32, %c0_i32_0 : i32, i32
  }
  func.func @transform_2(%arg0: i32) -> (i32, i32) {
    %c0_i32 = arith.constant 0 : i32
    %c0_i32_0 = arith.constant 0 : i32
    return %arg0, %c0_i32 : i32, i32
  }
  func.func @transform_3(%arg0: i32) -> (i32, i32) {
    %c0_i32 = arith.constant 0 : i32
    %c0_i32_0 = arith.constant 0 : i32
    return %arg0, %c0_i32 : i32, i32
  }
  func.func @transform_4(%arg0: i32) -> (i32, i32) {
    %c0_i32 = arith.constant 0 : i32
    %c0_i32_0 = arith.constant 0 : i32
    return %arg0, %c0_i32 : i32, i32
  }
}

module attributes {stable_mosaic.version = 14 : i64} {
  func.func @_mm2_body(%arg0: i32, %arg1: memref<1000x128xf32, #tpu.memory_space<vmem>>, %arg2: memref<1000x128xf32, #tpu.memory_space<vmem>>, %arg3: memref<1000x1xf32, #tpu.memory_space<vmem>>, %arg4: memref<256x256xf32, #tpu.memory_space<vmem>>, %arg5: memref<1x256xf32, #tpu.memory_space<vmem>>, %arg6: memref<1000x128xf32, #tpu.memory_space<vmem>>, %arg7: memref<1000x128xf32, #tpu.memory_space<vmem>>) attributes {dimension_semantics = [#tpu.dimension_semantics<arbitrary>], iteration_bounds = array<i64: 10>, scalar_prefetch = 0 : i64, scratch_operands = 0 : i64, tpu.core_type = #tpu.core_type<tc>, window_params = [{transform_indices = @transform_0, window_bounds = array<i64: 1000, 128>}, {transform_indices = @transform_1, window_bounds = array<i64: 1000, 128>}, {transform_indices = @transform_2, window_bounds = array<i64: 1000, 1>}, {pipeline_mode = #tpu.pipeline_mode<synchronous>, transform_indices = @transform_3, window_bounds = array<i64: 256, 256>}, {pipeline_mode = #tpu.pipeline_mode<synchronous>, transform_indices = @transform_4, window_bounds = array<i64: 1, 256>}, {transform_indices = @transform_5, window_bounds = array<i64: 1000, 128>}, {transform_indices = @transform_6, window_bounds = array<i64: 1000, 128>}]} {
    %get3A = arith.constant 0 : index
    %get3A_0 = arith.constant 0 : index
    %get3A_1 = vector.load %arg3[%get3A, %get3A_0] : memref<1000x1xf32, #tpu.memory_space<vmem>>, vector<1000x1xf32>
    %get3A_2 = arith.constant 0 : index
    %get3A_3 = arith.constant 0 : index
    %get3A_4 = vector.load %arg5[%get3A_2, %get3A_3] : memref<1x256xf32, #tpu.memory_space<vmem>>, vector<1x256xf32>
    %get3A_5 = arith.constant 0 : index
    %get3A_6 = arith.constant 0 : index
    %get3A_7 = vector.load %arg1[%get3A_5, %get3A_6] : memref<1000x128xf32, #tpu.memory_space<vmem>>, vector<1000x128xf32>
    %mul3A = vector.broadcast %get3A_1 : vector<1000x1xf32> to vector<1000x128xf32>
    %mul3A_8 = arith.mulf %get3A_7, %mul3A : vector<1000x128xf32>
    %slice3A = vector.extract_strided_slice %get3A_4 {offsets = [0, 0], sizes = [1, 128], strides = [1, 1]} : vector<1x256xf32> to vector<1x128xf32>
    %add3A = vector.broadcast %slice3A : vector<1x128xf32> to vector<1000x128xf32>
    %add3A_9 = arith.addf %mul3A_8, %add3A : vector<1000x128xf32>
    %logistic3A = arith.negf %add3A_9 : vector<1000x128xf32>
    %logistic3A_10 = math.exp %logistic3A : vector<1000x128xf32>
    %logistic3A_11 = arith.constant 1.000000e+00 : f32
    %logistic3A_12 = vector.broadcast %logistic3A_11 : f32 to vector<1000x128xf32>
    %logistic3A_13 = arith.addf %logistic3A_12, %logistic3A_10 : vector<1000x128xf32>
    %logistic3A_14 = arith.divf %logistic3A_12, %logistic3A_13 : vector<1000x128xf32>
    %get3A_15 = arith.constant 0 : index
    %get3A_16 = arith.constant 0 : index
    %get3A_17 = vector.load %arg2[%get3A_15, %get3A_16] : memref<1000x128xf32, #tpu.memory_space<vmem>>, vector<1000x128xf32>
    %mul3A_18 = vector.broadcast %get3A_1 : vector<1000x1xf32> to vector<1000x128xf32>
    %mul3A_19 = arith.mulf %get3A_17, %mul3A_18 : vector<1000x128xf32>
    %slice3A_20 = vector.extract_strided_slice %get3A_4 {offsets = [0, 128], sizes = [1, 128], strides = [1, 1]} : vector<1x256xf32> to vector<1x128xf32>
    %add3A_21 = vector.broadcast %slice3A_20 : vector<1x128xf32> to vector<1000x128xf32>
    %add3A_22 = arith.addf %mul3A_19, %add3A_21 : vector<1000x128xf32>
    %logistic3A_23 = arith.negf %add3A_22 : vector<1000x128xf32>
    %logistic3A_24 = math.exp %logistic3A_23 : vector<1000x128xf32>
    %logistic3A_25 = arith.constant 1.000000e+00 : f32
    %logistic3A_26 = vector.broadcast %logistic3A_25 : f32 to vector<1000x128xf32>
    %logistic3A_27 = arith.addf %logistic3A_26, %logistic3A_24 : vector<1000x128xf32>
    %logistic3A_28 = arith.divf %logistic3A_26, %logistic3A_27 : vector<1000x128xf32>
    %concatenate3A = tpu.concatenate %logistic3A_14, %logistic3A_28 in 1 : vector<1000x128xf32>, vector<1000x128xf32> -> vector<1000x256xf32>
    %get3A_29 = arith.constant 0 : index
    %get3A_30 = arith.constant 0 : index
    %get3A_31 = vector.load %arg4[%get3A_29, %get3A_30] : memref<256x256xf32, #tpu.memory_space<vmem>>, vector<256x256xf32>
    %dot_general3A = arith.constant dense<0.000000e+00> : vector<1000x256xf32>
    %dot_general3A_32 = tpu.matmul %concatenate3A, %get3A_31, %dot_general3A {dimension_numbers = #tpu.dot_dimension_numbers<[1], [0], [0], [1], [0, 0, 1, 1], [], []>, transpose_lhs_hint = false} : vector<1000x256xf32>, vector<256x256xf32>, vector<1000x256xf32> -> vector<1000x256xf32>
    %mul3A_33 = vector.broadcast %get3A_1 : vector<1000x1xf32> to vector<1000x256xf32>
    %mul3A_34 = arith.mulf %dot_general3A_32, %mul3A_33 : vector<1000x256xf32>
    %slice3A_35 = vector.extract_strided_slice %mul3A_34 {offsets = [0, 0], sizes = [1000, 128], strides = [1, 1]} : vector<1000x256xf32> to vector<1000x128xf32>
    %swap3A = arith.constant 0 : index
    %swap3A_36 = arith.constant 0 : index
    %swap3A_37 = vector.load %arg6[%swap3A, %swap3A_36] : memref<1000x128xf32, #tpu.memory_space<vmem>>, vector<1000x128xf32>
    tpu.vector_store %arg6[%swap3A, %swap3A_36], %slice3A_35 {strides = array<i32>} : memref<1000x128xf32, #tpu.memory_space<vmem>>, vector<1000x128xf32>,
    %slice3A_38 = vector.extract_strided_slice %mul3A_34 {offsets = [0, 128], sizes = [1000, 128], strides = [1, 1]} : vector<1000x256xf32> to vector<1000x128xf32>
    %swap3A_39 = arith.constant 0 : index
    %swap3A_40 = arith.constant 0 : index
    %swap3A_41 = vector.load %arg7[%swap3A_39, %swap3A_40] : memref<1000x128xf32, #tpu.memory_space<vmem>>, vector<1000x128xf32>
    tpu.vector_store %arg7[%swap3A_39, %swap3A_40], %slice3A_38 {strides = array<i32>} : memref<1000x128xf32, #tpu.memory_space<vmem>>, vector<1000x128xf32>,
    return
  }
  func.func @transform_0(%arg0: i32) -> (i32, i32) {
    %c0_i32 = arith.constant 0 : i32
    %c0_i32_0 = arith.constant 0 : i32
    return %arg0, %c0_i32 : i32, i32
  }
  func.func @transform_1(%arg0: i32) -> (i32, i32) {
    %c0_i32 = arith.constant 0 : i32
    %c0_i32_0 = arith.constant 0 : i32
    return %arg0, %c0_i32 : i32, i32
  }
  func.func @transform_2(%arg0: i32) -> (i32, i32) {
    %c0_i32 = arith.constant 0 : i32
    %c0_i32_0 = arith.constant 0 : i32
    return %arg0, %c0_i32 : i32, i32
  }
  func.func @transform_3(%arg0: i32) -> (i32, i32) {
    %c0_i32 = arith.constant 0 : i32
    %c0_i32_0 = arith.constant 0 : i32
    %c0_i32_1 = arith.constant 0 : i32
    return %c0_i32, %c0_i32_0 : i32, i32
  }
  func.func @transform_4(%arg0: i32) -> (i32, i32) {
    %c0_i32 = arith.constant 0 : i32
    %c0_i32_0 = arith.constant 0 : i32
    %c0_i32_1 = arith.constant 0 : i32
    return %c0_i32, %c0_i32_0 : i32, i32
  }
  func.func @transform_5(%arg0: i32) -> (i32, i32) {
    %c0_i32 = arith.constant 0 : i32
    %c0_i32_0 = arith.constant 0 : i32
    return %arg0, %c0_i32 : i32, i32
  }
  func.func @transform_6(%arg0: i32) -> (i32, i32) {
    %c0_i32 = arith.constant 0 : i32
    %c0_i32_0 = arith.constant 0 : i32
    return %arg0, %c0_i32 : i32, i32
  }
}

module attributes {stable_mosaic.version = 14 : i64} {
  func.func @_mm3_body(%arg0: i32, %arg1: memref<1000x128xf32, #tpu.memory_space<vmem>>, %arg2: memref<1000x128xf32, #tpu.memory_space<vmem>>, %arg3: memref<1000x1xf32, #tpu.memory_space<vmem>>, %arg4: memref<256x1xf32, #tpu.memory_space<vmem>>, %arg5: memref<1x256xf32, #tpu.memory_space<vmem>>, %arg6: memref<1000x1xf32, #tpu.memory_space<vmem>>) attributes {dimension_semantics = [#tpu.dimension_semantics<arbitrary>], iteration_bounds = array<i64: 10>, scalar_prefetch = 0 : i64, scratch_operands = 0 : i64, tpu.core_type = #tpu.core_type<tc>, window_params = [{transform_indices = @transform_0, window_bounds = array<i64: 1000, 128>}, {transform_indices = @transform_1, window_bounds = array<i64: 1000, 128>}, {transform_indices = @transform_2, window_bounds = array<i64: 1000, 1>}, {pipeline_mode = #tpu.pipeline_mode<synchronous>, transform_indices = @transform_3, window_bounds = array<i64: 256, 1>}, {pipeline_mode = #tpu.pipeline_mode<synchronous>, transform_indices = @transform_4, window_bounds = array<i64: 1, 256>}, {transform_indices = @transform_5, window_bounds = array<i64: 1000, 1>}]} {
    %get3A = arith.constant 0 : index
    %get3A_0 = arith.constant 0 : index
    %get3A_1 = vector.load %arg3[%get3A, %get3A_0] : memref<1000x1xf32, #tpu.memory_space<vmem>>, vector<1000x1xf32>
    %get3A_2 = arith.constant 0 : index
    %get3A_3 = arith.constant 0 : index
    %get3A_4 = vector.load %arg5[%get3A_2, %get3A_3] : memref<1x256xf32, #tpu.memory_space<vmem>>, vector<1x256xf32>
    %get3A_5 = arith.constant 0 : index
    %get3A_6 = arith.constant 0 : index
    %get3A_7 = vector.load %arg1[%get3A_5, %get3A_6] : memref<1000x128xf32, #tpu.memory_space<vmem>>, vector<1000x128xf32>
    %mul3A = vector.broadcast %get3A_1 : vector<1000x1xf32> to vector<1000x128xf32>
    %mul3A_8 = arith.mulf %get3A_7, %mul3A : vector<1000x128xf32>
    %slice3A = vector.extract_strided_slice %get3A_4 {offsets = [0, 0], sizes = [1, 128], strides = [1, 1]} : vector<1x256xf32> to vector<1x128xf32>
    %add3A = vector.broadcast %slice3A : vector<1x128xf32> to vector<1000x128xf32>
    %add3A_9 = arith.addf %mul3A_8, %add3A : vector<1000x128xf32>
    %logistic3A = arith.negf %add3A_9 : vector<1000x128xf32>
    %logistic3A_10 = math.exp %logistic3A : vector<1000x128xf32>
    %logistic3A_11 = arith.constant 1.000000e+00 : f32
    %logistic3A_12 = vector.broadcast %logistic3A_11 : f32 to vector<1000x128xf32>
    %logistic3A_13 = arith.addf %logistic3A_12, %logistic3A_10 : vector<1000x128xf32>
    %logistic3A_14 = arith.divf %logistic3A_12, %logistic3A_13 : vector<1000x128xf32>
    %get3A_15 = arith.constant 0 : index
    %get3A_16 = arith.constant 0 : index
    %get3A_17 = vector.load %arg2[%get3A_15, %get3A_16] : memref<1000x128xf32, #tpu.memory_space<vmem>>, vector<1000x128xf32>
    %mul3A_18 = vector.broadcast %get3A_1 : vector<1000x1xf32> to vector<1000x128xf32>
    %mul3A_19 = arith.mulf %get3A_17, %mul3A_18 : vector<1000x128xf32>
    %slice3A_20 = vector.extract_strided_slice %get3A_4 {offsets = [0, 128], sizes = [1, 128], strides = [1, 1]} : vector<1x256xf32> to vector<1x128xf32>
    %add3A_21 = vector.broadcast %slice3A_20 : vector<1x128xf32> to vector<1000x128xf32>
    %add3A_22 = arith.addf %mul3A_19, %add3A_21 : vector<1000x128xf32>
    %logistic3A_23 = arith.negf %add3A_22 : vector<1000x128xf32>
    %logistic3A_24 = math.exp %logistic3A_23 : vector<1000x128xf32>
    %logistic3A_25 = arith.constant 1.000000e+00 : f32
    %logistic3A_26 = vector.broadcast %logistic3A_25 : f32 to vector<1000x128xf32>
    %logistic3A_27 = arith.addf %logistic3A_26, %logistic3A_24 : vector<1000x128xf32>
    %logistic3A_28 = arith.divf %logistic3A_26, %logistic3A_27 : vector<1000x128xf32>
    %concatenate3A = tpu.concatenate %logistic3A_14, %logistic3A_28 in 1 : vector<1000x128xf32>, vector<1000x128xf32> -> vector<1000x256xf32>
    %get3A_29 = arith.constant 0 : index
    %get3A_30 = arith.constant 0 : index
    %get3A_31 = vector.load %arg4[%get3A_29, %get3A_30] : memref<256x1xf32, #tpu.memory_space<vmem>>, vector<256x1xf32>
    %dot_general3A = arith.constant dense<0.000000e+00> : vector<1000x1xf32>
    %dot_general3A_32 = tpu.matmul %concatenate3A, %get3A_31, %dot_general3A {dimension_numbers = #tpu.dot_dimension_numbers<[1], [0], [0], [1], [0, 0, 1, 1], [], []>, transpose_lhs_hint = false} : vector<1000x256xf32>, vector<256x1xf32>, vector<1000x1xf32> -> vector<1000x1xf32>
    %mul3A_33 = arith.mulf %dot_general3A_32, %get3A_1 : vector<1000x1xf32>
    %swap3A = arith.constant 0 : index
    %swap3A_34 = arith.constant 0 : index
    %swap3A_35 = vector.load %arg6[%swap3A, %swap3A_34] : memref<1000x1xf32, #tpu.memory_space<vmem>>, vector<1000x1xf32>
    tpu.vector_store %arg6[%swap3A, %swap3A_34], %mul3A_33 {strides = array<i32>} : memref<1000x1xf32, #tpu.memory_space<vmem>>, vector<1000x1xf32>,
    return
  }
  func.func @transform_0(%arg0: i32) -> (i32, i32) {
    %c0_i32 = arith.constant 0 : i32
    %c0_i32_0 = arith.constant 0 : i32
    return %arg0, %c0_i32 : i32, i32
  }
  func.func @transform_1(%arg0: i32) -> (i32, i32) {
    %c0_i32 = arith.constant 0 : i32
    %c0_i32_0 = arith.constant 0 : i32
    return %arg0, %c0_i32 : i32, i32
  }
  func.func @transform_2(%arg0: i32) -> (i32, i32) {
    %c0_i32 = arith.constant 0 : i32
    %c0_i32_0 = arith.constant 0 : i32
    return %arg0, %c0_i32 : i32, i32
  }
  func.func @transform_3(%arg0: i32) -> (i32, i32) {
    %c0_i32 = arith.constant 0 : i32
    %c0_i32_0 = arith.constant 0 : i32
    %c0_i32_1 = arith.constant 0 : i32
    return %c0_i32, %c0_i32_0 : i32, i32
  }
  func.func @transform_4(%arg0: i32) -> (i32, i32) {
    %c0_i32 = arith.constant 0 : i32
    %c0_i32_0 = arith.constant 0 : i32
    %c0_i32_1 = arith.constant 0 : i32
    return %c0_i32, %c0_i32_0 : i32, i32
  }
  func.func @transform_5(%arg0: i32) -> (i32, i32) {
    %c0_i32 = arith.constant 0 : i32
    %c0_i32_0 = arith.constant 0 : i32
    return %arg0, %c0_i32 : i32, i32
  }
}

module attributes {stable_mosaic.version = 14 : i64} {
  func.func @_final_body(%arg0: memref<32x10000xf32, #tpu.memory_space<vmem>>, %arg1: memref<10000x1xf32, #tpu.memory_space<vmem>>, %arg2: memref<10000x1xf32, #tpu.memory_space<vmem>>, %arg3: memref<1x1xf32, #tpu.memory_space<vmem>>, %arg4: memref<1x1xf32, #tpu.memory_space<vmem>>, %arg5: memref<1x1xf32, #tpu.memory_space<vmem>>, %arg6: memref<1x1xf32, #tpu.memory_space<vmem>>, %arg7: memref<1x1xf32, #tpu.memory_space<vmem>>, %arg8: memref<1x1xf32, #tpu.memory_space<vmem>>) attributes {dimension_semantics = [], scalar_prefetch = 0 : i64, scratch_operands = 0 : i64, tpu.core_type = #tpu.core_type<tc>} {
    %get3A = arith.constant 0 : index
    %get3A_0 = arith.constant 0 : index
    %get3A_1 = vector.load %arg0[%get3A, %get3A_0] : memref<32x10000xf32, #tpu.memory_space<vmem>>, vector<32x10000xf32>
    %broadcast_in_dim3A = arith.constant 1.000000e+00 : f32
    %broadcast_in_dim3A_2 = vector.broadcast %broadcast_in_dim3A : f32 to vector<32x1xf32>
    %dot_general3A = arith.constant dense<0.000000e+00> : vector<10000x1xf32>
    %dot_general3A_3 = tpu.matmul %get3A_1, %broadcast_in_dim3A_2, %dot_general3A {dimension_numbers = #tpu.dot_dimension_numbers<[0], [0], [1], [1], [0, 1, 1, 1], [], []>, transpose_lhs_hint = false} : vector<32x10000xf32>, vector<32x1xf32>, vector<10000x1xf32> -> vector<10000x1xf32>
    %get3A_4 = arith.constant 0 : index
    %get3A_5 = arith.constant 0 : index
    %get3A_6 = vector.load %arg1[%get3A_4, %get3A_5] : memref<10000x1xf32, #tpu.memory_space<vmem>>, vector<10000x1xf32>
    %add3A = arith.addf %dot_general3A_3, %get3A_6 : vector<10000x1xf32>
    %get3A_7 = arith.constant 0 : index
    %get3A_8 = arith.constant 0 : index
    %get3A_9 = vector.load %arg2[%get3A_7, %get3A_8] : memref<10000x1xf32, #tpu.memory_space<vmem>>, vector<10000x1xf32>
    %mul3A = arith.mulf %get3A_9, %add3A : vector<10000x1xf32>
    %get3A_10 = arith.constant 0 : index
    %get3A_11 = arith.constant 0 : index
    %get3A_12 = vector.load %arg3[%get3A_10, %get3A_11] : memref<1x1xf32, #tpu.memory_space<vmem>>, vector<1x1xf32>
    %add3A_13 = vector.broadcast %get3A_12 : vector<1x1xf32> to vector<10000x1xf32>
    %add3A_14 = arith.addf %mul3A, %add3A_13 : vector<10000x1xf32>
    %reduce_sum3A = vector.shape_cast %add3A_14 : vector<10000x1xf32> to vector<1x10000x1xf32>
    %reduce_sum3A_15 = arith.constant dense<0.000000e+00> : vector<1xf32>
    %reduce_sum3A_16 = vector.multi_reduction <add>, %reduce_sum3A, %reduce_sum3A_15 [1, 2] : vector<1x10000x1xf32> to vector<1xf32>
    %reduce_sum3A_17 = vector.shape_cast %reduce_sum3A_16 : vector<1xf32> to vector<1x1x1xf32>
    %reduce_sum3A_18 = vector.extract %reduce_sum3A_17[0, 0, 0] : f32 from vector<1x1x1xf32>
    %mul3A_19 = arith.constant 9.99999974E-5 : f32
    %mul3A_20 = arith.mulf %reduce_sum3A_18, %mul3A_19 : f32
    %get3A_21 = arith.constant 0 : index
    %get3A_22 = arith.constant 0 : index
    %get3A_23 = vector.load %arg4[%get3A_21, %get3A_22] : memref<1x1xf32, #tpu.memory_space<vmem>>, vector<1x1xf32>
    %mul3A_24 = vector.broadcast %mul3A_20 : f32 to vector<1x1xf32>
    %mul3A_25 = arith.mulf %mul3A_24, %get3A_23 : vector<1x1xf32>
    %get3A_26 = arith.constant 0 : index
    %get3A_27 = arith.constant 0 : index
    %get3A_28 = vector.load %arg5[%get3A_26, %get3A_27] : memref<1x1xf32, #tpu.memory_space<vmem>>, vector<1x1xf32>
    %add3A_29 = arith.addf %mul3A_25, %get3A_28 : vector<1x1xf32>
    %get3A_30 = arith.constant 0 : index
    %get3A_31 = arith.constant 0 : index
    %get3A_32 = vector.load %arg6[%get3A_30, %get3A_31] : memref<1x1xf32, #tpu.memory_space<vmem>>, vector<1x1xf32>
    %mul3A_33 = arith.mulf %add3A_29, %get3A_32 : vector<1x1xf32>
    %get3A_34 = arith.constant 0 : index
    %get3A_35 = arith.constant 0 : index
    %get3A_36 = vector.load %arg7[%get3A_34, %get3A_35] : memref<1x1xf32, #tpu.memory_space<vmem>>, vector<1x1xf32>
    %add3A_37 = arith.addf %mul3A_33, %get3A_36 : vector<1x1xf32>
    %swap3A = arith.constant 0 : index
    %swap3A_38 = arith.constant 0 : index
    %swap3A_39 = vector.load %arg8[%swap3A, %swap3A_38] : memref<1x1xf32, #tpu.memory_space<vmem>>, vector<1x1xf32>
    tpu.vector_store %arg8[%swap3A, %swap3A_38], %add3A_37 {strides = array<i32>} : memref<1x1xf32, #tpu.memory_space<vmem>>, vector<1x1xf32>,
    return
  }
}

</mosaic_0001>

<sc_bundles>
// kernel: kernel.11.cloned.1.call-start
scs
__scs_entry_jumppad:
0x0: {  	(pc) =	sbr.rel $0x88, $3  }
0x1: {  	(tag) =	ssettag $0x0;
	lr =	simm.s32 $0x1  }
0x2: {  	[smem:$0x3F95] =	sst lr;
	_ =	strace $0xD0000000  }
0x3: {  	_ = 	snop  }
0x4: {  	_ = 	snop  }
0x5: {  	_ = 	snop  }
0x6: {  	_ = 	snop  }
0x7: {  	_ = 	snop  }
__scs_overlays_trampoline_lowered:
0x8: {  	[smem:$0x3FA4] =	sst s0  }
0x9: {  	[smem:$0x3FA5] =	sst s1  }
0xa: {  	[smem:$0x3FA6] =	sst s2  }
0xb: {  	[smem:$0x3FA7] =	sst s3  }
0xc: {  	[smem:$0x3FA8] =	sst s4  }
0xd: {  	[smem:$0x3FA9] =	sst s5  }
0xe: {  	[smem:$0x3FAA] =	sst s6  }
0xf: {  	[smem:$0x3FAB] =	sst s7  }
0x10: {  	[smem:$0x3FAC] =	sst s8  }
0x11: {  	[smem:$0x3FAD] =	sst s9;
	s0 =	simm.s32 @!p0 $0x0  }
0x12: {  	s1 =	sld [smem:$0x3F93];
	s0 =	simm.s32 @p0 $0x1  }
0x13: {  	[smem:$0x3FAE] =	sst s0;
	s0 =	simm.s32 @!p1 $0x0  }
0x14: {  	s2 =	sld [smem:$0x3F92];
	s0 =	simm.s32 @p1 $0x1  }
0x15: {  	[smem:$0x3FAF] =	sst s0;
	s0 =	simm.s32 @!p2 $0x0  }
0x16: {  	s3 =	sld [smem:$0x3FDB];
	s0 =	simm.s32 @p2 $0x1  }
0x17: {  	s4 =	simm.s32 $0x1BF5;
	[smem:$0x3FB1] =	sst s0  }
0x18: {  	s0 =	sld [smem:$0x3F94];
	_ =	swait.ge [sflag:s4], $0x0  }
0x19: {  	s7 =	sld [smem:$0x3F95]  }
0x1a: {  	s8 =	sadd.s32 $0xFFFFE003, lr  }
0x1b: {  	s9 =	sadd.s32 $0xFFFFFEF7, lr;
	s5 =	simm.s32 $0xFFFFFFFF;
	p2 =	slt.u32 s8, $0xFFFFF086  }
0x1c: {  	p1 =	slt.u32 s9, $0xF7A;
	s5 =	simm.s32 @!p2 $0x0  }
0x1d: {  	s5 =	simm.s32 @p1 $0x1;
	p0 =	seq.s32 s7, s2  }
0x1e: {  	s7 =	smul.u32 @!p0 $0xF7A, s2;
	p2 =	seq.s32 @!p0 s5, $0x0  }
0x1f: {  	s9 =	smul.u32 $0xF7A, s1;
	s8 =	simm.s32 @!p0 $0x1BF5;
	p2 =	por !p2, p0  }
0x20: {  	[sflag:s8] =	ssyncset.s32 @!p0 $0xFFFFF086;
	s6 =	sadd.s32 @!p0 s3, s7;
	s7 =	simm.s32 @!p0 $0x108  }
0x21: {  	s3 =	sadd.s32 s3, s9;
	s6 =	sadd.s32 @!p0 $0x88, s6;
	s7 =	simm.s32 @p2 $0x1082  }
0x22: {  	[simem:s7], [sflag:s8] =	dma.local @!p0 [hbm:s6], $0xF7A  }
0x23: {  	s9 =	sor.u32 $0xD0000000, s2;
	s6 =	simm.s32 $0x108;
	_ =	swait.ge @!p0 [sflag:s8], $0x0  }
0x24: {  	s3 =	sadd.s32 $0x88, s3;
	s6 =	simm.s32 @!p1 $0x1082;
	[sflag:s4] =	ssyncset.s32 $0xFFFFF086  }
0x25: {  	[simem:s6], [sflag:s4] =	dma.local [hbm:s3], $0xF7A  }
0x26: {  	[smem:$0x3F95] =	sst s1;
	(tag) =	ssettag s2;
	_ =	strace s9  }
0x27: {  	s1 =	sld [smem:$0x3FA5]  }
0x28: {  	s2 =	sld [smem:$0x3FA6]  }
0x29: {  	s4 =	sld [smem:$0x3FA8]  }
0x2a: {  	p0 =	seq.s32 s5, $0x0;
	s5 =	sld [smem:$0x3FA9]  }
0x2b: {  	s6 =	sld [smem:$0x3FAA]  }
0x2c: {  	s7 =	sld [smem:$0x3FAB]  }
0x2d: {  	s3 =	simm.s32 $0x108;
	s8 =	sld [smem:$0x3FAC]  }
0x2e: {  	s3 =	simm.s32 @!p0 $0x1082;
	s9 =	sld [smem:$0x3FAD]  }
0x2f: {  	lr =	sadd.s32 s0, s3;
	s0 =	sld [smem:$0x3FA4]  }
0x30: {  	s3 =	sld [smem:$0x3FA7]  }
0x31: {  	[smem:$0x3FB0] =	sst s10  }
0x32: {  	s10 =	sld [smem:$0x3FAE];
	_ =	sdelay $0x3  }
0x33: {  	p0 =	seq.s32 s10, $0x1;
	s10 =	sld [smem:$0x3FB0];
	_ =	sdelay $0x3  }
0x34: {  	[smem:$0x3FB0] =	sst s10  }
0x35: {  	s10 =	sld [smem:$0x3FAF];
	_ =	sdelay $0x3  }
0x36: {  	p1 =	seq.s32 s10, $0x1;
	s10 =	sld [smem:$0x3FB0];
	_ =	sdelay $0x3  }
0x37: {  	[smem:$0x3FB0] =	sst s10  }
0x38: {  	s10 =	sld [smem:$0x3FB1]  }
0x39: {  	_ = 	snop;
	(pc) =	sbr.ind lr, $3  }
0x3a: {  	_ = 	snop  }
0x3b: {  	_ = 	snop  }
0x3c: {  	p2 =	seq.s32 s10, $0x1;
	s10 =	sld [smem:$0x3FB0]  }
0x3d: {  	_ =	shalt  }
0x3e: {  	_ =	shalt  }
0x3f: {  	_ =	shalt  }
0x40: {  	_ =	shalt  }
0x41: {  	_ =	shalt  }
0x42: {  	_ =	shalt  }
0x43: {  	_ =	shalt  }
0x44: {  	_ =	shalt  }
0x45: {  	_ =	shalt  }
0x46: {  	_ =	shalt  }
0x47: {  	_ =	shalt  }
0x48: {  	_ =	shalt  }
0x49: {  	_ =	shalt  }
0x4a: {  	_ =	shalt  }
0x4b: {  	_ =	shalt  }
0x4c: {  	_ =	shalt  }
0x4d: {  	_ =	shalt  }
0x4e: {  	_ =	shalt  }
0x4f: {  	_ =	shalt  }
0x50: {  	_ =	shalt  }
0x51: {  	_ =	shalt  }
0x52: {  	_ =	shalt  }
0x53: {  	_ =	shalt  }
0x54: {  	_ =	shalt  }
0x55: {  	_ =	shalt  }
0x56: {  	_ =	shalt  }
0x57: {  	_ =	shalt  }
0x58: {  	_ =	shalt  }
0x59: {  	_ =	shalt  }
0x5a: {  	_ =	shalt  }
0x5b: {  	_ =	shalt  }
0x5c: {  	_ =	shalt  }
0x5d: {  	_ =	shalt  }
0x5e: {  	_ =	shalt  }
0x5f: {  	_ =	shalt  }
0x60: {  	_ =	shalt  }
0x61: {  	_ =	shalt  }
0x62: {  	_ =	shalt  }
0x63: {  	_ =	shalt  }
0x64: {  	_ =	shalt  }
0x65: {  	_ =	shalt  }
0x66: {  	_ =	shalt  }
0x67: {  	_ =	shalt  }
0x68: {  	_ =	shalt  }
0x69: {  	_ =	shalt  }
0x6a: {  	_ =	shalt  }
0x6b: {  	_ =	shalt  }
0x6c: {  	_ =	shalt  }
0x6d: {  	_ =	shalt  }
0x6e: {  	_ =	shalt  }
0x6f: {  	_ =	shalt  }
0x70: {  	_ =	shalt  }
0x71: {  	_ =	shalt  }
0x72: {  	_ =	shalt  }
0x73: {  	_ =	shalt  }
0x74: {  	_ =	shalt  }
0x75: {  	_ =	shalt  }
0x76: {  	_ =	shalt  }
0x77: {  	_ =	shalt  }
0x78: {  	_ =	shalt  }
0x79: {  	_ =	shalt  }
0x7a: {  	_ =	shalt  }
0x7b: {  	_ =	shalt  }
0x7c: {  	_ =	shalt  }
0x7d: {  	_ =	shalt  }
0x7e: {  	_ =	shalt  }
0x7f: {  	_ =	shalt  }
0x80: {  	_ =	shalt  }
0x81: {  	_ =	shalt  }
0x82: {  	_ =	shalt  }
0x83: {  	_ =	shalt  }
0x84: {  	_ =	shalt  }
0x85: {  	_ =	shalt  }
0x86: {  	_ =	shalt  }
0x87: {  	_ =	shalt  }
.Lfunc_end0:
.L_simem_size_0:
called_computation_lowered:
.L_overlay_start_0:
0x88: {  	s2 =	sld [smem:$0x3FD9]  }
0x89: {  	s3 =	sld [smem:$0x3FFE];
	_ =	sdelay $0x1  }
0x8a: {  	s1 =	srdreg.scid  }
0x8b: {  	s0 =	sand.u32 $0x1, s1  }
0x8c: {  	s16 =	sshll.u32 s0, $0xA;
	s2 =	sadd.s32 s3, s2  }
0x8d: {  	s2 =	sadd.s32 s2, s16  }
0x8e: {  	[smem:$0x3FBC] =	sst s2  }
0x8f: {  	_ = 	snop  }
0x90: {  	(tm) =	ssettm $0x1  }
0x91: {  	s17 =	sld [smem:$0x3FFB];
	_ =	sdelay $0x3  }
0x92: {  	_ =	strace s17  }
0x93: {  	s2 =	sld [smem:$0x3FFC];
	_ =	sdelay $0x3  }
0x94: {  	_ =	strace s2  }
0x95: {  	s2 =	sld [smem:$0x3FFD];
	_ =	sdelay $0x3  }
0x96: {  	_ =	strace s2  }
0x97: {  	_ =	strace $0x8FFFFFFF  }
0x98: {  	s18 =	sld [smem:$0x3FDB];
	_ =	sdelay $0x1  }
0x99: {  	s19 =	simm.s32 $_scs_section_size  }
0x9a: {  	s4 =	simm.s32 $_size__tile_overlayer_lowered;
	s5 =	simm.s32 $_tile_overlayer_lowered  }
0x9b: {  	s22 =	simm.s32 $0x1BFF;
	s21 =	sshll.u32 s5, $0x1;
	s2 =	sadd.s32 s19, s18  }
0x9c: {  	s6 =	simm.s32 $0x0;
	s20 =	sshll.u32 s4, $0x1;
	s4 =	sadd.s32 s21, s2  }
0x9d: {  	[timem:s6], [sflag:s22] =	dma.local [hbm:s4], s20  }
0x9e: {  	_ =	swait.ge [sflag:s22], s20  }
0x9f: {  	s3 =	ssub.s32 $0x0, s20;
	[sflag:s22] =	ssyncset.done $0x0  }
0xa0: {  	[sflag:s22] =	ssyncadd.s32 s3;
	_ =	sdelay $0x1  }
0xa1: {  	s23 =	simm.s32 $0x1B8B  }
0xa2: {  	_ =	swait.ge [sflag:s23], $0x1  }
0xa3: {  	[sflag:s23] =	ssyncset.done $0x0  }
0xa4: {  	s25 =	simm.s32 $0x1B8E;
	s24 =	sld [smem:$0x3FFE];
	[sflag:s23] =	ssyncadd.s32 $0xFFFFFFFF  }
0xa5: {  	s26 =	simm.s32 $execute0_lowered;
	[smem:$0x3FD2] =	sst s25  }
0xa6: {  	s4 =	sshll.u32 s26, $0x1;
	_ =	strace $0x80000046;
	[dreg:$0x1] =	wrdreg $0xFFFFFFFF  }
0xa7: {  	s28 =	simm.s32 $_size_execute0_lowered;
	s2 =	sadd.s32 s2, s4;
	[dreg:$0x0] =	wrdreg $0x0  }
0xa8: {  	s4 =	sshll.u32 s28, $0x1;
	[dreg:$0x2] =	wrdreg s2  }
0xa9: {  	[dreg:$0x3] =	wrdreg s4  }
0xaa: {  	[dreg:$0x4] =	wrdreg $0xC0  }
0xab: {  	_ =	task [dreg:s6], $0x5FFFF  }
0xac: {  	[dreg:$0x1] =	wrdreg $0xFFFFFFFF  }
0xad: {  	[dreg:$0x0] =	wrdreg $0x60  }
0xae: {  	[dreg:$0x2] =	wrdreg s24  }
0xaf: {  	[dreg:$0x3] =	wrdreg $0x9  }
0xb0: {  	_ =	task.clear_ibuf [dreg:s6], $0x4FFFF;
	_ =	strace $0x90000046  }
0xb1: {  	s29 =	simm.s32 $0x9;
	_ =	strace $0x80000048  }
0xb2: {  	_ =	swait.ge [sflag:s29], $0x1  }
0xb3: {  	[sflag:s29] =	ssyncadd.s32 $0xFFFFFFFF  }
0xb4: {  	_ =	strace $0x90000048  }
0xb5: {  	_ =	sfence  }
0xb6: {  	s30 =	sld [smem:$0x0];
	_ =	sdelay $0x2  }
0xb7: {  	s31 =	sshll.u32 s1, $0xD;
	s1 =	sshrl.u32 s1, $0x2  }
0xb8: {  	s3 =	sand.u32 $0x4000, s31;
	s1 =	sadd.s32 s1, s30  }
0xb9: {  	s0 =	sor.u32 s3, s0;
	s1 =	sshll.u32 s1, $0x11  }
0xba: {  	s0 =	sor.u32 s1, s0  }
0xbb: {  	s0 =	sadd.s32 $0x8F2B, s0  }
0xbc: {  	[sflag:s0] =	ssyncadd.remote.s32 $0x1  }
0xbd: {  	_ =	sfence.sel $0xFFFF  }
0xbe: {  	[dreg:$0x0] =	wrdreg $0xFFFFFFFF;
	(pc) =	sbr.abs _section_cstart, $3  }
0xbf: {  	[dreg:$0x1] =	wrdreg $0xFFFFFFFF  }
0xc0: {  	_ =	task.clear_ibuf [dreg:s6], $0x2FFFF;
	_ =	strace $0x9FFFFFFF  }
0xc1: {  	(tm) =	ssettm $0x7FFFFFFF  }
tec
execute0_lowered:
.L_overlay_start_1:
0x0: {  	(tag) =	ssettag $0x1  }
0x1: {  	s1 =	srdreg.scid;
	s0 =	stileid.u32  }
0x2: {  	s3 =	sand.u32 $0x1, s1;
	s30 =	sshll.u32 s0, $0x1  }
0x3: {  	s4 =	rddreg [dreg:$0x0];
	s2 =	simm.s32 $0x0;
	s5 =	sor.u32 s3, s30  }
0x4: {  	s7 =	simm.s32 $0x0;
	s1 =	rddreg [dreg:$0x1];
	s6 =	smul.u32 $0x271, s5  }
0x5: {  	[smem:$0x7FF] =	sst s2;
	s3 =	ssub.s32 $0x2, s3;
	s5 =	smul.u32 $0x4E2, s5  }
0x6: {  	_ =	strace $0x80000047;
	s31 =	sshrl.u32 s3, $0x1;
	s6 =	sadd.s32 s6, s4  }
0x7: {  	s4 =	sadd.s32 s5, s4;
	s5 =	ssub.s32 s3, s31;
	s3 =	sadd.s32 $0x3600, s6  }
0x8: {  	v0 =	vimm.f32 $0.0e+00;
	v1 =	vlaneseq.u32;
	s4 =	sadd.s32 $0xD600, s4;
	s5 =	smax.u32 s5, $0x1;
	s6 =	simm.s32 $0x1  }
.LBB2_1:
0x9: {  	s8 =	simm.s32 $0x40;
	s9 =	simm.s32 $0x0  }
.LBB2_2:
0xa: {  	p0 =	sne.s32 s8, $0x9C00;
	[tilespmem:s9+$0x0] =	vst v0;
	s9 =	smov.u32 s8;
	s8 =	sadd.s32 $0x40, s8  }
.Ltmp0:
0xb: {  	(pc) =	sbr.rel @p0 .LBB2_2-.Ltmp0, $2  }
0xc: {  	_ =	sdelay $0x2  }
0xd: {  	s9 =	sshra.s32 s9, $0x2  }
0xe: {  	[tilespmem:s9+$0x0] =	vst v0;
	s8 =	simm.s32 $0x2780  }
0xf: {  	[tilespmem:s8], [sflag:$0x1] =	stream.linear.gather [hbm4b:s3+s2], $0x1388, $0x38;
	[tilespmem:$0x3B80] =	vst v63  }
0x10: {  	_ =	swait.ge [sflag:s6], $0x1388  }
0x11: {  	[sflag:s6] =	ssyncset.done $0x0  }
0x12: {  	[sflag:s6] =	ssyncadd.s32 $0xFFFFEC78  }
0x13: {  	s9 =	simm.s32 $0x1388;
	s10 =	simm.s32 $0x1378;
	v2 =	vld [tilespmem:s8+$0x0]  }
.LBB2_4:
0x14: {  	p0 =	sne.s32 s10, $0x8;
	_ =	sdelay $0x3  }
0x15: {  	vm0 =	vgt.s32 v2, $0x0  }
0x16: {  	v2 =	vnsel vm0, $0x0, v2  }
0x17: {  	v2 =	vmin.u32 v2, $0x270F;
	_ =	sdelay $0x1  }
.Ltmp1:
0x18: {  	v3 =	vmov s9;
	s9 =	smov.u32 s10;
	(pc) =	sbr.rel @p0 .LBB2_4-.Ltmp1, $4  }
0x19: {  	vm0 =	vgt.u32 v3, v1  }
0x1a: {  	v3 =	vsel vm0, $0x3F800000, v0  }
0x1b: {  	s8 =	sadd.s32 $0x10, s8;
	[tilespmem:v2+s2+$0x0] =	vst.idx.add.f32.msk $0xffff, v3  }
0x1c: {  	s10 =	sadd.s32 $0xFFFFFFF0, s10;
	v2 =	vld [tilespmem:s8+$0x0]  }
0x1d: {  	_ =	sdelay $0x3  }
0x1e: {  	vm0 =	vgt.s32 v2, $0x0  }
0x1f: {  	v2 =	vnsel vm0, $0x0, v2  }
0x20: {  	v2 =	vmin.u32 v2, $0x270F;
	_ =	sdelay $0x1  }
0x21: {  	v3 =	vmov s9  }
0x22: {  	s7 =	sadd.s32 $0x1, s7;
	vm15 =	vgt.u32 v3, v1  }
0x23: {  	p0 =	sne.s32 s7, s5;
	v3 =	vsel vm15, $0x3F800000, v0  }
.Ltmp2:
0x24: {  	[tilespmem:v2+s2+$0x0] =	vst.idx.add.f32.msk $0xffff, v3;
	(pc) =	sbr.rel @p0 .LBB2_1-.Ltmp2, $4  }
0x25: {  	[hbm4b:s4+s2] =	stream.linear.scatter [tilespmem:s2], [sflag:$0x1], $0x2710, $0x38;
	[tilespmem:$0x3B80] =	vst v63  }
0x26: {  	_ =	swait.ge [sflag:s6], $0x2710  }
0x27: {  	[sflag:s6] =	ssyncset.done $0x0  }
0x28: {  	[sflag:s6] =	ssyncadd.s32 $0xFFFFD8F0  }
0x29: {  	_ =	sfence.sel $0x180000  }
0x2a: {  	[bflag:$0x0] =	sbarrier.arrive $0xFFFF  }
0x2b: {  	p0 =	sne.s32 s0, $0x0;
	_ =	strace $0x90000047  }
0x2c: {  	s0 =	sadd.s32 @!p0 $0x100000, s1;
	[bflag:$0x2] =	sbarrier.arrive $0xFFFF  }
0x2d: {  	[sflag:s0] =	ssyncadd.tile.s32 @!p0 $0x1;
	_ =	shalt  }
.Lfunc_end2:
_tile_overlayer_lowered:
.L_overlay_start_2:
0x2e: {  	(tag) =	ssettag $0x2  }
0x2f: {  	s0 =	rddreg [dreg:$0x0];
	s2 =	stileid.u32  }
0x30: {  	s1 =	rddreg [dreg:$0x1];
	p0 =	sne.s32 s2, $0x0  }
0x31: {  	s3 =	rddreg [dreg:$0x2];
	[bflag:$0x3] =	sbarrier.arrive $0xFFFF;
	s2 =	simm.s32 @!p0 $0x1C01  }
0x32: {  	[timem:s3], [sflag:s2] =	dma.local @!p0 [hbm:s0], s1  }
0x33: {  	s0 =	simm.s32 @!p0 $0x1  }
0x34: {  	_ =	swait.ge @!p0 [sflag:s0], s1  }
0x35: {  	s1 =	ssub.s32 @!p0 $0x0, s1;
	[sflag:s0] =	ssyncset.done @!p0 $0x0  }
0x36: {  	[sflag:s0] =	ssyncadd.s32 @!p0 s1  }
0x37: {  	[bflag:$0x3] =	sbarrier.arrive $0xFFFF  }
0x38: {  	_ =	shalt  }

// kernel: kernel.14.cloned.1.call-start
scs
__scs_entry_jumppad:
0x0: {  	(pc) =	sbr.rel $0x88, $3  }
0x1: {  	(tag) =	ssettag $0x0;
	lr =	simm.s32 $0x1  }
0x2: {  	[smem:$0x3F95] =	sst lr;
	_ =	strace $0xD0000000  }
0x3: {  	_ = 	snop  }
0x4: {  	_ = 	snop  }
0x5: {  	_ = 	snop  }
0x6: {  	_ = 	snop  }
0x7: {  	_ = 	snop  }
__scs_overlays_trampoline_lowered:
0x8: {  	[smem:$0x3FA4] =	sst s0  }
0x9: {  	[smem:$0x3FA5] =	sst s1  }
0xa: {  	[smem:$0x3FA6] =	sst s2  }
0xb: {  	[smem:$0x3FA7] =	sst s3  }
0xc: {  	[smem:$0x3FA8] =	sst s4  }
0xd: {  	[smem:$0x3FA9] =	sst s5  }
0xe: {  	[smem:$0x3FAA] =	sst s6  }
0xf: {  	[smem:$0x3FAB] =	sst s7  }
0x10: {  	[smem:$0x3FAC] =	sst s8  }
0x11: {  	[smem:$0x3FAD] =	sst s9;
	s0 =	simm.s32 @!p0 $0x0  }
0x12: {  	s1 =	sld [smem:$0x3F93];
	s0 =	simm.s32 @p0 $0x1  }
0x13: {  	[smem:$0x3FAE] =	sst s0;
	s0 =	simm.s32 @!p1 $0x0  }
0x14: {  	s2 =	sld [smem:$0x3F92];
	s0 =	simm.s32 @p1 $0x1  }
0x15: {  	[smem:$0x3FAF] =	sst s0;
	s0 =	simm.s32 @!p2 $0x0  }
0x16: {  	s3 =	sld [smem:$0x3FDB];
	s0 =	simm.s32 @p2 $0x1  }
0x17: {  	s4 =	simm.s32 $0x1BF5;
	[smem:$0x3FB1] =	sst s0  }
0x18: {  	s0 =	sld [smem:$0x3F94];
	_ =	swait.ge [sflag:s4], $0x0  }
0x19: {  	s7 =	sld [smem:$0x3F95]  }
0x1a: {  	s8 =	sadd.s32 $0xFFFFE003, lr  }
0x1b: {  	s9 =	sadd.s32 $0xFFFFFEF7, lr;
	s5 =	simm.s32 $0xFFFFFFFF;
	p2 =	slt.u32 s8, $0xFFFFF086  }
0x1c: {  	p1 =	slt.u32 s9, $0xF7A;
	s5 =	simm.s32 @!p2 $0x0  }
0x1d: {  	s5 =	simm.s32 @p1 $0x1;
	p0 =	seq.s32 s7, s2  }
0x1e: {  	s7 =	smul.u32 @!p0 $0xF7A, s2;
	p2 =	seq.s32 @!p0 s5, $0x0  }
0x1f: {  	s9 =	smul.u32 $0xF7A, s1;
	s8 =	simm.s32 @!p0 $0x1BF5;
	p2 =	por !p2, p0  }
0x20: {  	[sflag:s8] =	ssyncset.s32 @!p0 $0xFFFFF086;
	s6 =	sadd.s32 @!p0 s3, s7;
	s7 =	simm.s32 @!p0 $0x108  }
0x21: {  	s3 =	sadd.s32 s3, s9;
	s6 =	sadd.s32 @!p0 $0x88, s6;
	s7 =	simm.s32 @p2 $0x1082  }
0x22: {  	[simem:s7], [sflag:s8] =	dma.local @!p0 [hbm:s6], $0xF7A  }
0x23: {  	s9 =	sor.u32 $0xD0000000, s2;
	s6 =	simm.s32 $0x108;
	_ =	swait.ge @!p0 [sflag:s8], $0x0  }
0x24: {  	s3 =	sadd.s32 $0x88, s3;
	s6 =	simm.s32 @!p1 $0x1082;
	[sflag:s4] =	ssyncset.s32 $0xFFFFF086  }
0x25: {  	[simem:s6], [sflag:s4] =	dma.local [hbm:s3], $0xF7A  }
0x26: {  	[smem:$0x3F95] =	sst s1;
	(tag) =	ssettag s2;
	_ =	strace s9  }
0x27: {  	s1 =	sld [smem:$0x3FA5]  }
0x28: {  	s2 =	sld [smem:$0x3FA6]  }
0x29: {  	s4 =	sld [smem:$0x3FA8]  }
0x2a: {  	p0 =	seq.s32 s5, $0x0;
	s5 =	sld [smem:$0x3FA9]  }
0x2b: {  	s6 =	sld [smem:$0x3FAA]  }
0x2c: {  	s7 =	sld [smem:$0x3FAB]  }
0x2d: {  	s3 =	simm.s32 $0x108;
	s8 =	sld [smem:$0x3FAC]  }
0x2e: {  	s3 =	simm.s32 @!p0 $0x1082;
	s9 =	sld [smem:$0x3FAD]  }
0x2f: {  	lr =	sadd.s32 s0, s3;
	s0 =	sld [smem:$0x3FA4]  }
0x30: {  	s3 =	sld [smem:$0x3FA7]  }
0x31: {  	[smem:$0x3FB0] =	sst s10  }
0x32: {  	s10 =	sld [smem:$0x3FAE];
	_ =	sdelay $0x3  }
0x33: {  	p0 =	seq.s32 s10, $0x1;
	s10 =	sld [smem:$0x3FB0];
	_ =	sdelay $0x3  }
0x34: {  	[smem:$0x3FB0] =	sst s10  }
0x35: {  	s10 =	sld [smem:$0x3FAF];
	_ =	sdelay $0x3  }
0x36: {  	p1 =	seq.s32 s10, $0x1;
	s10 =	sld [smem:$0x3FB0];
	_ =	sdelay $0x3  }
0x37: {  	[smem:$0x3FB0] =	sst s10  }
0x38: {  	s10 =	sld [smem:$0x3FB1]  }
0x39: {  	_ = 	snop;
	(pc) =	sbr.ind lr, $3  }
0x3a: {  	_ = 	snop  }
0x3b: {  	_ = 	snop  }
0x3c: {  	p2 =	seq.s32 s10, $0x1;
	s10 =	sld [smem:$0x3FB0]  }
0x3d: {  	_ =	shalt  }
0x3e: {  	_ =	shalt  }
0x3f: {  	_ =	shalt  }
0x40: {  	_ =	shalt  }
0x41: {  	_ =	shalt  }
0x42: {  	_ =	shalt  }
0x43: {  	_ =	shalt  }
0x44: {  	_ =	shalt  }
0x45: {  	_ =	shalt  }
0x46: {  	_ =	shalt  }
0x47: {  	_ =	shalt  }
0x48: {  	_ =	shalt  }
0x49: {  	_ =	shalt  }
0x4a: {  	_ =	shalt  }
0x4b: {  	_ =	shalt  }
0x4c: {  	_ =	shalt  }
0x4d: {  	_ =	shalt  }
0x4e: {  	_ =	shalt  }
0x4f: {  	_ =	shalt  }
0x50: {  	_ =	shalt  }
0x51: {  	_ =	shalt  }
0x52: {  	_ =	shalt  }
0x53: {  	_ =	shalt  }
0x54: {  	_ =	shalt  }
0x55: {  	_ =	shalt  }
0x56: {  	_ =	shalt  }
0x57: {  	_ =	shalt  }
0x58: {  	_ =	shalt  }
0x59: {  	_ =	shalt  }
0x5a: {  	_ =	shalt  }
0x5b: {  	_ =	shalt  }
0x5c: {  	_ =	shalt  }
0x5d: {  	_ =	shalt  }
0x5e: {  	_ =	shalt  }
0x5f: {  	_ =	shalt  }
0x60: {  	_ =	shalt  }
0x61: {  	_ =	shalt  }
0x62: {  	_ =	shalt  }
0x63: {  	_ =	shalt  }
0x64: {  	_ =	shalt  }
0x65: {  	_ =	shalt  }
0x66: {  	_ =	shalt  }
0x67: {  	_ =	shalt  }
0x68: {  	_ =	shalt  }
0x69: {  	_ =	shalt  }
0x6a: {  	_ =	shalt  }
0x6b: {  	_ =	shalt  }
0x6c: {  	_ =	shalt  }
0x6d: {  	_ =	shalt  }
0x6e: {  	_ =	shalt  }
0x6f: {  	_ =	shalt  }
0x70: {  	_ =	shalt  }
0x71: {  	_ =	shalt  }
0x72: {  	_ =	shalt  }
0x73: {  	_ =	shalt  }
0x74: {  	_ =	shalt  }
0x75: {  	_ =	shalt  }
0x76: {  	_ =	shalt  }
0x77: {  	_ =	shalt  }
0x78: {  	_ =	shalt  }
0x79: {  	_ =	shalt  }
0x7a: {  	_ =	shalt  }
0x7b: {  	_ =	shalt  }
0x7c: {  	_ =	shalt  }
0x7d: {  	_ =	shalt  }
0x7e: {  	_ =	shalt  }
0x7f: {  	_ =	shalt  }
0x80: {  	_ =	shalt  }
0x81: {  	_ =	shalt  }
0x82: {  	_ =	shalt  }
0x83: {  	_ =	shalt  }
0x84: {  	_ =	shalt  }
0x85: {  	_ =	shalt  }
0x86: {  	_ =	shalt  }
0x87: {  	_ =	shalt  }
.Lfunc_end0:
.L_simem_size_0:
called_computation.1_lowered:
.L_overlay_start_0:
0x88: {  	s2 =	sld [smem:$0x3FD9]  }
0x89: {  	s3 =	sld [smem:$0x3FFE];
	_ =	sdelay $0x1  }
0x8a: {  	s1 =	srdreg.scid  }
0x8b: {  	s0 =	sand.u32 $0x1, s1  }
0x8c: {  	s16 =	sshll.u32 s0, $0xA;
	s2 =	sadd.s32 s3, s2  }
0x8d: {  	s2 =	sadd.s32 s2, s16  }
0x8e: {  	[smem:$0x3FBC] =	sst s2  }
0x8f: {  	_ = 	snop  }
0x90: {  	(tm) =	ssettm $0x1  }
0x91: {  	s17 =	sld [smem:$0x3FFB];
	_ =	sdelay $0x3  }
0x92: {  	_ =	strace s17  }
0x93: {  	s2 =	sld [smem:$0x3FFC];
	_ =	sdelay $0x3  }
0x94: {  	_ =	strace s2  }
0x95: {  	s2 =	sld [smem:$0x3FFD];
	_ =	sdelay $0x3  }
0x96: {  	_ =	strace s2  }
0x97: {  	_ =	strace $0x8FFFFFFF  }
0x98: {  	s18 =	sld [smem:$0x3FDB];
	_ =	sdelay $0x1  }
0x99: {  	s19 =	simm.s32 $_scs_section_size  }
0x9a: {  	s4 =	simm.s32 $_size__tile_overlayer_lowered;
	s5 =	simm.s32 $_tile_overlayer_lowered  }
0x9b: {  	s22 =	simm.s32 $0x1BFF;
	s21 =	sshll.u32 s5, $0x1;
	s2 =	sadd.s32 s19, s18  }
0x9c: {  	s6 =	simm.s32 $0x0;
	s20 =	sshll.u32 s4, $0x1;
	s4 =	sadd.s32 s21, s2  }
0x9d: {  	[timem:s6], [sflag:s22] =	dma.local [hbm:s4], s20  }
0x9e: {  	_ =	swait.ge [sflag:s22], s20  }
0x9f: {  	s3 =	ssub.s32 $0x0, s20;
	[sflag:s22] =	ssyncset.done $0x0  }
0xa0: {  	[sflag:s22] =	ssyncadd.s32 s3;
	_ =	sdelay $0x1  }
0xa1: {  	s23 =	simm.s32 $0x1B8B  }
0xa2: {  	_ =	swait.ge [sflag:s23], $0x1  }
0xa3: {  	[sflag:s23] =	ssyncset.done $0x0  }
0xa4: {  	s25 =	simm.s32 $0x1B8E;
	s24 =	sld [smem:$0x3FFE];
	[sflag:s23] =	ssyncadd.s32 $0xFFFFFFFF  }
0xa5: {  	s26 =	simm.s32 $execute0_lowered;
	[smem:$0x3FD2] =	sst s25  }
0xa6: {  	s4 =	sshll.u32 s26, $0x1;
	_ =	strace $0x80000049;
	[dreg:$0x1] =	wrdreg $0xFFFFFFFF  }
0xa7: {  	s28 =	simm.s32 $_size_execute0_lowered;
	s2 =	sadd.s32 s2, s4;
	[dreg:$0x0] =	wrdreg $0x0  }
0xa8: {  	s4 =	sshll.u32 s28, $0x1;
	[dreg:$0x2] =	wrdreg s2  }
0xa9: {  	[dreg:$0x3] =	wrdreg s4  }
0xaa: {  	[dreg:$0x4] =	wrdreg $0xC0  }
0xab: {  	_ =	task [dreg:s6], $0x5FFFF  }
0xac: {  	[dreg:$0x1] =	wrdreg $0xFFFFFFFF  }
0xad: {  	[dreg:$0x0] =	wrdreg $0x60  }
0xae: {  	[dreg:$0x2] =	wrdreg s24  }
0xaf: {  	[dreg:$0x3] =	wrdreg $0x0  }
0xb0: {  	[dreg:$0x4] =	wrdreg $0x9  }
0xb1: {  	_ =	task.clear_ibuf [dreg:s6], $0x5FFFF;
	_ =	strace $0x90000049  }
0xb2: {  	s29 =	simm.s32 $0x9;
	_ =	strace $0x8000004B  }
0xb3: {  	_ =	swait.ge [sflag:s29], $0x1  }
0xb4: {  	[sflag:s29] =	ssyncadd.s32 $0xFFFFFFFF  }
0xb5: {  	_ =	strace $0x9000004B  }
0xb6: {  	_ =	sfence  }
0xb7: {  	s30 =	sld [smem:$0x0];
	_ =	sdelay $0x2  }
0xb8: {  	s31 =	sshll.u32 s1, $0xD;
	s1 =	sshrl.u32 s1, $0x2  }
0xb9: {  	s3 =	sand.u32 $0x4000, s31;
	s1 =	sadd.s32 s1, s30  }
0xba: {  	s0 =	sor.u32 s3, s0;
	s1 =	sshll.u32 s1, $0x11  }
0xbb: {  	s0 =	sor.u32 s1, s0  }
0xbc: {  	s0 =	sadd.s32 $0x8F2B, s0  }
0xbd: {  	[sflag:s0] =	ssyncadd.remote.s32 $0x1  }
0xbe: {  	_ =	sfence.sel $0xFFFF  }
0xbf: {  	[dreg:$0x0] =	wrdreg $0xFFFFFFFF;
	(pc) =	sbr.abs _section_cstart, $3  }
0xc0: {  	[dreg:$0x1] =	wrdreg $0xFFFFFFFF  }
0xc1: {  	_ =	task.clear_ibuf [dreg:s6], $0x2FFFF;
	_ =	strace $0x9FFFFFFF  }
0xc2: {  	(tm) =	ssettm $0x7FFFFFFF  }
0xc3: {  	_ =	shalt  }
tec
execute0_lowered:
.L_overlay_start_1:
0x0: {  	(tag) =	ssettag $0x1  }
0x1: {  	s0 =	rddreg [dreg:$0x0]  }
0x2: {  	s2 =	rddreg [dreg:$0x1]  }
0x3: {  	s3 =	simm.s32 $0x0;
	s18 =	stileid.u32;
	s6 =	srdreg.scid  }
0x4: {  	s28 =	simm.s32 $0x1A180;
	s29 =	simm.s32 $0x16080;
	s30 =	simm.s32 $0x16100  }
0x5: {  	s31 =	simm.s32 $0x4;
	[smem:$0x7FF] =	sst s3;
	s14 =	smul.u32 $0x2800, s18  }
0x6: {  	s4 =	sadd.s32 $0x48600, s0;
	s5 =	sadd.s32 $0x6F800, s0;
	s11 =	smul.u32 $0x278, s18  }
0x7: {  	s6 =	sand.u32 $0x1, s6;
	s10 =	sadd.s32 $0x17400, s0;
	s15 =	smul.u32 $0x4F000, s18  }
0x8: {  	s16 =	sadd.s32 $0x96A00, s0;
	s17 =	sadd.s32 $0xBDC00, s0;
	s21 =	smul.u32 $0x500, s18  }
0x9: {  	p1 =	seq.s32 s18, $0xF;
	_ =	strace $0x8000004A;
	s8 =	ssub.s32 $0x2, s6  }
0xa: {  	p0 =	seq.s32 s6, $0x1;
	[dreg:$0x3] =	wrdreg s16;
	s3 =	sshrl.u32 s14, $0x3  }
0xb: {  	s9 =	sshrl.u32 s8, $0x1;
	s19 =	sadd.s32 $0x208, s11;
	s14 =	smul.u32 $0x2780, s18  }
0xc: {  	s20 =	sshrl.u32 s15, $0x2;
	s7 =	sadd.s32 s3, s0;
	s0 =	ssub.s32 s8, s9  }
0xd: {  	s11 =	sshll.u32 s19, $0x7;
	s9 =	sadd.s32 s20, s2;
	s12 =	sshll.u32 s19, $0x4  }
0xe: {  	s13 =	sadd.s32 s10, s3;
	s3 =	sadd.s32 s21, s10;
	s8 =	sadd.s32 $0x1C400, s7  }
0xf: {  	s1 =	sadd.s32 s4, s14;
	s11 =	sadd.s32 s11, s2;
	s22 =	sadd.s32 s4, s12  }
0x10: {  	s15 =	sadd.s32 $0x10, s13;
	s23 =	sadd.s32 s16, s14;
	[dreg:$0x4] =	wrdreg s1  }
0x11: {  	s24 =	sadd.s32 s5, s14;
	s25 =	sadd.s32 s5, s12;
	[dreg:$0x5] =	wrdreg s22  }
.Ltmp0:
0x12: {  	s26 =	sadd.s32 s17, s14;
	[dreg:$0x6] =	wrdreg s23;
	(pc) =	sbr.rel .LBB2_1-.Ltmp0, $4  }
0x13: {  	s20 =	smax.u32 s0, $0x1;
	s16 =	sadd.s32 $0x20, s3;
	[dreg:$0x7] =	wrdreg s24  }
0x14: {  	s0 =	simm.s32 $0x2;
	s3 =	simm.s32 $0x0;
	[dreg:$0x8] =	wrdreg s25  }
0x15: {  	s1 =	smov.u32 s17;
	[dreg:$0x9] =	wrdreg s26;
	s22 =	simm.s32 $0x13880  }
0x16: {  	s23 =	simm.s32 $0x5;
	s24 =	simm.s32 $0x7D;
	s26 =	simm.s32 $0x13900  }
.LBB2_12:
0x17: {  	s6 =	sadd.s32 s6, s12;
	s7 =	sshrl.u32 s11, $0x3  }
0x18: {  	[hbm:s6], [sflag:s10] =	dma.local [spmem:s7], $0x700  }
0x19: {  	_ =	swait.ge [sflag:s23], $0x700  }
0x1a: {  	[sflag:s23] =	ssyncset.done $0x0  }
0x1b: {  	[sflag:s23] =	ssyncadd.s32 $0xFFFFF900  }
.LBB2_13:
0x1c: {  	s3 =	sadd.s32 $0x1, s3  }
0x1d: {  	p2 =	sne.s32 s3, s20  }
.Ltmp1:
0x1e: {  	_ = 	snop;
	(pc) =	sbr.rel @!p2 .LBB2_14-.Ltmp1, $1  }
0x1f: {  	_ =	sdelay $0x3  }
.LBB2_1:
.Ltmp2:
0x20: {  	s6 =	simm.s32 $0x0;
	(pc) =	sbr.rel @!p0 .LBB2_2-.Ltmp2, $4  }
0x21: {  	[tilespmem:s22], [sflag:$0x5] =	stream.linear.gather [hbm4b:s8+s6], $0x2800, $0x38;
	[tilespmem:$0x1E180] =	vst v63  }
0x22: {  	s25 =	stileid.u32;
	_ =	swait.ge [sflag:s23], $0x2800  }
0x23: {  	s7 =	sshrl.u32 @!p1 s11, $0x3;
	s14 =	sshll.u32 s25, $0x6;
	[sflag:s23] =	ssyncset.done $0x0  }
0x24: {  	s6 =	sshrl.u32 s9, $0x3;
	s10 =	sor.u32 $0x1C05, s14;
	[sflag:s23] =	ssyncadd.s32 $0xFFFFD800  }
0x25: {  	s10 =	sor.u32 $0x1C05, s14;
	s21 =	rddreg [dreg:$0x7]  }
0x26: {  	[spmem:s6], [sflag:s10] =	dma.local [hbm:s21], $0x2080  }
0x27: {  	_ =	swait.ge [sflag:s23], $0x2080  }
0x28: {  	[sflag:s23] =	ssyncset.done $0x0  }
0x29: {  	s14 =	rddreg [dreg:$0x8];
	[sflag:s23] =	ssyncadd.s32 $0xFFFFDF80  }
0x2a: {  	[spmem:s7], [sflag:s10] =	dma.local @!p1 [hbm:s14], $0x700  }
0x2b: {  	s7 =	simm.s32 @!p1 $0x5  }
0x2c: {  	_ =	swait.ge @!p1 [sflag:s7], $0x700  }
0x2d: {  	[sflag:s7] =	ssyncset.done @!p1 $0x0  }
0x2e: {  	[sflag:s7] =	ssyncadd.s32 @!p1 $0xFFFFF900  }
0x2f: {  	s25 =	simm.s32 $0x16180;
	[bflag:$0x0] =	sbarrier.arrive $0xFFFF  }
0x30: {  	[tilespmem:s25], [sflag:$0x1] =	stream.indirect.gather [hbm4b:s5+s24], $0x80, s22, s24, $0xb8;
	[tilespmem:$0x1E180] =	vst v63  }
0x31: {  	_ = 	snop  }
0x32: {  	[tilespmem:s28], [sflag:$0x2] =	stream.indirect.gather [hbm4b:s5+s24], $0x80, s26, s24, $0xb8;
	[tilespmem:$0x1E180] =	vst v63  }
.Ltmp3:
0x33: {  	_ = 	snop;
	(pc) =	sbr.rel .LBB2_8-.Ltmp3, $4  }
0x34: {  	s14 =	simm.s32 $0x0  }
0x35: {  	[tilespmem:s29], [sflag:$0x3] =	stream.linear.gather [hbm4b:s13+s14], $0x80, $0x38;
	[tilespmem:$0x1E180] =	vst v63  }
0x36: {  	s21 =	smov.u32 s16;
	s7 =	simm.s32 $0x13980  }
0x37: {  	[tilespmem:s30], [sflag:$0x4] =	stream.linear.gather [hbm4b:s15+s14], $0x80, $0x38;
	[tilespmem:$0x1E180] =	vst v63  }
.LBB2_10:
0x38: {  	s14 =	sadd.s32 $0x1, s14  }
0x39: {  	p2 =	sne.s32 s14, $0x50  }
.Ltmp4:
0x3a: {  	_ = 	snop;
	(pc) =	sbr.rel @!p2 .LBB2_11-.Ltmp4, $2  }
0x3b: {  	_ =	sdelay $0x2  }
0x3c: {  	s21 =	sadd.s32 $0x10, s21;
	s7 =	sadd.s32 $0x80, s7  }
.LBB2_8:
0x3d: {  	s17 =	sand.u32 $0x1, s14  }
0x3e: {  	p2 =	seq.s32 s17, $0x1  }
0x3f: {  	s18 =	simm.s32 @!p2 $0x3  }
0x40: {  	_ =	swait.ge @!p2 [sflag:s18], $0x80  }
0x41: {  	[sflag:s18] =	ssyncset.done @!p2 $0x0  }
0x42: {  	[sflag:s18] =	ssyncadd.s32 @!p2 $0xFFFFFF80;
	s18 =	simm.s32 @!p2 $0x1  }
0x43: {  	_ =	swait.ge @!p2 [sflag:s18], $0x3E80  }
0x44: {  	s19 =	simm.s32 @!p2 $0x16080;
	[sflag:s18] =	ssyncset.done @!p2 $0x0  }
0x45: {  	s25 =	simm.s32 @!p2 $0x16180;
	[sflag:s18] =	ssyncadd.s32 @!p2 $0xFFFFC180;
	s18 =	simm.s32 @!p2 $0x7D  }
0x46: {  	[spmem:s2] =	stream.indirect.scatter.add.f32 @!p2 [tilespmem:s25], [sflag:$0x5], $0x80, s19, s18, $0xb8;
	[tilespmem:$0x1E180] =	vst v63  }
0x47: {  	s18 =	simm.s32 @!p2 $0x5  }
0x48: {  	p3 =	sgt.u32 @!p2 s14, $0x4D;
	_ =	swait.ge @!p2 [sflag:s18], $0x3E80  }
0x49: {  	p3 =	por p3, p2;
	[sflag:s18] =	ssyncset.done @!p2 $0x0  }
0x4a: {  	s19 =	simm.s32 @!p3 $0x16180;
	[sflag:s18] =	ssyncadd.s32 @!p2 $0xFFFFC180;
	s18 =	simm.s32 @!p3 $0x7D  }
0x4b: {  	[tilespmem:s19], [sflag:$0x1] =	stream.indirect.gather @!p3 [hbm4b:s5+s18], $0x80, s7, s18, $0xb8;
	[tilespmem:$0x1E180] =	vst v63  }
0x4c: {  	s18 =	simm.s32 @!p3 $0x0;
	s19 =	simm.s32 @!p3 $0x16080  }
0x4d: {  	[tilespmem:s19], [sflag:$0x3] =	stream.linear.gather @!p3 [hbm4b:s21+s18], $0x80, $0x38;
	[tilespmem:$0x1E180] =	vst v63  }
0x4e: {  	p3 =	seq.s32 @!p2 s17, $0x0  }
0x4f: {  	p2 =	por p2, !p3  }
.Ltmp5:
0x50: {  	_ = 	snop;
	(pc) =	sbr.rel @!p2 .LBB2_10-.Ltmp5, $1  }
0x51: {  	_ =	sdelay $0x3  }
0x52: {  	_ =	swait.ge [sflag:s31], $0x80  }
0x53: {  	[sflag:s31] =	ssyncset.done $0x0  }
0x54: {  	[sflag:s31] =	ssyncadd.s32 $0xFFFFFF80  }
0x55: {  	_ =	swait.ge [sflag:s0], $0x3E80  }
0x56: {  	[sflag:s0] =	ssyncset.done $0x0  }
0x57: {  	[sflag:s0] =	ssyncadd.s32 $0xFFFFC180  }
0x58: {  	[spmem:s2] =	stream.indirect.scatter.add.f32 [tilespmem:s28], [sflag:$0x5], $0x80, s30, s24, $0xb8;
	[tilespmem:$0x1E180] =	vst v63  }
0x59: {  	_ =	swait.ge [sflag:s23], $0x3E80  }
.Ltmp6:
0x5a: {  	p2 =	sgt.u32 s14, $0x4D;
	[sflag:s23] =	ssyncset.done $0x0;
	(pc) =	sbr.rel .LBB2_10-.Ltmp6, $4  }
0x5b: {  	s17 =	simm.s32 @!p2 $0x7D;
	s18 =	simm.s32 @!p2 $0x1A180;
	[sflag:s23] =	ssyncadd.s32 $0xFFFFC180  }
0x5c: {  	[tilespmem:s18], [sflag:$0x2] =	stream.indirect.gather @!p2 [hbm4b:s5+s17], $0x80, s7, s17, $0xb8;
	[tilespmem:$0x1E180] =	vst v63  }
0x5d: {  	s17 =	simm.s32 @!p2 $0x0;
	s18 =	simm.s32 @!p2 $0x16100  }
0x5e: {  	[tilespmem:s18], [sflag:$0x4] =	stream.linear.gather @!p2 [hbm4b:s21+s17], $0x80, $0x38;
	[tilespmem:$0x1E180] =	vst v63  }
.LBB2_2:
0x5f: {  	s14 =	rddreg [dreg:$0x4]  }
0x60: {  	[spmem:s6], [sflag:s10] =	dma.local [hbm:s14], $0x2080  }
0x61: {  	_ =	swait.ge [sflag:s23], $0x2080  }
0x62: {  	[sflag:s23] =	ssyncset.done $0x0  }
0x63: {  	s14 =	rddreg [dreg:$0x5];
	[sflag:s23] =	ssyncadd.s32 $0xFFFFDF80  }
0x64: {  	[spmem:s7], [sflag:s10] =	dma.local @!p1 [hbm:s14], $0x700  }
0x65: {  	s7 =	simm.s32 @!p1 $0x5  }
0x66: {  	_ =	swait.ge @!p1 [sflag:s7], $0x700  }
0x67: {  	[sflag:s7] =	ssyncset.done @!p1 $0x0  }
0x68: {  	[sflag:s7] =	ssyncadd.s32 @!p1 $0xFFFFF900  }
0x69: {  	s25 =	simm.s32 $0x16180;
	[bflag:$0x0] =	sbarrier.arrive $0xFFFF  }
0x6a: {  	[tilespmem:s25], [sflag:$0x1] =	stream.indirect.gather [hbm4b:s4+s24], $0x80, s22, s24, $0xb8;
	[tilespmem:$0x1E180] =	vst v63  }
0x6b: {  	_ = 	snop  }
0x6c: {  	[tilespmem:s28], [sflag:$0x2] =	stream.indirect.gather [hbm4b:s4+s24], $0x80, s26, s24, $0xb8;
	[tilespmem:$0x1E180] =	vst v63  }
.Ltmp7:
0x6d: {  	_ = 	snop;
	(pc) =	sbr.rel .LBB2_3-.Ltmp7, $4  }
0x6e: {  	s14 =	simm.s32 $0x0  }
0x6f: {  	[tilespmem:s29], [sflag:$0x3] =	stream.linear.gather [hbm4b:s13+s14], $0x80, $0x38;
	[tilespmem:$0x1E180] =	vst v63  }
0x70: {  	s21 =	smov.u32 s16;
	s7 =	simm.s32 $0x13980  }
0x71: {  	[tilespmem:s30], [sflag:$0x4] =	stream.linear.gather [hbm4b:s15+s14], $0x80, $0x38;
	[tilespmem:$0x1E180] =	vst v63  }
.LBB2_5:
0x72: {  	s14 =	sadd.s32 $0x1, s14  }
0x73: {  	p2 =	sne.s32 s14, $0x50  }
.Ltmp8:
0x74: {  	_ = 	snop;
	(pc) =	sbr.rel @!p2 .LBB2_6-.Ltmp8, $2  }
0x75: {  	_ =	sdelay $0x2  }
0x76: {  	s21 =	sadd.s32 $0x10, s21;
	s7 =	sadd.s32 $0x80, s7  }
.LBB2_3:
0x77: {  	s17 =	sand.u32 $0x1, s14  }
0x78: {  	p2 =	seq.s32 s17, $0x1  }
0x79: {  	s18 =	simm.s32 @!p2 $0x3  }
0x7a: {  	_ =	swait.ge @!p2 [sflag:s18], $0x80  }
0x7b: {  	[sflag:s18] =	ssyncset.done @!p2 $0x0  }
0x7c: {  	[sflag:s18] =	ssyncadd.s32 @!p2 $0xFFFFFF80;
	s18 =	simm.s32 @!p2 $0x1  }
0x7d: {  	_ =	swait.ge @!p2 [sflag:s18], $0x3E80  }
0x7e: {  	s19 =	simm.s32 @!p2 $0x16080;
	[sflag:s18] =	ssyncset.done @!p2 $0x0  }
0x7f: {  	s25 =	simm.s32 @!p2 $0x16180;
	[sflag:s18] =	ssyncadd.s32 @!p2 $0xFFFFC180;
	s18 =	simm.s32 @!p2 $0x7D  }
0x80: {  	[spmem:s2] =	stream.indirect.scatter.add.f32 @!p2 [tilespmem:s25], [sflag:$0x5], $0x80, s19, s18, $0xb8;
	[tilespmem:$0x1E180] =	vst v63  }
0x81: {  	s18 =	simm.s32 @!p2 $0x5  }
0x82: {  	p3 =	sgt.u32 @!p2 s14, $0x4D;
	_ =	swait.ge @!p2 [sflag:s18], $0x3E80  }
0x83: {  	p3 =	por p3, p2;
	[sflag:s18] =	ssyncset.done @!p2 $0x0  }
0x84: {  	s19 =	simm.s32 @!p3 $0x16180;
	[sflag:s18] =	ssyncadd.s32 @!p2 $0xFFFFC180;
	s18 =	simm.s32 @!p3 $0x7D  }
0x85: {  	[tilespmem:s19], [sflag:$0x1] =	stream.indirect.gather @!p3 [hbm4b:s4+s18], $0x80, s7, s18, $0xb8;
	[tilespmem:$0x1E180] =	vst v63  }
0x86: {  	s18 =	simm.s32 @!p3 $0x0;
	s19 =	simm.s32 @!p3 $0x16080  }
0x87: {  	[tilespmem:s19], [sflag:$0x3] =	stream.linear.gather @!p3 [hbm4b:s21+s18], $0x80, $0x38;
	[tilespmem:$0x1E180] =	vst v63  }
0x88: {  	p3 =	seq.s32 @!p2 s17, $0x0  }
0x89: {  	p2 =	por p2, !p3  }
.Ltmp9:
0x8a: {  	_ = 	snop;
	(pc) =	sbr.rel @!p2 .LBB2_5-.Ltmp9, $1  }
0x8b: {  	_ =	sdelay $0x3  }
0x8c: {  	_ =	swait.ge [sflag:s31], $0x80  }
0x8d: {  	[sflag:s31] =	ssyncset.done $0x0  }
0x8e: {  	[sflag:s31] =	ssyncadd.s32 $0xFFFFFF80  }
0x8f: {  	_ =	swait.ge [sflag:s0], $0x3E80  }
0x90: {  	[sflag:s0] =	ssyncset.done $0x0  }
0x91: {  	[sflag:s0] =	ssyncadd.s32 $0xFFFFC180  }
0x92: {  	[spmem:s2] =	stream.indirect.scatter.add.f32 [tilespmem:s28], [sflag:$0x5], $0x80, s30, s24, $0xb8;
	[tilespmem:$0x1E180] =	vst v63  }
0x93: {  	_ =	swait.ge [sflag:s23], $0x3E80  }
.Ltmp10:
0x94: {  	p2 =	sgt.u32 s14, $0x4D;
	[sflag:s23] =	ssyncset.done $0x0;
	(pc) =	sbr.rel .LBB2_5-.Ltmp10, $4  }
0x95: {  	s17 =	simm.s32 @!p2 $0x7D;
	s18 =	simm.s32 @!p2 $0x1A180;
	[sflag:s23] =	ssyncadd.s32 $0xFFFFC180  }
0x96: {  	[tilespmem:s18], [sflag:$0x2] =	stream.indirect.gather @!p2 [hbm4b:s4+s17], $0x80, s7, s17, $0xb8;
	[tilespmem:$0x1E180] =	vst v63  }
0x97: {  	s17 =	simm.s32 @!p2 $0x0;
	s18 =	simm.s32 @!p2 $0x16100  }
0x98: {  	[tilespmem:s18], [sflag:$0x4] =	stream.linear.gather @!p2 [hbm4b:s21+s17], $0x80, $0x38;
	[tilespmem:$0x1E180] =	vst v63  }
.LBB2_11:
0x99: {  	[bflag:$0x0] =	sbarrier.arrive $0xFFFF  }
0x9a: {  	s7 =	rddreg [dreg:$0x9]  }
0x9b: {  	[hbm:s7], [sflag:s10] =	dma.local [spmem:s6], $0x2080  }
.Ltmp11:
0x9c: {  	_ = 	snop;
	(pc) =	sbr.rel @p1 .LBB2_13-.Ltmp11, $4  }
.Ltmp12:
0x9d: {  	_ = 	snop;
	(pc) =	sbr.rel @!p1 .LBB2_12-.Ltmp12, $4  }
0x9e: {  	_ =	swait.ge [sflag:s23], $0x2080  }
0x9f: {  	[sflag:s23] =	ssyncset.done $0x0  }
0xa0: {  	s6 =	smov.u32 s1;
	[sflag:s23] =	ssyncadd.s32 $0xFFFFDF80  }
0xa1: {  	_ = 	snop  }
.LBB2_6:
0xa2: {  	[bflag:$0x0] =	sbarrier.arrive $0xFFFF  }
0xa3: {  	s7 =	rddreg [dreg:$0x6]  }
0xa4: {  	[hbm:s7], [sflag:s10] =	dma.local [spmem:s6], $0x2080  }
.Ltmp13:
0xa5: {  	_ = 	snop;
	(pc) =	sbr.rel @p1 .LBB2_13-.Ltmp13, $4  }
.Ltmp14:
0xa6: {  	_ = 	snop;
	(pc) =	sbr.rel @!p1 .LBB2_12-.Ltmp14, $4  }
0xa7: {  	_ =	swait.ge [sflag:s23], $0x2080  }
0xa8: {  	[sflag:s23] =	ssyncset.done $0x0  }
0xa9: {  	s6 =	rddreg [dreg:$0x3];
	[sflag:s23] =	ssyncadd.s32 $0xFFFFDF80  }
0xaa: {  	_ = 	snop  }
.LBB2_14:
0xab: {  	_ =	sfence.sel $0x180000  }
0xac: {  	[bflag:$0x0] =	sbarrier.arrive $0xFFFF  }
0xad: {  	_ =	strace $0x9000004A  }
0xae: {  	s0 =	stileid.u32;
	[bflag:$0x2] =	sbarrier.arrive $0xFFFF  }
0xaf: {  	p0 =	sne.s32 s0, $0x0;
	s0 =	rddreg [dreg:$0x2]  }
0xb0: {  	s0 =	sadd.s32 @!p0 $0x100000, s0  }
0xb1: {  	[sflag:s0] =	ssyncadd.tile.s32 @!p0 $0x1;
	_ =	shalt  }
.Lfunc_end2:
_tile_overlayer_lowered:
.L_overlay_start_2:
0xb2: {  	(tag) =	ssettag $0x2  }
0xb3: {  	s0 =	rddreg [dreg:$0x0];
	s2 =	stileid.u32  }
0xb4: {  	s1 =	rddreg [dreg:$0x1];
	p0 =	sne.s32 s2, $0x0  }
0xb5: {  	s3 =	rddreg [dreg:$0x2];
	[bflag:$0x3] =	sbarrier.arrive $0xFFFF;
	s2 =	simm.s32 @!p0 $0x1C05  }
0xb6: {  	[timem:s3], [sflag:s2] =	dma.local @!p0 [hbm:s0], s1  }
0xb7: {  	s0 =	simm.s32 @!p0 $0x5  }
0xb8: {  	_ =	swait.ge @!p0 [sflag:s0], s1  }
0xb9: {  	s1 =	ssub.s32 @!p0 $0x0, s1;
	[sflag:s0] =	ssyncset.done @!p0 $0x0  }
0xba: {  	[sflag:s0] =	ssyncadd.s32 @!p0 s1  }
0xbb: {  	[bflag:$0x3] =	sbarrier.arrive $0xFFFF  }
0xbc: {  	_ =	shalt  }

// kernel: kernel.17.cloned.1.call-start
scs
__scs_entry_jumppad:
0x0: {  	(pc) =	sbr.rel $0x88, $3  }
0x1: {  	(tag) =	ssettag $0x0;
	lr =	simm.s32 $0x1  }
0x2: {  	[smem:$0x3F95] =	sst lr;
	_ =	strace $0xD0000000  }
0x3: {  	_ = 	snop  }
0x4: {  	_ = 	snop  }
0x5: {  	_ = 	snop  }
0x6: {  	_ = 	snop  }
0x7: {  	_ = 	snop  }
__scs_overlays_trampoline_lowered:
0x8: {  	[smem:$0x3FA4] =	sst s0  }
0x9: {  	[smem:$0x3FA5] =	sst s1  }
0xa: {  	[smem:$0x3FA6] =	sst s2  }
0xb: {  	[smem:$0x3FA7] =	sst s3  }
0xc: {  	[smem:$0x3FA8] =	sst s4  }
0xd: {  	[smem:$0x3FA9] =	sst s5  }
0xe: {  	[smem:$0x3FAA] =	sst s6  }
0xf: {  	[smem:$0x3FAB] =	sst s7  }
0x10: {  	[smem:$0x3FAC] =	sst s8  }
0x11: {  	[smem:$0x3FAD] =	sst s9;
	s0 =	simm.s32 @!p0 $0x0  }
0x12: {  	s1 =	sld [smem:$0x3F93];
	s0 =	simm.s32 @p0 $0x1  }
0x13: {  	[smem:$0x3FAE] =	sst s0;
	s0 =	simm.s32 @!p1 $0x0  }
0x14: {  	s2 =	sld [smem:$0x3F92];
	s0 =	simm.s32 @p1 $0x1  }
0x15: {  	[smem:$0x3FAF] =	sst s0;
	s0 =	simm.s32 @!p2 $0x0  }
0x16: {  	s3 =	sld [smem:$0x3FDB];
	s0 =	simm.s32 @p2 $0x1  }
0x17: {  	s4 =	simm.s32 $0x1BF5;
	[smem:$0x3FB1] =	sst s0  }
0x18: {  	s0 =	sld [smem:$0x3F94];
	_ =	swait.ge [sflag:s4], $0x0  }
0x19: {  	s7 =	sld [smem:$0x3F95]  }
0x1a: {  	s8 =	sadd.s32 $0xFFFFE003, lr  }
0x1b: {  	s9 =	sadd.s32 $0xFFFFFEF7, lr;
	s5 =	simm.s32 $0xFFFFFFFF;
	p2 =	slt.u32 s8, $0xFFFFF086  }
0x1c: {  	p1 =	slt.u32 s9, $0xF7A;
	s5 =	simm.s32 @!p2 $0x0  }
0x1d: {  	s5 =	simm.s32 @p1 $0x1;
	p0 =	seq.s32 s7, s2  }
0x1e: {  	s7 =	smul.u32 @!p0 $0xF7A, s2;
	p2 =	seq.s32 @!p0 s5, $0x0  }
0x1f: {  	s9 =	smul.u32 $0xF7A, s1;
	s8 =	simm.s32 @!p0 $0x1BF5;
	p2 =	por !p2, p0  }
0x20: {  	[sflag:s8] =	ssyncset.s32 @!p0 $0xFFFFF086;
	s6 =	sadd.s32 @!p0 s3, s7;
	s7 =	simm.s32 @!p0 $0x108  }
0x21: {  	s3 =	sadd.s32 s3, s9;
	s6 =	sadd.s32 @!p0 $0x88, s6;
	s7 =	simm.s32 @p2 $0x1082  }
0x22: {  	[simem:s7], [sflag:s8] =	dma.local @!p0 [hbm:s6], $0xF7A  }
0x23: {  	s9 =	sor.u32 $0xD0000000, s2;
	s6 =	simm.s32 $0x108;
	_ =	swait.ge @!p0 [sflag:s8], $0x0  }
0x24: {  	s3 =	sadd.s32 $0x88, s3;
	s6 =	simm.s32 @!p1 $0x1082;
	[sflag:s4] =	ssyncset.s32 $0xFFFFF086  }
0x25: {  	[simem:s6], [sflag:s4] =	dma.local [hbm:s3], $0xF7A  }
0x26: {  	[smem:$0x3F95] =	sst s1;
	(tag) =	ssettag s2;
	_ =	strace s9  }
0x27: {  	s1 =	sld [smem:$0x3FA5]  }
0x28: {  	s2 =	sld [smem:$0x3FA6]  }
0x29: {  	s4 =	sld [smem:$0x3FA8]  }
0x2a: {  	p0 =	seq.s32 s5, $0x0;
	s5 =	sld [smem:$0x3FA9]  }
0x2b: {  	s6 =	sld [smem:$0x3FAA]  }
0x2c: {  	s7 =	sld [smem:$0x3FAB]  }
0x2d: {  	s3 =	simm.s32 $0x108;
	s8 =	sld [smem:$0x3FAC]  }
0x2e: {  	s3 =	simm.s32 @!p0 $0x1082;
	s9 =	sld [smem:$0x3FAD]  }
0x2f: {  	lr =	sadd.s32 s0, s3;
	s0 =	sld [smem:$0x3FA4]  }
0x30: {  	s3 =	sld [smem:$0x3FA7]  }
0x31: {  	[smem:$0x3FB0] =	sst s10  }
0x32: {  	s10 =	sld [smem:$0x3FAE];
	_ =	sdelay $0x3  }
0x33: {  	p0 =	seq.s32 s10, $0x1;
	s10 =	sld [smem:$0x3FB0];
	_ =	sdelay $0x3  }
0x34: {  	[smem:$0x3FB0] =	sst s10  }
0x35: {  	s10 =	sld [smem:$0x3FAF];
	_ =	sdelay $0x3  }
0x36: {  	p1 =	seq.s32 s10, $0x1;
	s10 =	sld [smem:$0x3FB0];
	_ =	sdelay $0x3  }
0x37: {  	[smem:$0x3FB0] =	sst s10  }
0x38: {  	s10 =	sld [smem:$0x3FB1]  }
0x39: {  	_ = 	snop;
	(pc) =	sbr.ind lr, $3  }
0x3a: {  	_ = 	snop  }
0x3b: {  	_ = 	snop  }
0x3c: {  	p2 =	seq.s32 s10, $0x1;
	s10 =	sld [smem:$0x3FB0]  }
0x3d: {  	_ =	shalt  }
0x3e: {  	_ =	shalt  }
0x3f: {  	_ =	shalt  }
0x40: {  	_ =	shalt  }
0x41: {  	_ =	shalt  }
0x42: {  	_ =	shalt  }
0x43: {  	_ =	shalt  }
0x44: {  	_ =	shalt  }
0x45: {  	_ =	shalt  }
0x46: {  	_ =	shalt  }
0x47: {  	_ =	shalt  }
0x48: {  	_ =	shalt  }
0x49: {  	_ =	shalt  }
0x4a: {  	_ =	shalt  }
0x4b: {  	_ =	shalt  }
0x4c: {  	_ =	shalt  }
0x4d: {  	_ =	shalt  }
0x4e: {  	_ =	shalt  }
0x4f: {  	_ =	shalt  }
0x50: {  	_ =	shalt  }
0x51: {  	_ =	shalt  }
0x52: {  	_ =	shalt  }
0x53: {  	_ =	shalt  }
0x54: {  	_ =	shalt  }
0x55: {  	_ =	shalt  }
0x56: {  	_ =	shalt  }
0x57: {  	_ =	shalt  }
0x58: {  	_ =	shalt  }
0x59: {  	_ =	shalt  }
0x5a: {  	_ =	shalt  }
0x5b: {  	_ =	shalt  }
0x5c: {  	_ =	shalt  }
0x5d: {  	_ =	shalt  }
0x5e: {  	_ =	shalt  }
0x5f: {  	_ =	shalt  }
0x60: {  	_ =	shalt  }
0x61: {  	_ =	shalt  }
0x62: {  	_ =	shalt  }
0x63: {  	_ =	shalt  }
0x64: {  	_ =	shalt  }
0x65: {  	_ =	shalt  }
0x66: {  	_ =	shalt  }
0x67: {  	_ =	shalt  }
0x68: {  	_ =	shalt  }
0x69: {  	_ =	shalt  }
0x6a: {  	_ =	shalt  }
0x6b: {  	_ =	shalt  }
0x6c: {  	_ =	shalt  }
0x6d: {  	_ =	shalt  }
0x6e: {  	_ =	shalt  }
0x6f: {  	_ =	shalt  }
0x70: {  	_ =	shalt  }
0x71: {  	_ =	shalt  }
0x72: {  	_ =	shalt  }
0x73: {  	_ =	shalt  }
0x74: {  	_ =	shalt  }
0x75: {  	_ =	shalt  }
0x76: {  	_ =	shalt  }
0x77: {  	_ =	shalt  }
0x78: {  	_ =	shalt  }
0x79: {  	_ =	shalt  }
0x7a: {  	_ =	shalt  }
0x7b: {  	_ =	shalt  }
0x7c: {  	_ =	shalt  }
0x7d: {  	_ =	shalt  }
0x7e: {  	_ =	shalt  }
0x7f: {  	_ =	shalt  }
0x80: {  	_ =	shalt  }
0x81: {  	_ =	shalt  }
0x82: {  	_ =	shalt  }
0x83: {  	_ =	shalt  }
0x84: {  	_ =	shalt  }
0x85: {  	_ =	shalt  }
0x86: {  	_ =	shalt  }
0x87: {  	_ =	shalt  }
.Lfunc_end0:
.L_simem_size_0:
called_computation.2_lowered:
.L_overlay_start_0:
0x88: {  	s2 =	sld [smem:$0x3FD9]  }
0x89: {  	s3 =	sld [smem:$0x3FFE];
	_ =	sdelay $0x1  }
0x8a: {  	s1 =	srdreg.scid  }
0x8b: {  	s0 =	sand.u32 $0x1, s1  }
0x8c: {  	s16 =	sshll.u32 s0, $0xA;
	s2 =	sadd.s32 s3, s2  }
0x8d: {  	s2 =	sadd.s32 s2, s16  }
0x8e: {  	[smem:$0x3FBC] =	sst s2  }
0x8f: {  	_ = 	snop  }
0x90: {  	(tm) =	ssettm $0x1  }
0x91: {  	s17 =	sld [smem:$0x3FFB];
	_ =	sdelay $0x3  }
0x92: {  	_ =	strace s17  }
0x93: {  	s2 =	sld [smem:$0x3FFC];
	_ =	sdelay $0x3  }
0x94: {  	_ =	strace s2  }
0x95: {  	s2 =	sld [smem:$0x3FFD];
	_ =	sdelay $0x3  }
0x96: {  	_ =	strace s2  }
0x97: {  	_ =	strace $0x8FFFFFFF  }
0x98: {  	s18 =	sld [smem:$0x3FDB];
	_ =	sdelay $0x1  }
0x99: {  	s19 =	simm.s32 $_scs_section_size  }
0x9a: {  	s4 =	simm.s32 $_size__tile_overlayer_lowered;
	s5 =	simm.s32 $_tile_overlayer_lowered  }
0x9b: {  	s22 =	simm.s32 $0x1BFF;
	s21 =	sshll.u32 s5, $0x1;
	s2 =	sadd.s32 s19, s18  }
0x9c: {  	s6 =	simm.s32 $0x0;
	s20 =	sshll.u32 s4, $0x1;
	s4 =	sadd.s32 s21, s2  }
0x9d: {  	[timem:s6], [sflag:s22] =	dma.local [hbm:s4], s20  }
0x9e: {  	_ =	swait.ge [sflag:s22], s20  }
0x9f: {  	s3 =	ssub.s32 $0x0, s20;
	[sflag:s22] =	ssyncset.done $0x0  }
0xa0: {  	[sflag:s22] =	ssyncadd.s32 s3;
	_ =	sdelay $0x1  }
0xa1: {  	s23 =	simm.s32 $0x1B8B  }
0xa2: {  	_ =	swait.ge [sflag:s23], $0x1  }
0xa3: {  	[sflag:s23] =	ssyncset.done $0x0  }
0xa4: {  	s25 =	simm.s32 $0x1B8E;
	s24 =	sld [smem:$0x3FFE];
	[sflag:s23] =	ssyncadd.s32 $0xFFFFFFFF  }
0xa5: {  	s26 =	simm.s32 $execute0_lowered;
	[smem:$0x3FD2] =	sst s25  }
0xa6: {  	s4 =	sshll.u32 s26, $0x1;
	_ =	strace $0x8000004C;
	[dreg:$0x1] =	wrdreg $0xFFFFFFFF  }
0xa7: {  	s28 =	simm.s32 $_size_execute0_lowered;
	s2 =	sadd.s32 s2, s4;
	[dreg:$0x0] =	wrdreg $0x0  }
0xa8: {  	s4 =	sshll.u32 s28, $0x1;
	[dreg:$0x2] =	wrdreg s2  }
0xa9: {  	[dreg:$0x3] =	wrdreg s4  }
0xaa: {  	[dreg:$0x4] =	wrdreg $0xC0  }
0xab: {  	_ =	task [dreg:s6], $0x5FFFF  }
0xac: {  	[dreg:$0x1] =	wrdreg $0xFFFFFFFF  }
0xad: {  	[dreg:$0x0] =	wrdreg $0x60  }
0xae: {  	[dreg:$0x2] =	wrdreg s24  }
0xaf: {  	[dreg:$0x3] =	wrdreg $0x0  }
0xb0: {  	[dreg:$0x4] =	wrdreg $0x9  }
0xb1: {  	_ =	task.clear_ibuf [dreg:s6], $0x5FFFF;
	_ =	strace $0x9000004C  }
0xb2: {  	s29 =	simm.s32 $0x9;
	_ =	strace $0x8000004E  }
0xb3: {  	_ =	swait.ge [sflag:s29], $0x1  }
0xb4: {  	[sflag:s29] =	ssyncadd.s32 $0xFFFFFFFF  }
0xb5: {  	_ =	strace $0x9000004E  }
0xb6: {  	_ =	sfence  }
0xb7: {  	s30 =	sld [smem:$0x0];
	_ =	sdelay $0x2  }
0xb8: {  	s31 =	sshll.u32 s1, $0xD;
	s1 =	sshrl.u32 s1, $0x2  }
0xb9: {  	s3 =	sand.u32 $0x4000, s31;
	s1 =	sadd.s32 s1, s30  }
0xba: {  	s0 =	sor.u32 s3, s0;
	s1 =	sshll.u32 s1, $0x11  }
0xbb: {  	s0 =	sor.u32 s1, s0  }
0xbc: {  	s0 =	sadd.s32 $0x8F2B, s0  }
0xbd: {  	[sflag:s0] =	ssyncadd.remote.s32 $0x1  }
0xbe: {  	_ =	sfence.sel $0xFFFF  }
0xbf: {  	[dreg:$0x0] =	wrdreg $0xFFFFFFFF;
	(pc) =	sbr.abs _section_cstart, $3  }
0xc0: {  	[dreg:$0x1] =	wrdreg $0xFFFFFFFF  }
0xc1: {  	_ =	task.clear_ibuf [dreg:s6], $0x2FFFF;
	_ =	strace $0x9FFFFFFF  }
0xc2: {  	(tm) =	ssettm $0x7FFFFFFF  }
0xc3: {  	_ =	shalt  }
tec
execute0_lowered:
.L_overlay_start_1:
0x0: {  	(tag) =	ssettag $0x1  }
0x1: {  	s0 =	rddreg [dreg:$0x0]  }
0x2: {  	s2 =	rddreg [dreg:$0x1]  }
0x3: {  	s3 =	simm.s32 $0x0;
	s18 =	stileid.u32;
	s6 =	srdreg.scid  }
0x4: {  	s28 =	simm.s32 $0x1A180;
	s29 =	simm.s32 $0x16080;
	s30 =	simm.s32 $0x16100  }
0x5: {  	s31 =	simm.s32 $0x4;
	[smem:$0x7FF] =	sst s3;
	s14 =	smul.u32 $0x2800, s18  }
0x6: {  	s4 =	sadd.s32 $0x48600, s0;
	s5 =	sadd.s32 $0x6F800, s0;
	s11 =	smul.u32 $0x278, s18  }
0x7: {  	s6 =	sand.u32 $0x1, s6;
	s10 =	sadd.s32 $0x17400, s0;
	s15 =	smul.u32 $0x4F000, s18  }
0x8: {  	s16 =	sadd.s32 $0x96A00, s0;
	s17 =	sadd.s32 $0xBDC00, s0;
	s21 =	smul.u32 $0x500, s18  }
0x9: {  	p1 =	seq.s32 s18, $0xF;
	_ =	strace $0x8000004D;
	s8 =	ssub.s32 $0x2, s6  }
0xa: {  	p0 =	seq.s32 s6, $0x1;
	[dreg:$0x3] =	wrdreg s16;
	s3 =	sshrl.u32 s14, $0x3  }
0xb: {  	s9 =	sshrl.u32 s8, $0x1;
	s19 =	sadd.s32 $0x208, s11;
	s14 =	smul.u32 $0x2780, s18  }
0xc: {  	s20 =	sshrl.u32 s15, $0x2;
	s7 =	sadd.s32 s3, s0;
	s0 =	ssub.s32 s8, s9  }
0xd: {  	s11 =	sshll.u32 s19, $0x7;
	s9 =	sadd.s32 s20, s2;
	s12 =	sshll.u32 s19, $0x4  }
0xe: {  	s13 =	sadd.s32 s10, s3;
	s3 =	sadd.s32 s21, s10;
	s8 =	sadd.s32 $0x1C400, s7  }
0xf: {  	s1 =	sadd.s32 s4, s14;
	s11 =	sadd.s32 s11, s2;
	s22 =	sadd.s32 s4, s12  }
0x10: {  	s15 =	sadd.s32 $0x10, s13;
	s23 =	sadd.s32 s16, s14;
	[dreg:$0x4] =	wrdreg s1  }
0x11: {  	s24 =	sadd.s32 s5, s14;
	s25 =	sadd.s32 s5, s12;
	[dreg:$0x5] =	wrdreg s22  }
.Ltmp0:
0x12: {  	s26 =	sadd.s32 s17, s14;
	[dreg:$0x6] =	wrdreg s23;
	(pc) =	sbr.rel .LBB2_1-.Ltmp0, $4  }
0x13: {  	s20 =	smax.u32 s0, $0x1;
	s16 =	sadd.s32 $0x20, s3;
	[dreg:$0x7] =	wrdreg s24  }
0x14: {  	s0 =	simm.s32 $0x2;
	s3 =	simm.s32 $0x0;
	[dreg:$0x8] =	wrdreg s25  }
0x15: {  	s1 =	smov.u32 s17;
	[dreg:$0x9] =	wrdreg s26;
	s22 =	simm.s32 $0x13880  }
0x16: {  	s23 =	simm.s32 $0x5;
	s24 =	simm.s32 $0x7D;
	s26 =	simm.s32 $0x13900  }
.LBB2_12:
0x17: {  	s6 =	sadd.s32 s6, s12;
	s7 =	sshrl.u32 s11, $0x3  }
0x18: {  	[hbm:s6], [sflag:s10] =	dma.local [spmem:s7], $0x700  }
0x19: {  	_ =	swait.ge [sflag:s23], $0x700  }
0x1a: {  	[sflag:s23] =	ssyncset.done $0x0  }
0x1b: {  	[sflag:s23] =	ssyncadd.s32 $0xFFFFF900  }
.LBB2_13:
0x1c: {  	s3 =	sadd.s32 $0x1, s3  }
0x1d: {  	p2 =	sne.s32 s3, s20  }
.Ltmp1:
0x1e: {  	_ = 	snop;
	(pc) =	sbr.rel @!p2 .LBB2_14-.Ltmp1, $1  }
0x1f: {  	_ =	sdelay $0x3  }
.LBB2_1:
.Ltmp2:
0x20: {  	s6 =	simm.s32 $0x0;
	(pc) =	sbr.rel @!p0 .LBB2_2-.Ltmp2, $4  }
0x21: {  	[tilespmem:s22], [sflag:$0x5] =	stream.linear.gather [hbm4b:s8+s6], $0x2800, $0x38;
	[tilespmem:$0x1E180] =	vst v63  }
0x22: {  	s25 =	stileid.u32;
	_ =	swait.ge [sflag:s23], $0x2800  }
0x23: {  	s7 =	sshrl.u32 @!p1 s11, $0x3;
	s14 =	sshll.u32 s25, $0x6;
	[sflag:s23] =	ssyncset.done $0x0  }
0x24: {  	s6 =	sshrl.u32 s9, $0x3;
	s10 =	sor.u32 $0x1C05, s14;
	[sflag:s23] =	ssyncadd.s32 $0xFFFFD800  }
0x25: {  	s10 =	sor.u32 $0x1C05, s14;
	s21 =	rddreg [dreg:$0x7]  }
0x26: {  	[spmem:s6], [sflag:s10] =	dma.local [hbm:s21], $0x2080  }
0x27: {  	_ =	swait.ge [sflag:s23], $0x2080  }
0x28: {  	[sflag:s23] =	ssyncset.done $0x0  }
0x29: {  	s14 =	rddreg [dreg:$0x8];
	[sflag:s23] =	ssyncadd.s32 $0xFFFFDF80  }
0x2a: {  	[spmem:s7], [sflag:s10] =	dma.local @!p1 [hbm:s14], $0x700  }
0x2b: {  	s7 =	simm.s32 @!p1 $0x5  }
0x2c: {  	_ =	swait.ge @!p1 [sflag:s7], $0x700  }
0x2d: {  	[sflag:s7] =	ssyncset.done @!p1 $0x0  }
0x2e: {  	[sflag:s7] =	ssyncadd.s32 @!p1 $0xFFFFF900  }
0x2f: {  	s25 =	simm.s32 $0x16180;
	[bflag:$0x0] =	sbarrier.arrive $0xFFFF  }
0x30: {  	[tilespmem:s25], [sflag:$0x1] =	stream.indirect.gather [hbm4b:s5+s24], $0x80, s22, s24, $0xb8;
	[tilespmem:$0x1E180] =	vst v63  }
0x31: {  	_ = 	snop  }
0x32: {  	[tilespmem:s28], [sflag:$0x2] =	stream.indirect.gather [hbm4b:s5+s24], $0x80, s26, s24, $0xb8;
	[tilespmem:$0x1E180] =	vst v63  }
.Ltmp3:
0x33: {  	_ = 	snop;
	(pc) =	sbr.rel .LBB2_8-.Ltmp3, $4  }
0x34: {  	s14 =	simm.s32 $0x0  }
0x35: {  	[tilespmem:s29], [sflag:$0x3] =	stream.linear.gather [hbm4b:s13+s14], $0x80, $0x38;
	[tilespmem:$0x1E180] =	vst v63  }
0x36: {  	s21 =	smov.u32 s16;
	s7 =	simm.s32 $0x13980  }
0x37: {  	[tilespmem:s30], [sflag:$0x4] =	stream.linear.gather [hbm4b:s15+s14], $0x80, $0x38;
	[tilespmem:$0x1E180] =	vst v63  }
.LBB2_10:
0x38: {  	s14 =	sadd.s32 $0x1, s14  }
0x39: {  	p2 =	sne.s32 s14, $0x50  }
.Ltmp4:
0x3a: {  	_ = 	snop;
	(pc) =	sbr.rel @!p2 .LBB2_11-.Ltmp4, $2  }
0x3b: {  	_ =	sdelay $0x2  }
0x3c: {  	s21 =	sadd.s32 $0x10, s21;
	s7 =	sadd.s32 $0x80, s7  }
.LBB2_8:
0x3d: {  	s17 =	sand.u32 $0x1, s14  }
0x3e: {  	p2 =	seq.s32 s17, $0x1  }
0x3f: {  	s18 =	simm.s32 @!p2 $0x3  }
0x40: {  	_ =	swait.ge @!p2 [sflag:s18], $0x80  }
0x41: {  	[sflag:s18] =	ssyncset.done @!p2 $0x0  }
0x42: {  	[sflag:s18] =	ssyncadd.s32 @!p2 $0xFFFFFF80;
	s18 =	simm.s32 @!p2 $0x1  }
0x43: {  	_ =	swait.ge @!p2 [sflag:s18], $0x3E80  }
0x44: {  	s19 =	simm.s32 @!p2 $0x16080;
	[sflag:s18] =	ssyncset.done @!p2 $0x0  }
0x45: {  	s25 =	simm.s32 @!p2 $0x16180;
	[sflag:s18] =	ssyncadd.s32 @!p2 $0xFFFFC180;
	s18 =	simm.s32 @!p2 $0x7D  }
0x46: {  	[spmem:s2] =	stream.indirect.scatter.add.f32 @!p2 [tilespmem:s25], [sflag:$0x5], $0x80, s19, s18, $0xb8;
	[tilespmem:$0x1E180] =	vst v63  }
0x47: {  	s18 =	simm.s32 @!p2 $0x5  }
0x48: {  	p3 =	sgt.u32 @!p2 s14, $0x4D;
	_ =	swait.ge @!p2 [sflag:s18], $0x3E80  }
0x49: {  	p3 =	por p3, p2;
	[sflag:s18] =	ssyncset.done @!p2 $0x0  }
0x4a: {  	s19 =	simm.s32 @!p3 $0x16180;
	[sflag:s18] =	ssyncadd.s32 @!p2 $0xFFFFC180;
	s18 =	simm.s32 @!p3 $0x7D  }
0x4b: {  	[tilespmem:s19], [sflag:$0x1] =	stream.indirect.gather @!p3 [hbm4b:s5+s18], $0x80, s7, s18, $0xb8;
	[tilespmem:$0x1E180] =	vst v63  }
0x4c: {  	s18 =	simm.s32 @!p3 $0x0;
	s19 =	simm.s32 @!p3 $0x16080  }
0x4d: {  	[tilespmem:s19], [sflag:$0x3] =	stream.linear.gather @!p3 [hbm4b:s21+s18], $0x80, $0x38;
	[tilespmem:$0x1E180] =	vst v63  }
0x4e: {  	p3 =	seq.s32 @!p2 s17, $0x0  }
0x4f: {  	p2 =	por p2, !p3  }
.Ltmp5:
0x50: {  	_ = 	snop;
	(pc) =	sbr.rel @!p2 .LBB2_10-.Ltmp5, $1  }
0x51: {  	_ =	sdelay $0x3  }
0x52: {  	_ =	swait.ge [sflag:s31], $0x80  }
0x53: {  	[sflag:s31] =	ssyncset.done $0x0  }
0x54: {  	[sflag:s31] =	ssyncadd.s32 $0xFFFFFF80  }
0x55: {  	_ =	swait.ge [sflag:s0], $0x3E80  }
0x56: {  	[sflag:s0] =	ssyncset.done $0x0  }
0x57: {  	[sflag:s0] =	ssyncadd.s32 $0xFFFFC180  }
0x58: {  	[spmem:s2] =	stream.indirect.scatter.add.f32 [tilespmem:s28], [sflag:$0x5], $0x80, s30, s24, $0xb8;
	[tilespmem:$0x1E180] =	vst v63  }
0x59: {  	_ =	swait.ge [sflag:s23], $0x3E80  }
.Ltmp6:
0x5a: {  	p2 =	sgt.u32 s14, $0x4D;
	[sflag:s23] =	ssyncset.done $0x0;
	(pc) =	sbr.rel .LBB2_10-.Ltmp6, $4  }
0x5b: {  	s17 =	simm.s32 @!p2 $0x7D;
	s18 =	simm.s32 @!p2 $0x1A180;
	[sflag:s23] =	ssyncadd.s32 $0xFFFFC180  }
0x5c: {  	[tilespmem:s18], [sflag:$0x2] =	stream.indirect.gather @!p2 [hbm4b:s5+s17], $0x80, s7, s17, $0xb8;
	[tilespmem:$0x1E180] =	vst v63  }
0x5d: {  	s17 =	simm.s32 @!p2 $0x0;
	s18 =	simm.s32 @!p2 $0x16100  }
0x5e: {  	[tilespmem:s18], [sflag:$0x4] =	stream.linear.gather @!p2 [hbm4b:s21+s17], $0x80, $0x38;
	[tilespmem:$0x1E180] =	vst v63  }
.LBB2_2:
0x5f: {  	s14 =	rddreg [dreg:$0x4]  }
0x60: {  	[spmem:s6], [sflag:s10] =	dma.local [hbm:s14], $0x2080  }
0x61: {  	_ =	swait.ge [sflag:s23], $0x2080  }
0x62: {  	[sflag:s23] =	ssyncset.done $0x0  }
0x63: {  	s14 =	rddreg [dreg:$0x5];
	[sflag:s23] =	ssyncadd.s32 $0xFFFFDF80  }
0x64: {  	[spmem:s7], [sflag:s10] =	dma.local @!p1 [hbm:s14], $0x700  }
0x65: {  	s7 =	simm.s32 @!p1 $0x5  }
0x66: {  	_ =	swait.ge @!p1 [sflag:s7], $0x700  }
0x67: {  	[sflag:s7] =	ssyncset.done @!p1 $0x0  }
0x68: {  	[sflag:s7] =	ssyncadd.s32 @!p1 $0xFFFFF900  }
0x69: {  	s25 =	simm.s32 $0x16180;
	[bflag:$0x0] =	sbarrier.arrive $0xFFFF  }
0x6a: {  	[tilespmem:s25], [sflag:$0x1] =	stream.indirect.gather [hbm4b:s4+s24], $0x80, s22, s24, $0xb8;
	[tilespmem:$0x1E180] =	vst v63  }
0x6b: {  	_ = 	snop  }
0x6c: {  	[tilespmem:s28], [sflag:$0x2] =	stream.indirect.gather [hbm4b:s4+s24], $0x80, s26, s24, $0xb8;
	[tilespmem:$0x1E180] =	vst v63  }
.Ltmp7:
0x6d: {  	_ = 	snop;
	(pc) =	sbr.rel .LBB2_3-.Ltmp7, $4  }
0x6e: {  	s14 =	simm.s32 $0x0  }
0x6f: {  	[tilespmem:s29], [sflag:$0x3] =	stream.linear.gather [hbm4b:s13+s14], $0x80, $0x38;
	[tilespmem:$0x1E180] =	vst v63  }
0x70: {  	s21 =	smov.u32 s16;
	s7 =	simm.s32 $0x13980  }
0x71: {  	[tilespmem:s30], [sflag:$0x4] =	stream.linear.gather [hbm4b:s15+s14], $0x80, $0x38;
	[tilespmem:$0x1E180] =	vst v63  }
.LBB2_5:
0x72: {  	s14 =	sadd.s32 $0x1, s14  }
0x73: {  	p2 =	sne.s32 s14, $0x50  }
.Ltmp8:
0x74: {  	_ = 	snop;
	(pc) =	sbr.rel @!p2 .LBB2_6-.Ltmp8, $2  }
0x75: {  	_ =	sdelay $0x2  }
0x76: {  	s21 =	sadd.s32 $0x10, s21;
	s7 =	sadd.s32 $0x80, s7  }
.LBB2_3:
0x77: {  	s17 =	sand.u32 $0x1, s14  }
0x78: {  	p2 =	seq.s32 s17, $0x1  }
0x79: {  	s18 =	simm.s32 @!p2 $0x3  }
0x7a: {  	_ =	swait.ge @!p2 [sflag:s18], $0x80  }
0x7b: {  	[sflag:s18] =	ssyncset.done @!p2 $0x0  }
0x7c: {  	[sflag:s18] =	ssyncadd.s32 @!p2 $0xFFFFFF80;
	s18 =	simm.s32 @!p2 $0x1  }
0x7d: {  	_ =	swait.ge @!p2 [sflag:s18], $0x3E80  }
0x7e: {  	s19 =	simm.s32 @!p2 $0x16080;
	[sflag:s18] =	ssyncset.done @!p2 $0x0  }
0x7f: {  	s25 =	simm.s32 @!p2 $0x16180;
	[sflag:s18] =	ssyncadd.s32 @!p2 $0xFFFFC180;
	s18 =	simm.s32 @!p2 $0x7D  }
0x80: {  	[spmem:s2] =	stream.indirect.scatter.add.f32 @!p2 [tilespmem:s25], [sflag:$0x5], $0x80, s19, s18, $0xb8;
	[tilespmem:$0x1E180] =	vst v63  }
0x81: {  	s18 =	simm.s32 @!p2 $0x5  }
0x82: {  	p3 =	sgt.u32 @!p2 s14, $0x4D;
	_ =	swait.ge @!p2 [sflag:s18], $0x3E80  }
0x83: {  	p3 =	por p3, p2;
	[sflag:s18] =	ssyncset.done @!p2 $0x0  }
0x84: {  	s19 =	simm.s32 @!p3 $0x16180;
	[sflag:s18] =	ssyncadd.s32 @!p2 $0xFFFFC180;
	s18 =	simm.s32 @!p3 $0x7D  }
0x85: {  	[tilespmem:s19], [sflag:$0x1] =	stream.indirect.gather @!p3 [hbm4b:s4+s18], $0x80, s7, s18, $0xb8;
	[tilespmem:$0x1E180] =	vst v63  }
0x86: {  	s18 =	simm.s32 @!p3 $0x0;
	s19 =	simm.s32 @!p3 $0x16080  }
0x87: {  	[tilespmem:s19], [sflag:$0x3] =	stream.linear.gather @!p3 [hbm4b:s21+s18], $0x80, $0x38;
	[tilespmem:$0x1E180] =	vst v63  }
0x88: {  	p3 =	seq.s32 @!p2 s17, $0x0  }
0x89: {  	p2 =	por p2, !p3  }
.Ltmp9:
0x8a: {  	_ = 	snop;
	(pc) =	sbr.rel @!p2 .LBB2_5-.Ltmp9, $1  }
0x8b: {  	_ =	sdelay $0x3  }
0x8c: {  	_ =	swait.ge [sflag:s31], $0x80  }
0x8d: {  	[sflag:s31] =	ssyncset.done $0x0  }
0x8e: {  	[sflag:s31] =	ssyncadd.s32 $0xFFFFFF80  }
0x8f: {  	_ =	swait.ge [sflag:s0], $0x3E80  }
0x90: {  	[sflag:s0] =	ssyncset.done $0x0  }
0x91: {  	[sflag:s0] =	ssyncadd.s32 $0xFFFFC180  }
0x92: {  	[spmem:s2] =	stream.indirect.scatter.add.f32 [tilespmem:s28], [sflag:$0x5], $0x80, s30, s24, $0xb8;
	[tilespmem:$0x1E180] =	vst v63  }
0x93: {  	_ =	swait.ge [sflag:s23], $0x3E80  }
.Ltmp10:
0x94: {  	p2 =	sgt.u32 s14, $0x4D;
	[sflag:s23] =	ssyncset.done $0x0;
	(pc) =	sbr.rel .LBB2_5-.Ltmp10, $4  }
0x95: {  	s17 =	simm.s32 @!p2 $0x7D;
	s18 =	simm.s32 @!p2 $0x1A180;
	[sflag:s23] =	ssyncadd.s32 $0xFFFFC180  }
0x96: {  	[tilespmem:s18], [sflag:$0x2] =	stream.indirect.gather @!p2 [hbm4b:s4+s17], $0x80, s7, s17, $0xb8;
	[tilespmem:$0x1E180] =	vst v63  }
0x97: {  	s17 =	simm.s32 @!p2 $0x0;
	s18 =	simm.s32 @!p2 $0x16100  }
0x98: {  	[tilespmem:s18], [sflag:$0x4] =	stream.linear.gather @!p2 [hbm4b:s21+s17], $0x80, $0x38;
	[tilespmem:$0x1E180] =	vst v63  }
.LBB2_11:
0x99: {  	[bflag:$0x0] =	sbarrier.arrive $0xFFFF  }
0x9a: {  	s7 =	rddreg [dreg:$0x9]  }
0x9b: {  	[hbm:s7], [sflag:s10] =	dma.local [spmem:s6], $0x2080  }
.Ltmp11:
0x9c: {  	_ = 	snop;
	(pc) =	sbr.rel @p1 .LBB2_13-.Ltmp11, $4  }
.Ltmp12:
0x9d: {  	_ = 	snop;
	(pc) =	sbr.rel @!p1 .LBB2_12-.Ltmp12, $4  }
0x9e: {  	_ =	swait.ge [sflag:s23], $0x2080  }
0x9f: {  	[sflag:s23] =	ssyncset.done $0x0  }
0xa0: {  	s6 =	smov.u32 s1;
	[sflag:s23] =	ssyncadd.s32 $0xFFFFDF80  }
0xa1: {  	_ = 	snop  }
.LBB2_6:
0xa2: {  	[bflag:$0x0] =	sbarrier.arrive $0xFFFF  }
0xa3: {  	s7 =	rddreg [dreg:$0x6]  }
0xa4: {  	[hbm:s7], [sflag:s10] =	dma.local [spmem:s6], $0x2080  }
.Ltmp13:
0xa5: {  	_ = 	snop;
	(pc) =	sbr.rel @p1 .LBB2_13-.Ltmp13, $4  }
.Ltmp14:
0xa6: {  	_ = 	snop;
	(pc) =	sbr.rel @!p1 .LBB2_12-.Ltmp14, $4  }
0xa7: {  	_ =	swait.ge [sflag:s23], $0x2080  }
0xa8: {  	[sflag:s23] =	ssyncset.done $0x0  }
0xa9: {  	s6 =	rddreg [dreg:$0x3];
	[sflag:s23] =	ssyncadd.s32 $0xFFFFDF80  }
0xaa: {  	_ = 	snop  }
.LBB2_14:
0xab: {  	_ =	sfence.sel $0x180000  }
0xac: {  	[bflag:$0x0] =	sbarrier.arrive $0xFFFF  }
0xad: {  	_ =	strace $0x9000004D  }
0xae: {  	s0 =	stileid.u32;
	[bflag:$0x2] =	sbarrier.arrive $0xFFFF  }
0xaf: {  	p0 =	sne.s32 s0, $0x0;
	s0 =	rddreg [dreg:$0x2]  }
0xb0: {  	s0 =	sadd.s32 @!p0 $0x100000, s0  }
0xb1: {  	[sflag:s0] =	ssyncadd.tile.s32 @!p0 $0x1;
	_ =	shalt  }
.Lfunc_end2:
_tile_overlayer_lowered:
.L_overlay_start_2:
0xb2: {  	(tag) =	ssettag $0x2  }
0xb3: {  	s0 =	rddreg [dreg:$0x0];
	s2 =	stileid.u32  }
0xb4: {  	s1 =	rddreg [dreg:$0x1];
	p0 =	sne.s32 s2, $0x0  }
0xb5: {  	s3 =	rddreg [dreg:$0x2];
	[bflag:$0x3] =	sbarrier.arrive $0xFFFF;
	s2 =	simm.s32 @!p0 $0x1C05  }
0xb6: {  	[timem:s3], [sflag:s2] =	dma.local @!p0 [hbm:s0], s1  }
0xb7: {  	s0 =	simm.s32 @!p0 $0x5  }
0xb8: {  	_ =	swait.ge @!p0 [sflag:s0], s1  }
0xb9: {  	s1 =	ssub.s32 @!p0 $0x0, s1;
	[sflag:s0] =	ssyncset.done @!p0 $0x0  }
0xba: {  	[sflag:s0] =	ssyncadd.s32 @!p0 s1  }
0xbb: {  	[bflag:$0x3] =	sbarrier.arrive $0xFFFF  }
0xbc: {  	_ =	shalt  }

// kernel: kernel.20.cloned.1.call-start
scs
__scs_entry_jumppad:
0x0: {  	(pc) =	sbr.rel $0x88, $3  }
0x1: {  	(tag) =	ssettag $0x0;
	lr =	simm.s32 $0x1  }
0x2: {  	[smem:$0x3F95] =	sst lr;
	_ =	strace $0xD0000000  }
0x3: {  	_ = 	snop  }
0x4: {  	_ = 	snop  }
0x5: {  	_ = 	snop  }
0x6: {  	_ = 	snop  }
0x7: {  	_ = 	snop  }
__scs_overlays_trampoline_lowered:
0x8: {  	[smem:$0x3FA4] =	sst s0  }
0x9: {  	[smem:$0x3FA5] =	sst s1  }
0xa: {  	[smem:$0x3FA6] =	sst s2  }
0xb: {  	[smem:$0x3FA7] =	sst s3  }
0xc: {  	[smem:$0x3FA8] =	sst s4  }
0xd: {  	[smem:$0x3FA9] =	sst s5  }
0xe: {  	[smem:$0x3FAA] =	sst s6  }
0xf: {  	[smem:$0x3FAB] =	sst s7  }
0x10: {  	[smem:$0x3FAC] =	sst s8  }
0x11: {  	[smem:$0x3FAD] =	sst s9;
	s0 =	simm.s32 @!p0 $0x0  }
0x12: {  	s1 =	sld [smem:$0x3F93];
	s0 =	simm.s32 @p0 $0x1  }
0x13: {  	[smem:$0x3FAE] =	sst s0;
	s0 =	simm.s32 @!p1 $0x0  }
0x14: {  	s2 =	sld [smem:$0x3F92];
	s0 =	simm.s32 @p1 $0x1  }
0x15: {  	[smem:$0x3FAF] =	sst s0;
	s0 =	simm.s32 @!p2 $0x0  }
0x16: {  	s3 =	sld [smem:$0x3FDB];
	s0 =	simm.s32 @p2 $0x1  }
0x17: {  	s4 =	simm.s32 $0x1BF5;
	[smem:$0x3FB1] =	sst s0  }
0x18: {  	s0 =	sld [smem:$0x3F94];
	_ =	swait.ge [sflag:s4], $0x0  }
0x19: {  	s7 =	sld [smem:$0x3F95]  }
0x1a: {  	s8 =	sadd.s32 $0xFFFFE003, lr  }
0x1b: {  	s9 =	sadd.s32 $0xFFFFFEF7, lr;
	s5 =	simm.s32 $0xFFFFFFFF;
	p2 =	slt.u32 s8, $0xFFFFF086  }
0x1c: {  	p1 =	slt.u32 s9, $0xF7A;
	s5 =	simm.s32 @!p2 $0x0  }
0x1d: {  	s5 =	simm.s32 @p1 $0x1;
	p0 =	seq.s32 s7, s2  }
0x1e: {  	s7 =	smul.u32 @!p0 $0xF7A, s2;
	p2 =	seq.s32 @!p0 s5, $0x0  }
0x1f: {  	s9 =	smul.u32 $0xF7A, s1;
	s8 =	simm.s32 @!p0 $0x1BF5;
	p2 =	por !p2, p0  }
0x20: {  	[sflag:s8] =	ssyncset.s32 @!p0 $0xFFFFF086;
	s6 =	sadd.s32 @!p0 s3, s7;
	s7 =	simm.s32 @!p0 $0x108  }
0x21: {  	s3 =	sadd.s32 s3, s9;
	s6 =	sadd.s32 @!p0 $0x88, s6;
	s7 =	simm.s32 @p2 $0x1082  }
0x22: {  	[simem:s7], [sflag:s8] =	dma.local @!p0 [hbm:s6], $0xF7A  }
0x23: {  	s9 =	sor.u32 $0xD0000000, s2;
	s6 =	simm.s32 $0x108;
	_ =	swait.ge @!p0 [sflag:s8], $0x0  }
0x24: {  	s3 =	sadd.s32 $0x88, s3;
	s6 =	simm.s32 @!p1 $0x1082;
	[sflag:s4] =	ssyncset.s32 $0xFFFFF086  }
0x25: {  	[simem:s6], [sflag:s4] =	dma.local [hbm:s3], $0xF7A  }
0x26: {  	[smem:$0x3F95] =	sst s1;
	(tag) =	ssettag s2;
	_ =	strace s9  }
0x27: {  	s1 =	sld [smem:$0x3FA5]  }
0x28: {  	s2 =	sld [smem:$0x3FA6]  }
0x29: {  	s4 =	sld [smem:$0x3FA8]  }
0x2a: {  	p0 =	seq.s32 s5, $0x0;
	s5 =	sld [smem:$0x3FA9]  }
0x2b: {  	s6 =	sld [smem:$0x3FAA]  }
0x2c: {  	s7 =	sld [smem:$0x3FAB]  }
0x2d: {  	s3 =	simm.s32 $0x108;
	s8 =	sld [smem:$0x3FAC]  }
0x2e: {  	s3 =	simm.s32 @!p0 $0x1082;
	s9 =	sld [smem:$0x3FAD]  }
0x2f: {  	lr =	sadd.s32 s0, s3;
	s0 =	sld [smem:$0x3FA4]  }
0x30: {  	s3 =	sld [smem:$0x3FA7]  }
0x31: {  	[smem:$0x3FB0] =	sst s10  }
0x32: {  	s10 =	sld [smem:$0x3FAE];
	_ =	sdelay $0x3  }
0x33: {  	p0 =	seq.s32 s10, $0x1;
	s10 =	sld [smem:$0x3FB0];
	_ =	sdelay $0x3  }
0x34: {  	[smem:$0x3FB0] =	sst s10  }
0x35: {  	s10 =	sld [smem:$0x3FAF];
	_ =	sdelay $0x3  }
0x36: {  	p1 =	seq.s32 s10, $0x1;
	s10 =	sld [smem:$0x3FB0];
	_ =	sdelay $0x3  }
0x37: {  	[smem:$0x3FB0] =	sst s10  }
0x38: {  	s10 =	sld [smem:$0x3FB1]  }
0x39: {  	_ = 	snop;
	(pc) =	sbr.ind lr, $3  }
0x3a: {  	_ = 	snop  }
0x3b: {  	_ = 	snop  }
0x3c: {  	p2 =	seq.s32 s10, $0x1;
	s10 =	sld [smem:$0x3FB0]  }
0x3d: {  	_ =	shalt  }
0x3e: {  	_ =	shalt  }
0x3f: {  	_ =	shalt  }
0x40: {  	_ =	shalt  }
0x41: {  	_ =	shalt  }
0x42: {  	_ =	shalt  }
0x43: {  	_ =	shalt  }
0x44: {  	_ =	shalt  }
0x45: {  	_ =	shalt  }
0x46: {  	_ =	shalt  }
0x47: {  	_ =	shalt  }
0x48: {  	_ =	shalt  }
0x49: {  	_ =	shalt  }
0x4a: {  	_ =	shalt  }
0x4b: {  	_ =	shalt  }
0x4c: {  	_ =	shalt  }
0x4d: {  	_ =	shalt  }
0x4e: {  	_ =	shalt  }
0x4f: {  	_ =	shalt  }
0x50: {  	_ =	shalt  }
0x51: {  	_ =	shalt  }
0x52: {  	_ =	shalt  }
0x53: {  	_ =	shalt  }
0x54: {  	_ =	shalt  }
0x55: {  	_ =	shalt  }
0x56: {  	_ =	shalt  }
0x57: {  	_ =	shalt  }
0x58: {  	_ =	shalt  }
0x59: {  	_ =	shalt  }
0x5a: {  	_ =	shalt  }
0x5b: {  	_ =	shalt  }
0x5c: {  	_ =	shalt  }
0x5d: {  	_ =	shalt  }
0x5e: {  	_ =	shalt  }
0x5f: {  	_ =	shalt  }
0x60: {  	_ =	shalt  }
0x61: {  	_ =	shalt  }
0x62: {  	_ =	shalt  }
0x63: {  	_ =	shalt  }
0x64: {  	_ =	shalt  }
0x65: {  	_ =	shalt  }
0x66: {  	_ =	shalt  }
0x67: {  	_ =	shalt  }
0x68: {  	_ =	shalt  }
0x69: {  	_ =	shalt  }
0x6a: {  	_ =	shalt  }
0x6b: {  	_ =	shalt  }
0x6c: {  	_ =	shalt  }
0x6d: {  	_ =	shalt  }
0x6e: {  	_ =	shalt  }
0x6f: {  	_ =	shalt  }
0x70: {  	_ =	shalt  }
0x71: {  	_ =	shalt  }
0x72: {  	_ =	shalt  }
0x73: {  	_ =	shalt  }
0x74: {  	_ =	shalt  }
0x75: {  	_ =	shalt  }
0x76: {  	_ =	shalt  }
0x77: {  	_ =	shalt  }
0x78: {  	_ =	shalt  }
0x79: {  	_ =	shalt  }
0x7a: {  	_ =	shalt  }
0x7b: {  	_ =	shalt  }
0x7c: {  	_ =	shalt  }
0x7d: {  	_ =	shalt  }
0x7e: {  	_ =	shalt  }
0x7f: {  	_ =	shalt  }
0x80: {  	_ =	shalt  }
0x81: {  	_ =	shalt  }
0x82: {  	_ =	shalt  }
0x83: {  	_ =	shalt  }
0x84: {  	_ =	shalt  }
0x85: {  	_ =	shalt  }
0x86: {  	_ =	shalt  }
0x87: {  	_ =	shalt  }
.Lfunc_end0:
.L_simem_size_0:
called_computation.3_lowered:
.L_overlay_start_0:
0x88: {  	s2 =	sld [smem:$0x3FD9]  }
0x89: {  	s3 =	sld [smem:$0x3FFE];
	_ =	sdelay $0x1  }
0x8a: {  	s1 =	srdreg.scid  }
0x8b: {  	s0 =	sand.u32 $0x1, s1  }
0x8c: {  	s16 =	sshll.u32 s0, $0xA;
	s2 =	sadd.s32 s3, s2  }
0x8d: {  	s2 =	sadd.s32 s2, s16  }
0x8e: {  	[smem:$0x3FBC] =	sst s2  }
0x8f: {  	_ = 	snop  }
0x90: {  	(tm) =	ssettm $0x1  }
0x91: {  	s17 =	sld [smem:$0x3FFB];
	_ =	sdelay $0x3  }
0x92: {  	_ =	strace s17  }
0x93: {  	s2 =	sld [smem:$0x3FFC];
	_ =	sdelay $0x3  }
0x94: {  	_ =	strace s2  }
0x95: {  	s2 =	sld [smem:$0x3FFD];
	_ =	sdelay $0x3  }
0x96: {  	_ =	strace s2  }
0x97: {  	_ =	strace $0x8FFFFFFF  }
0x98: {  	s18 =	sld [smem:$0x3FDB];
	_ =	sdelay $0x1  }
0x99: {  	s19 =	simm.s32 $_scs_section_size  }
0x9a: {  	s4 =	simm.s32 $_size__tile_overlayer_lowered;
	s5 =	simm.s32 $_tile_overlayer_lowered  }
0x9b: {  	s22 =	simm.s32 $0x1BFF;
	s21 =	sshll.u32 s5, $0x1;
	s2 =	sadd.s32 s19, s18  }
0x9c: {  	s6 =	simm.s32 $0x0;
	s20 =	sshll.u32 s4, $0x1;
	s4 =	sadd.s32 s21, s2  }
0x9d: {  	[timem:s6], [sflag:s22] =	dma.local [hbm:s4], s20  }
0x9e: {  	_ =	swait.ge [sflag:s22], s20  }
0x9f: {  	s3 =	ssub.s32 $0x0, s20;
	[sflag:s22] =	ssyncset.done $0x0  }
0xa0: {  	[sflag:s22] =	ssyncadd.s32 s3;
	_ =	sdelay $0x1  }
0xa1: {  	s23 =	simm.s32 $0x1B8B  }
0xa2: {  	_ =	swait.ge [sflag:s23], $0x1  }
0xa3: {  	[sflag:s23] =	ssyncset.done $0x0  }
0xa4: {  	s25 =	simm.s32 $0x1B8E;
	s24 =	sld [smem:$0x3FFE];
	[sflag:s23] =	ssyncadd.s32 $0xFFFFFFFF  }
0xa5: {  	s26 =	simm.s32 $execute0_lowered;
	[smem:$0x3FD2] =	sst s25  }
0xa6: {  	s4 =	sshll.u32 s26, $0x1;
	_ =	strace $0x8000004F;
	[dreg:$0x1] =	wrdreg $0xFFFFFFFF  }
0xa7: {  	s28 =	simm.s32 $_size_execute0_lowered;
	s2 =	sadd.s32 s2, s4;
	[dreg:$0x0] =	wrdreg $0x0  }
0xa8: {  	s4 =	sshll.u32 s28, $0x1;
	[dreg:$0x2] =	wrdreg s2  }
0xa9: {  	[dreg:$0x3] =	wrdreg s4  }
0xaa: {  	[dreg:$0x4] =	wrdreg $0xC0  }
0xab: {  	_ =	task [dreg:s6], $0x5FFFF  }
0xac: {  	[dreg:$0x1] =	wrdreg $0xFFFFFFFF  }
0xad: {  	[dreg:$0x0] =	wrdreg $0x60  }
0xae: {  	[dreg:$0x2] =	wrdreg s24  }
0xaf: {  	[dreg:$0x3] =	wrdreg $0x9  }
0xb0: {  	_ =	task.clear_ibuf [dreg:s6], $0x4FFFF;
	_ =	strace $0x9000004F  }
0xb1: {  	s29 =	simm.s32 $0x9;
	_ =	strace $0x80000051  }
0xb2: {  	_ =	swait.ge [sflag:s29], $0x1  }
0xb3: {  	[sflag:s29] =	ssyncadd.s32 $0xFFFFFFFF  }
0xb4: {  	_ =	strace $0x90000051  }
0xb5: {  	_ =	sfence  }
0xb6: {  	s30 =	sld [smem:$0x0];
	_ =	sdelay $0x2  }
0xb7: {  	s31 =	sshll.u32 s1, $0xD;
	s1 =	sshrl.u32 s1, $0x2  }
0xb8: {  	s3 =	sand.u32 $0x4000, s31;
	s1 =	sadd.s32 s1, s30  }
0xb9: {  	s0 =	sor.u32 s3, s0;
	s1 =	sshll.u32 s1, $0x11  }
0xba: {  	s0 =	sor.u32 s1, s0  }
0xbb: {  	s0 =	sadd.s32 $0x8F2B, s0  }
0xbc: {  	[sflag:s0] =	ssyncadd.remote.s32 $0x1  }
0xbd: {  	_ =	sfence.sel $0xFFFF  }
0xbe: {  	[dreg:$0x0] =	wrdreg $0xFFFFFFFF;
	(pc) =	sbr.abs _section_cstart, $3  }
0xbf: {  	[dreg:$0x1] =	wrdreg $0xFFFFFFFF  }
0xc0: {  	_ =	task.clear_ibuf [dreg:s6], $0x2FFFF;
	_ =	strace $0x9FFFFFFF  }
0xc1: {  	(tm) =	ssettm $0x7FFFFFFF  }
tec
execute0_lowered:
.L_overlay_start_1:
0x0: {  	(tag) =	ssettag $0x1  }
0x1: {  	s1 =	srdreg.scid  }
0x2: {  	s0 =	stileid.u32;
	s4 =	rddreg [dreg:$0x0];
	s2 =	simm.s32 $0x0  }
0x3: {  	s3 =	sand.u32 $0x1, s1;
	s5 =	sshll.u32 s0, $0x1;
	s1 =	rddreg [dreg:$0x1]  }
0x4: {  	s10 =	simm.s32 $0x0;
	[smem:$0x7FF] =	sst s2;
	s5 =	sor.u32 s3, s5  }
0x5: {  	_ =	strace $0x80000050;
	s7 =	ssub.s32 $0x2, s3;
	s6 =	smul.u32 $0x271, s5  }
0x6: {  	s3 =	sadd.s32 $0xD600, s4;
	s5 =	smul.u32 $0x4E2, s5;
	s8 =	sshrl.u32 s7, $0x1  }
0x7: {  	s7 =	ssub.s32 s7, s8;
	s8 =	simm.s32 $0x2780;
	s6 =	sadd.s32 s6, s4  }
0x8: {  	s9 =	sadd.s32 s5, s4;
	s7 =	smax.u32 s7, $0x1;
	s4 =	sadd.s32 $0x8600, s6  }
0x9: {  	v0 =	vimm.f32 $0.0e+00;
	v1 =	vlaneseq.u32;
	s5 =	sadd.s32 $0x3600, s6;
	s6 =	sadd.s32 $0xDC00, s9;
	s9 =	simm.s32 $0x1  }
.LBB2_1:
0xa: {  	[tilespmem:s8], [sflag:$0x1] =	stream.linear.gather [hbm4b:s3+s2], $0x2780, $0x38;
	[tilespmem:$0x7700] =	vst v63  }
0xb: {  	_ =	swait.ge [sflag:s9], $0x2780  }
0xc: {  	[sflag:s9] =	ssyncset.done $0x0  }
0xd: {  	s11 =	simm.s32 $0x40;
	s12 =	simm.s32 $0x0;
	[sflag:s9] =	ssyncadd.s32 $0xFFFFD880  }
.LBB2_2:
0xe: {  	p0 =	sne.s32 s11, $0x9C00;
	[tilespmem:s12+$0x0] =	vst v0;
	s12 =	smov.u32 s11;
	s11 =	sadd.s32 $0x40, s11  }
.Ltmp0:
0xf: {  	(pc) =	sbr.rel @p0 .LBB2_2-.Ltmp0, $2  }
0x10: {  	_ =	sdelay $0x2  }
0x11: {  	s12 =	sshra.s32 s12, $0x2  }
0x12: {  	[tilespmem:s12+$0x0] =	vst v0;
	s30 =	simm.s32 $0x4F00  }
0x13: {  	[tilespmem:s30], [sflag:$0x1] =	stream.linear.gather [hbm4b:s4+s2], $0x1388, $0x38;
	[tilespmem:$0x7700] =	vst v63  }
0x14: {  	_ =	swait.ge [sflag:s9], $0x1388  }
0x15: {  	[sflag:s9] =	ssyncset.done $0x0  }
0x16: {  	s11 =	simm.s32 $0x6300;
	[sflag:s9] =	ssyncadd.s32 $0xFFFFEC78  }
0x17: {  	[tilespmem:s11], [sflag:$0x1] =	stream.linear.gather [hbm4b:s5+s2], $0x1388, $0x38;
	[tilespmem:$0x7700] =	vst v63  }
0x18: {  	_ =	swait.ge [sflag:s9], $0x1388  }
0x19: {  	[sflag:s9] =	ssyncset.done $0x0  }
0x1a: {  	[sflag:s9] =	ssyncadd.s32 $0xFFFFEC78  }
0x1b: {  	v2 =	vld [tilespmem:s30+$0x0];
	_ =	sdelay $0x4  }
0x1c: {  	vm0 =	vgt.s32 v2, $0x0  }
0x1d: {  	v3 =	vld [tilespmem:s11+$0x0];
	v2 =	vnsel vm0, $0x0, v2  }
0x1e: {  	v2 =	vmin.u32 v2, $0x270F;
	_ =	sdelay $0x3  }
0x1f: {  	vm14 =	vgt.s32 v3, $0x0  }
0x20: {  	v3 =	vnsel vm14, $0x0, v3;
	v2 =	vld.idx.msk [tilespmem:v2+s8+$0x0], $0xffff  }
0x21: {  	v3 =	vmin.u32 v3, $0x270F  }
0x22: {  	s31 =	simm.s32 $0x1388  }
0x23: {  	v4 =	vmov s31  }
0x24: {  	vm15 =	vgt.u32 v4, v1  }
0x25: {  	v2 =	vnsel vm15, $0x0, v2  }
0x26: {  	s13 =	simm.s32 $0x4F10;
	[tilespmem:v3+s2+$0x0] =	vst.idx.add.f32.msk $0xffff, v2  }
0x27: {  	s12 =	simm.s32 $0x1378;
	s14 =	simm.s32 $0x1368;
	v2 =	vld [tilespmem:s13+$0x0]  }
.LBB2_4:
0x28: {  	p0 =	sne.s32 s14, $0x8;
	_ =	sdelay $0x3  }
0x29: {  	vm0 =	vgt.s32 v2, $0x0  }
0x2a: {  	s11 =	sadd.s32 $0x10, s11;
	v2 =	vnsel vm0, $0x0, v2  }
0x2b: {  	v2 =	vmin.u32 v2, $0x270F;
	v3 =	vld [tilespmem:s11+$0x0];
	_ =	sdelay $0x4  }
0x2c: {  	vm0 =	vgt.s32 v3, $0x0;
	v2 =	vld.idx.msk [tilespmem:v2+s8+$0x0], $0xffff  }
0x2d: {  	v3 =	vnsel vm0, $0x0, v3  }
0x2e: {  	v3 =	vmin.u32 v3, $0x270F;
	_ =	sdelay $0x1  }
.Ltmp1:
0x2f: {  	v4 =	vmov s12;
	s12 =	smov.u32 s14;
	(pc) =	sbr.rel @p0 .LBB2_4-.Ltmp1, $4  }
0x30: {  	vm0 =	vgt.u32 v4, v1  }
0x31: {  	v2 =	vnsel vm0, $0x0, v2  }
0x32: {  	s13 =	sadd.s32 $0x10, s13;
	[tilespmem:v3+s2+$0x0] =	vst.idx.add.f32.msk $0xffff, v2  }
0x33: {  	s14 =	sadd.s32 $0xFFFFFFF0, s14;
	v2 =	vld [tilespmem:s13+$0x0]  }
0x34: {  	_ =	sdelay $0x3  }
0x35: {  	s11 =	sadd.s32 $0x10, s11;
	vm0 =	vgt.s32 v2, $0x0  }
0x36: {  	v3 =	vld [tilespmem:s11+$0x0];
	v2 =	vnsel vm0, $0x0, v2  }
0x37: {  	v2 =	vmin.u32 v2, $0x270F;
	_ =	sdelay $0x3  }
0x38: {  	vm14 =	vgt.s32 v3, $0x0  }
0x39: {  	v3 =	vnsel vm14, $0x0, v3;
	v2 =	vld.idx.msk [tilespmem:v2+s8+$0x0], $0xffff  }
0x3a: {  	v3 =	vmin.u32 v3, $0x270F;
	_ =	sdelay $0x1  }
0x3b: {  	v4 =	vmov s12  }
0x3c: {  	s10 =	sadd.s32 $0x1, s10;
	vm15 =	vgt.u32 v4, v1  }
0x3d: {  	p0 =	sne.s32 s10, s7;
	v2 =	vnsel vm15, $0x0, v2  }
.Ltmp2:
0x3e: {  	[tilespmem:v3+s2+$0x0] =	vst.idx.add.f32.msk $0xffff, v2;
	(pc) =	sbr.rel @p0 .LBB2_1-.Ltmp2, $4  }
0x3f: {  	[hbm4b:s6+s2] =	stream.linear.scatter [tilespmem:s2], [sflag:$0x1], $0x2710, $0x38;
	[tilespmem:$0x7700] =	vst v63  }
0x40: {  	_ =	swait.ge [sflag:s9], $0x2710  }
0x41: {  	[sflag:s9] =	ssyncset.done $0x0  }
0x42: {  	[sflag:s9] =	ssyncadd.s32 $0xFFFFD8F0  }
0x43: {  	_ =	sfence.sel $0x180000  }
0x44: {  	[bflag:$0x0] =	sbarrier.arrive $0xFFFF  }
0x45: {  	p0 =	sne.s32 s0, $0x0;
	_ =	strace $0x90000050  }
0x46: {  	s0 =	sadd.s32 @!p0 $0x100000, s1;
	[bflag:$0x2] =	sbarrier.arrive $0xFFFF  }
0x47: {  	[sflag:s0] =	ssyncadd.tile.s32 @!p0 $0x1;
	_ =	shalt  }
.Lfunc_end2:
_tile_overlayer_lowered:
.L_overlay_start_2:
0x48: {  	(tag) =	ssettag $0x2  }
0x49: {  	s0 =	rddreg [dreg:$0x0];
	s2 =	stileid.u32  }
0x4a: {  	s1 =	rddreg [dreg:$0x1];
	p0 =	sne.s32 s2, $0x0  }
0x4b: {  	s3 =	rddreg [dreg:$0x2];
	[bflag:$0x3] =	sbarrier.arrive $0xFFFF;
	s2 =	simm.s32 @!p0 $0x1C01  }
0x4c: {  	[timem:s3], [sflag:s2] =	dma.local @!p0 [hbm:s0], s1  }
0x4d: {  	s0 =	simm.s32 @!p0 $0x1  }
0x4e: {  	_ =	swait.ge @!p0 [sflag:s0], s1  }
0x4f: {  	s1 =	ssub.s32 @!p0 $0x0, s1;
	[sflag:s0] =	ssyncset.done @!p0 $0x0  }
0x50: {  	[sflag:s0] =	ssyncadd.s32 @!p0 s1  }
0x51: {  	[bflag:$0x3] =	sbarrier.arrive $0xFFFF  }
0x52: {  	_ =	shalt  }

</sc_bundles>
